<compile_context>
chip_gen: v7x
topology: tpu7x:2x2x1
jax: 0.10.2.dev20260603
libtpu: 0.0.44.dev20260713+nightly
codegen_flags: <defaults>
</compile_context>

<pallas_src>
import functools
import math

import jax
import jax.numpy as jnp
from jax import lax
from jax.experimental import pallas as pl
from jax.experimental.pallas import tpu as pltpu
from jax.experimental.pallas import tpu_sc as plsc

VOCAB = 100000
D = 128
SCALE = math.sqrt(D)

_info = plsc.get_sparse_core_info()
NC, NS = _info.num_cores, _info.num_subcores
NW = NC * NS

B_TOTAL = 4096 * 200
B_PER_W = B_TOTAL // NW
CHUNK = 200
N_CHUNKS = B_PER_W // CHUNK
NBUF = 4


def _gather_body(table_hbm, idx_hbm, out_hbm, idx_v,
                 buf0, buf1, buf2, buf3,
                 g0, g1, g2, g3, o0, o1, o2, o3):
    wid = lax.axis_index("s") * NC + lax.axis_index("c")
    base = wid * B_PER_W
    bufs = (buf0, buf1, buf2, buf3)
    gsems = (g0, g1, g2, g3)
    osems = (o0, o1, o2, o3)

    pltpu.sync_copy(idx_hbm.at[pl.ds(base, B_PER_W)], idx_v)

    def g_start(i, b):
        pltpu.async_copy(table_hbm.at[idx_v.at[pl.ds(i * CHUNK, CHUNK)]],
                         bufs[b], gsems[b])

    def g_wait(b):
        pltpu.make_async_copy(table_hbm.at[idx_v.at[pl.ds(0, CHUNK)]],
                              bufs[b], gsems[b]).wait()

    def o_start(i, b):
        pltpu.async_copy(bufs[b], out_hbm.at[pl.ds(base + i * CHUNK, CHUNK)],
                         osems[b])

    def o_wait(b):
        pltpu.make_async_copy(bufs[b], out_hbm.at[pl.ds(base, CHUNK)],
                              osems[b]).wait()

    def scale(buf):
        def rows(k, carry):
            r = k * 4
            for dr in range(4):
                for j in range(8):
                    sl = (r + dr, pl.ds(j * 16, 16))
                    buf[sl] = buf[sl] * SCALE
            return carry

        lax.fori_loop(0, CHUNK // 4, rows, 0)

    g_start(0, 0)
    g_start(1, 1)

    def outer(k, carry):
        i0 = k * NBUF
        for b in range(NBUF):
            i = i0 + b
            b2 = (b + 2) % NBUF
            g_wait(b)

            @pl.when(i + 2 < N_CHUNKS)
            def _():
                @pl.when(i >= 2)
                def _():
                    o_wait(b2)

                g_start(i + 2, b2)

            scale(bufs[b])
            o_start(i, b)
        return carry

    lax.fori_loop(0, N_CHUNKS // NBUF, outer, 0)
    for b in range(NBUF):
        o_wait(b)


_gather = functools.partial(
    pl.kernel,
    mesh=plsc.VectorSubcoreMesh(core_axis_name="c", subcore_axis_name="s"),
    out_type=jax.ShapeDtypeStruct((B_TOTAL, D), jnp.float32),
    scratch_types=[
        pltpu.VMEM((B_PER_W,), jnp.int32),
        pltpu.VMEM((CHUNK, D), jnp.float32),
        pltpu.VMEM((CHUNK, D), jnp.float32),
        pltpu.VMEM((CHUNK, D), jnp.float32),
        pltpu.VMEM((CHUNK, D), jnp.float32),
        pltpu.SemaphoreType.DMA,
        pltpu.SemaphoreType.DMA,
        pltpu.SemaphoreType.DMA,
        pltpu.SemaphoreType.DMA,
        pltpu.SemaphoreType.DMA,
        pltpu.SemaphoreType.DMA,
        pltpu.SemaphoreType.DMA,
        pltpu.SemaphoreType.DMA,
    ],
)(_gather_body)


def kernel(x, table):
    idx = x.reshape(-1).astype(jnp.int32)
    out = _gather(table, idx)
    return out.reshape(x.shape + (D,))

# --- scband reference (transcript-rebuilt; emitter-appended) ---
"""Pipeline reference for scband-shared-embeddings-58772332478888 (READ-ONLY COPY).

The authoritative reference and input builder live on the scoring server;
editing this copy changes nothing except your own understanding.
"""

import jax, jax.numpy as jnp
import numpy as np
import math

VOCAB = 100000
D_MODEL = 128

def setup_inputs(seed: int = 0) -> dict:
    key = jax.random.key(seed)
    k1, k2 = jax.random.split(key)
    x = jax.random.randint(k1, (4096, 200), 0, VOCAB, dtype=jnp.int64 if jax.config.jax_enable_x64 else jnp.int32)
    # embedding table initialized with std = d_model ** -0.5, matching nn.init.normal_
    table = jax.random.normal(k2, (VOCAB, D_MODEL), dtype=jnp.float32) * (D_MODEL ** -0.5)
    return {"x": x, "table": table}

def reference(x, table):
    # SharedEmbeddings.forward: embedding lookup scaled by sqrt(d_model)
    emb = jnp.take(table, x, axis=0)
    return emb * math.sqrt(D_MODEL)

if __name__ == "__main__":
    import jax
    _d = setup_inputs()
    print(jax.jit(kernel)(*tuple(_d.values())))

</pallas_src>

<mosaic_0001>
#map = affine_map<(d0, d1) -> (0, 0)>
#map1 = affine_map<(d0, d1) -> (0)>
module attributes {stable_mosaic.version = 14 : i64} {
  func.func @_gather_body(%arg0: i32, %arg1: i32, %arg2: memref<100000x128xf32, #tpu.memory_space<hbm>>, %arg3: memref<819200xi32, #tpu.memory_space<hbm>>, %arg4: memref<819200x128xf32, #tpu.memory_space<hbm>>, %arg5: memref<25600xi32, #tpu.memory_space<vmem>>, %arg6: memref<200x128xf32, #tpu.memory_space<vmem>>, %arg7: memref<200x128xf32, #tpu.memory_space<vmem>>, %arg8: memref<200x128xf32, #tpu.memory_space<vmem>>, %arg9: memref<200x128xf32, #tpu.memory_space<vmem>>, %arg10: memref<!tpu.dma_semaphore, #tpu.memory_space<semaphore_mem>>, %arg11: memref<!tpu.dma_semaphore, #tpu.memory_space<semaphore_mem>>, %arg12: memref<!tpu.dma_semaphore, #tpu.memory_space<semaphore_mem>>, %arg13: memref<!tpu.dma_semaphore, #tpu.memory_space<semaphore_mem>>, %arg14: memref<!tpu.dma_semaphore, #tpu.memory_space<semaphore_mem>>, %arg15: memref<!tpu.dma_semaphore, #tpu.memory_space<semaphore_mem>>, %arg16: memref<!tpu.dma_semaphore, #tpu.memory_space<semaphore_mem>>, %arg17: memref<!tpu.dma_semaphore, #tpu.memory_space<semaphore_mem>>) attributes {dimension_semantics = [#tpu.dimension_semantics<core_parallel>, #tpu.dimension_semantics<subcore_parallel>], iteration_bounds = array<i64: 2, 16>, scalar_prefetch = 0 : i64, scratch_operands = 13 : i64, tpu.core_type = #tpu.core_type<sc_vector_subcore>, window_params = [{transform_indices = #map}, {transform_indices = #map1}, {transform_indices = #map}]} {
    %mul3A = arith.constant 2 : i32
    %mul3A_0 = arith.muli %arg1, %mul3A : i32
    %add3A = arith.addi %mul3A_0, %arg0 : i32
    %mul3A_1 = arith.constant 25600 : i32
    %mul3A_2 = arith.muli %add3A, %mul3A_1 : i32
    "tpu.region"() ({
      %run_scoped3A = tpu.sem_alloc : memref<!tpu.dma_semaphore, #tpu.memory_space<semaphore_mem>>
      %dma_start3A_32 = tpu.memref_slice %arg3[%mul3A_2] : memref<819200xi32, #tpu.memory_space<hbm>> -> memref<25600xi32, #tpu.memory_space<hbm>>
      %dma_start3A_33 = tpu.memref_slice %arg3[%mul3A_2] : memref<819200xi32, #tpu.memory_space<hbm>> -> memref<25600xi32, #tpu.memory_space<hbm>>
      tpu.enqueue_dma source(%dma_start3A_33 : memref<25600xi32, #tpu.memory_space<hbm>>) target(%arg5 : memref<25600xi32, #tpu.memory_space<vmem>>) target_semaphore(%run_scoped3A : memref<!tpu.dma_semaphore, #tpu.memory_space<semaphore_mem>>)
      %dma_wait3A_34 = tpu.memref_slice %arg3[%mul3A_2] : memref<819200xi32, #tpu.memory_space<hbm>> -> memref<25600xi32, #tpu.memory_space<hbm>>
      %dma_wait3A_35 = tpu.memref_slice %arg3[%mul3A_2] : memref<819200xi32, #tpu.memory_space<hbm>> -> memref<25600xi32, #tpu.memory_space<hbm>>
      tpu.wait_dma2 semaphore(%run_scoped3A : memref<!tpu.dma_semaphore, #tpu.memory_space<semaphore_mem>>) src(%dma_wait3A_35 : memref<25600xi32, #tpu.memory_space<hbm>>) dst(%arg5 : memref<25600xi32, #tpu.memory_space<vmem>>)
      tpu.yield
    }) : () -> ()
    %dma_start3A = arith.constant 0 : i32
    %dma_start3A_3 = tpu.memref_slice %arg5[%dma_start3A] : memref<25600xi32, #tpu.memory_space<vmem>> -> memref<200xi32, #tpu.memory_space<vmem>>
    %dma_start3A_4 = arith.constant 0 : i32
    %dma_start3A_5 = arith.constant 0 : i32
    %dma_start3A_6 = tpu.memref_slice %arg2[%dma_start3A_4, %dma_start3A_5] : memref<100000x128xf32, #tpu.memory_space<hbm>> -> memref<100000x128xf32, #tpu.memory_space<hbm>>
    tpu.enqueue_indirect_dma source(%dma_start3A_6 : memref<100000x128xf32, #tpu.memory_space<hbm>>) target(%arg6 : memref<200x128xf32, #tpu.memory_space<vmem>>) offsets(%dma_start3A_3 : memref<200xi32, #tpu.memory_space<vmem>>) semaphore(%arg10 : memref<!tpu.dma_semaphore, #tpu.memory_space<semaphore_mem>>)
    %dma_start3A_7 = arith.constant 200 : i32
    %dma_start3A_8 = tpu.memref_slice %arg5[%dma_start3A_7] : memref<25600xi32, #tpu.memory_space<vmem>> -> memref<200xi32, #tpu.memory_space<vmem>>
    %dma_start3A_9 = arith.constant 0 : i32
    %dma_start3A_10 = arith.constant 0 : i32
    %dma_start3A_11 = tpu.memref_slice %arg2[%dma_start3A_9, %dma_start3A_10] : memref<100000x128xf32, #tpu.memory_space<hbm>> -> memref<100000x128xf32, #tpu.memory_space<hbm>>
    tpu.enqueue_indirect_dma source(%dma_start3A_11 : memref<100000x128xf32, #tpu.memory_space<hbm>>) target(%arg7 : memref<200x128xf32, #tpu.memory_space<vmem>>) offsets(%dma_start3A_8 : memref<200xi32, #tpu.memory_space<vmem>>) semaphore(%arg11 : memref<!tpu.dma_semaphore, #tpu.memory_space<semaphore_mem>>)
    %scan3A = arith.constant 0 : i32
    %scan3A_12 = arith.constant 0 : i32
    %scan3A_13 = arith.constant 32 : i32
    %scan3A_14 = arith.addi %scan3A_12, %scan3A_13 : i32
    %scan3A_15 = arith.constant 1 : i32
    scf.for %scan3A_32 = %scan3A_12 to %scan3A_14 step %scan3A_15  : i32 {
      %mul3A_33 = arith.constant 4 : i32
      %mul3A_34 = arith.muli %scan3A_32, %mul3A_33 : i32
      %add3A_35 = arith.constant 0 : i32
      %add3A_36 = arith.addi %mul3A_34, %add3A_35 : i32
      %dma_wait3A_37 = arith.constant 0 : i32
      %dma_wait3A_38 = tpu.memref_slice %arg5[%dma_wait3A_37] : memref<25600xi32, #tpu.memory_space<vmem>> -> memref<200xi32, #tpu.memory_space<vmem>>
      %dma_wait3A_39 = arith.constant 0 : i32
      %dma_wait3A_40 = arith.constant 0 : i32
      %dma_wait3A_41 = tpu.memref_slice %arg2[%dma_wait3A_39, %dma_wait3A_40] : memref<100000x128xf32, #tpu.memory_space<hbm>> -> memref<100000x128xf32, #tpu.memory_space<hbm>>
      tpu.wait_indirect_dma semaphore(%arg10 : memref<!tpu.dma_semaphore, #tpu.memory_space<semaphore_mem>>) src(%dma_wait3A_41 : memref<100000x128xf32, #tpu.memory_space<hbm>>) dst(%arg6 : memref<200x128xf32, #tpu.memory_space<vmem>>)
      %add3A_42 = arith.constant 2 : i32
      %add3A_43 = arith.addi %add3A_36, %add3A_42 : i32
      %lt3A = arith.constant 128 : i32
      %lt3A_44 = arith.cmpi slt, %add3A_43, %lt3A : i32
      %convert_element_type3A = arith.extui %lt3A_44 : i1 to i32
      %cond3A = arith.constant 0 : i32
      %cond3A_45 = arith.cmpi ne, %convert_element_type3A, %cond3A : i32
      scf.if %cond3A_45 {
        %ge3A = arith.constant 2 : i32
        %ge3A_140 = arith.cmpi sge, %add3A_36, %ge3A : i32
        %convert_element_type3A_141 = arith.extui %ge3A_140 : i1 to i32
        %cond3A_142 = arith.constant 0 : i32
        %cond3A_143 = arith.cmpi ne, %convert_element_type3A_141, %cond3A_142 : i32
        scf.if %cond3A_143 {
          %dma_wait3A_152 = arith.constant 0 : i32
          %dma_wait3A_153 = tpu.memref_slice %arg4[%mul3A_2, %dma_wait3A_152] : memref<819200x128xf32, #tpu.memory_space<hbm>> -> memref<200x128xf32, #tpu.memory_space<hbm>>
          %dma_wait3A_154 = arith.constant 0 : i32
          %dma_wait3A_155 = tpu.memref_slice %arg4[%mul3A_2, %dma_wait3A_154] : memref<819200x128xf32, #tpu.memory_space<hbm>> -> memref<200x128xf32, #tpu.memory_space<hbm>>
          tpu.wait_dma2 semaphore(%arg16 : memref<!tpu.dma_semaphore, #tpu.memory_space<semaphore_mem>>) src(%arg8 : memref<200x128xf32, #tpu.memory_space<vmem>>) dst(%dma_wait3A_155 : memref<200x128xf32, #tpu.memory_space<hbm>>)
        } else {
        }
        %add3A_144 = arith.constant 2 : i32
        %add3A_145 = arith.addi %add3A_36, %add3A_144 : i32
        %mul3A_146 = arith.constant 200 : i32
        %mul3A_147 = arith.muli %add3A_145, %mul3A_146 : i32
        %dma_start3A_148 = tpu.memref_slice %arg5[%mul3A_147] : memref<25600xi32, #tpu.memory_space<vmem>> -> memref<200xi32, #tpu.memory_space<vmem>>
        %dma_start3A_149 = arith.constant 0 : i32
        %dma_start3A_150 = arith.constant 0 : i32
        %dma_start3A_151 = tpu.memref_slice %arg2[%dma_start3A_149, %dma_start3A_150] : memref<100000x128xf32, #tpu.memory_space<hbm>> -> memref<100000x128xf32, #tpu.memory_space<hbm>>
        tpu.enqueue_indirect_dma source(%dma_start3A_151 : memref<100000x128xf32, #tpu.memory_space<hbm>>) target(%arg8 : memref<200x128xf32, #tpu.memory_space<vmem>>) offsets(%dma_start3A_148 : memref<200xi32, #tpu.memory_space<vmem>>) semaphore(%arg12 : memref<!tpu.dma_semaphore, #tpu.memory_space<semaphore_mem>>)
      } else {
      }
      %scan3A_46 = arith.constant 0 : i32
      %scan3A_47 = arith.constant 0 : i32
      %scan3A_48 = arith.constant 50 : i32
      %scan3A_49 = arith.addi %scan3A_47, %scan3A_48 : i32
      %scan3A_50 = arith.constant 1 : i32
      scf.for %scan3A_140 = %scan3A_47 to %scan3A_49 step %scan3A_50  : i32 {
        %mul3A_141 = arith.constant 4 : i32
        %mul3A_142 = arith.muli %scan3A_140, %mul3A_141 : i32
        %add3A_143 = arith.constant 0 : i32
        %add3A_144 = arith.addi %mul3A_142, %add3A_143 : i32
        %get3A = arith.index_cast %add3A_144 : i32 to index
        %get3A_145 = arith.constant 0 : index
        %get3A_146 = tpu.vector_load %arg6[%get3A, %get3A_145] {strides = array<i32>} : memref<200x128xf32, #tpu.memory_space<vmem>>, vector<1x16xf32>,
        %get3A_147 = vector.shape_cast %get3A_146 : vector<1x16xf32> to vector<16xf32>
        %mul3A_148 = arith.constant 11.3137083 : f32
        %mul3A_149 = vector.broadcast %mul3A_148 : f32 to vector<16xf32>
        %mul3A_150 = arith.mulf %get3A_147, %mul3A_149 : vector<16xf32>
        %swap3A = arith.index_cast %add3A_144 : i32 to index
        %swap3A_151 = arith.constant 0 : index
        %swap3A_152 = tpu.vector_load %arg6[%swap3A, %swap3A_151] {strides = array<i32>} : memref<200x128xf32, #tpu.memory_space<vmem>>, vector<1x16xf32>,
        %swap3A_153 = vector.shape_cast %swap3A_152 : vector<1x16xf32> to vector<16xf32>
        %swap3A_154 = vector.shape_cast %mul3A_150 : vector<16xf32> to vector<1x16xf32>
        tpu.vector_store %arg6[%swap3A, %swap3A_151], %swap3A_154 {strides = array<i32>} : memref<200x128xf32, #tpu.memory_space<vmem>>, vector<1x16xf32>,
        %add3A_155 = arith.constant 0 : i32
        %add3A_156 = arith.addi %mul3A_142, %add3A_155 : i32
        %get3A_157 = arith.index_cast %add3A_156 : i32 to index
        %get3A_158 = arith.constant 16 : index
        %get3A_159 = tpu.vector_load %arg6[%get3A_157, %get3A_158] {strides = array<i32>} : memref<200x128xf32, #tpu.memory_space<vmem>>, vector<1x16xf32>,
        %get3A_160 = vector.shape_cast %get3A_159 : vector<1x16xf32> to vector<16xf32>
        %mul3A_161 = arith.constant 11.3137083 : f32
        %mul3A_162 = vector.broadcast %mul3A_161 : f32 to vector<16xf32>
        %mul3A_163 = arith.mulf %get3A_160, %mul3A_162 : vector<16xf32>
        %swap3A_164 = arith.index_cast %add3A_156 : i32 to index
        %swap3A_165 = arith.constant 16 : index
        %swap3A_166 = tpu.vector_load %arg6[%swap3A_164, %swap3A_165] {strides = array<i32>} : memref<200x128xf32, #tpu.memory_space<vmem>>, vector<1x16xf32>,
        %swap3A_167 = vector.shape_cast %swap3A_166 : vector<1x16xf32> to vector<16xf32>
        %swap3A_168 = vector.shape_cast %mul3A_163 : vector<16xf32> to vector<1x16xf32>
        tpu.vector_store %arg6[%swap3A_164, %swap3A_165], %swap3A_168 {strides = array<i32>} : memref<200x128xf32, #tpu.memory_space<vmem>>, vector<1x16xf32>,
        %add3A_169 = arith.constant 0 : i32
        %add3A_170 = arith.addi %mul3A_142, %add3A_169 : i32
        %get3A_171 = arith.index_cast %add3A_170 : i32 to index
        %get3A_172 = arith.constant 32 : index
        %get3A_173 = tpu.vector_load %arg6[%get3A_171, %get3A_172] {strides = array<i32>} : memref<200x128xf32, #tpu.memory_space<vmem>>, vector<1x16xf32>,
        %get3A_174 = vector.shape_cast %get3A_173 : vector<1x16xf32> to vector<16xf32>
        %mul3A_175 = arith.constant 11.3137083 : f32
        %mul3A_176 = vector.broadcast %mul3A_175 : f32 to vector<16xf32>
        %mul3A_177 = arith.mulf %get3A_174, %mul3A_176 : vector<16xf32>
        %swap3A_178 = arith.index_cast %add3A_170 : i32 to index
        %swap3A_179 = arith.constant 32 : index
        %swap3A_180 = tpu.vector_load %arg6[%swap3A_178, %swap3A_179] {strides = array<i32>} : memref<200x128xf32, #tpu.memory_space<vmem>>, vector<1x16xf32>,
        %swap3A_181 = vector.shape_cast %swap3A_180 : vector<1x16xf32> to vector<16xf32>
        %swap3A_182 = vector.shape_cast %mul3A_177 : vector<16xf32> to vector<1x16xf32>
        tpu.vector_store %arg6[%swap3A_178, %swap3A_179], %swap3A_182 {strides = array<i32>} : memref<200x128xf32, #tpu.memory_space<vmem>>, vector<1x16xf32>,
        %add3A_183 = arith.constant 0 : i32
        %add3A_184 = arith.addi %mul3A_142, %add3A_183 : i32
        %get3A_185 = arith.index_cast %add3A_184 : i32 to index
        %get3A_186 = arith.constant 48 : index
        %get3A_187 = tpu.vector_load %arg6[%get3A_185, %get3A_186] {strides = array<i32>} : memref<200x128xf32, #tpu.memory_space<vmem>>, vector<1x16xf32>,
        %get3A_188 = vector.shape_cast %get3A_187 : vector<1x16xf32> to vector<16xf32>
        %mul3A_189 = arith.constant 11.3137083 : f32
        %mul3A_190 = vector.broadcast %mul3A_189 : f32 to vector<16xf32>
        %mul3A_191 = arith.mulf %get3A_188, %mul3A_190 : vector<16xf32>
        %swap3A_192 = arith.index_cast %add3A_184 : i32 to index
        %swap3A_193 = arith.constant 48 : index
        %swap3A_194 = tpu.vector_load %arg6[%swap3A_192, %swap3A_193] {strides = array<i32>} : memref<200x128xf32, #tpu.memory_space<vmem>>, vector<1x16xf32>,
        %swap3A_195 = vector.shape_cast %swap3A_194 : vector<1x16xf32> to vector<16xf32>
        %swap3A_196 = vector.shape_cast %mul3A_191 : vector<16xf32> to vector<1x16xf32>
        tpu.vector_store %arg6[%swap3A_192, %swap3A_193], %swap3A_196 {strides = array<i32>} : memref<200x128xf32, #tpu.memory_space<vmem>>, vector<1x16xf32>,
        %add3A_197 = arith.constant 0 : i32
        %add3A_198 = arith.addi %mul3A_142, %add3A_197 : i32
        %get3A_199 = arith.index_cast %add3A_198 : i32 to index
        %get3A_200 = arith.constant 64 : index
        %get3A_201 = tpu.vector_load %arg6[%get3A_199, %get3A_200] {strides = array<i32>} : memref<200x128xf32, #tpu.memory_space<vmem>>, vector<1x16xf32>,
        %get3A_202 = vector.shape_cast %get3A_201 : vector<1x16xf32> to vector<16xf32>
        %mul3A_203 = arith.constant 11.3137083 : f32
        %mul3A_204 = vector.broadcast %mul3A_203 : f32 to vector<16xf32>
        %mul3A_205 = arith.mulf %get3A_202, %mul3A_204 : vector<16xf32>
        %swap3A_206 = arith.index_cast %add3A_198 : i32 to index
        %swap3A_207 = arith.constant 64 : index
        %swap3A_208 = tpu.vector_load %arg6[%swap3A_206, %swap3A_207] {strides = array<i32>} : memref<200x128xf32, #tpu.memory_space<vmem>>, vector<1x16xf32>,
        %swap3A_209 = vector.shape_cast %swap3A_208 : vector<1x16xf32> to vector<16xf32>
        %swap3A_210 = vector.shape_cast %mul3A_205 : vector<16xf32> to vector<1x16xf32>
        tpu.vector_store %arg6[%swap3A_206, %swap3A_207], %swap3A_210 {strides = array<i32>} : memref<200x128xf32, #tpu.memory_space<vmem>>, vector<1x16xf32>,
        %add3A_211 = arith.constant 0 : i32
        %add3A_212 = arith.addi %mul3A_142, %add3A_211 : i32
        %get3A_213 = arith.index_cast %add3A_212 : i32 to index
        %get3A_214 = arith.constant 80 : index
        %get3A_215 = tpu.vector_load %arg6[%get3A_213, %get3A_214] {strides = array<i32>} : memref<200x128xf32, #tpu.memory_space<vmem>>, vector<1x16xf32>,
        %get3A_216 = vector.shape_cast %get3A_215 : vector<1x16xf32> to vector<16xf32>
        %mul3A_217 = arith.constant 11.3137083 : f32
        %mul3A_218 = vector.broadcast %mul3A_217 : f32 to vector<16xf32>
        %mul3A_219 = arith.mulf %get3A_216, %mul3A_218 : vector<16xf32>
        %swap3A_220 = arith.index_cast %add3A_212 : i32 to index
        %swap3A_221 = arith.constant 80 : index
        %swap3A_222 = tpu.vector_load %arg6[%swap3A_220, %swap3A_221] {strides = array<i32>} : memref<200x128xf32, #tpu.memory_space<vmem>>, vector<1x16xf32>,
        %swap3A_223 = vector.shape_cast %swap3A_222 : vector<1x16xf32> to vector<16xf32>
        %swap3A_224 = vector.shape_cast %mul3A_219 : vector<16xf32> to vector<1x16xf32>
        tpu.vector_store %arg6[%swap3A_220, %swap3A_221], %swap3A_224 {strides = array<i32>} : memref<200x128xf32, #tpu.memory_space<vmem>>, vector<1x16xf32>,
        %add3A_225 = arith.constant 0 : i32
        %add3A_226 = arith.addi %mul3A_142, %add3A_225 : i32
        %get3A_227 = arith.index_cast %add3A_226 : i32 to index
        %get3A_228 = arith.constant 96 : index
        %get3A_229 = tpu.vector_load %arg6[%get3A_227, %get3A_228] {strides = array<i32>} : memref<200x128xf32, #tpu.memory_space<vmem>>, vector<1x16xf32>,
        %get3A_230 = vector.shape_cast %get3A_229 : vector<1x16xf32> to vector<16xf32>
        %mul3A_231 = arith.constant 11.3137083 : f32
        %mul3A_232 = vector.broadcast %mul3A_231 : f32 to vector<16xf32>
        %mul3A_233 = arith.mulf %get3A_230, %mul3A_232 : vector<16xf32>
        %swap3A_234 = arith.index_cast %add3A_226 : i32 to index
        %swap3A_235 = arith.constant 96 : index
        %swap3A_236 = tpu.vector_load %arg6[%swap3A_234, %swap3A_235] {strides = array<i32>} : memref<200x128xf32, #tpu.memory_space<vmem>>, vector<1x16xf32>,
        %swap3A_237 = vector.shape_cast %swap3A_236 : vector<1x16xf32> to vector<16xf32>
        %swap3A_238 = vector.shape_cast %mul3A_233 : vector<16xf32> to vector<1x16xf32>
        tpu.vector_store %arg6[%swap3A_234, %swap3A_235], %swap3A_238 {strides = array<i32>} : memref<200x128xf32, #tpu.memory_space<vmem>>, vector<1x16xf32>,
        %add3A_239 = arith.constant 0 : i32
        %add3A_240 = arith.addi %mul3A_142, %add3A_239 : i32
        %get3A_241 = arith.index_cast %add3A_240 : i32 to index
        %get3A_242 = arith.constant 112 : index
        %get3A_243 = tpu.vector_load %arg6[%get3A_241, %get3A_242] {strides = array<i32>} : memref<200x128xf32, #tpu.memory_space<vmem>>, vector<1x16xf32>,
        %get3A_244 = vector.shape_cast %get3A_243 : vector<1x16xf32> to vector<16xf32>
        %mul3A_245 = arith.constant 11.3137083 : f32
        %mul3A_246 = vector.broadcast %mul3A_245 : f32 to vector<16xf32>
        %mul3A_247 = arith.mulf %get3A_244, %mul3A_246 : vector<16xf32>
        %swap3A_248 = arith.index_cast %add3A_240 : i32 to index
        %swap3A_249 = arith.constant 112 : index
        %swap3A_250 = tpu.vector_load %arg6[%swap3A_248, %swap3A_249] {strides = array<i32>} : memref<200x128xf32, #tpu.memory_space<vmem>>, vector<1x16xf32>,
        %swap3A_251 = vector.shape_cast %swap3A_250 : vector<1x16xf32> to vector<16xf32>
        %swap3A_252 = vector.shape_cast %mul3A_247 : vector<16xf32> to vector<1x16xf32>
        tpu.vector_store %arg6[%swap3A_248, %swap3A_249], %swap3A_252 {strides = array<i32>} : memref<200x128xf32, #tpu.memory_space<vmem>>, vector<1x16xf32>,
        %add3A_253 = arith.constant 1 : i32
        %add3A_254 = arith.addi %mul3A_142, %add3A_253 : i32
        %get3A_255 = arith.index_cast %add3A_254 : i32 to index
        %get3A_256 = arith.constant 0 : index
        %get3A_257 = tpu.vector_load %arg6[%get3A_255, %get3A_256] {strides = array<i32>} : memref<200x128xf32, #tpu.memory_space<vmem>>, vector<1x16xf32>,
        %get3A_258 = vector.shape_cast %get3A_257 : vector<1x16xf32> to vector<16xf32>
        %mul3A_259 = arith.constant 11.3137083 : f32
        %mul3A_260 = vector.broadcast %mul3A_259 : f32 to vector<16xf32>
        %mul3A_261 = arith.mulf %get3A_258, %mul3A_260 : vector<16xf32>
        %swap3A_262 = arith.index_cast %add3A_254 : i32 to index
        %swap3A_263 = arith.constant 0 : index
        %swap3A_264 = tpu.vector_load %arg6[%swap3A_262, %swap3A_263] {strides = array<i32>} : memref<200x128xf32, #tpu.memory_space<vmem>>, vector<1x16xf32>,
        %swap3A_265 = vector.shape_cast %swap3A_264 : vector<1x16xf32> to vector<16xf32>
        %swap3A_266 = vector.shape_cast %mul3A_261 : vector<16xf32> to vector<1x16xf32>
        tpu.vector_store %arg6[%swap3A_262, %swap3A_263], %swap3A_266 {strides = array<i32>} : memref<200x128xf32, #tpu.memory_space<vmem>>, vector<1x16xf32>,
        %add3A_267 = arith.constant 1 : i32
        %add3A_268 = arith.addi %mul3A_142, %add3A_267 : i32
        %get3A_269 = arith.index_cast %add3A_268 : i32 to index
        %get3A_270 = arith.constant 16 : index
        %get3A_271 = tpu.vector_load %arg6[%get3A_269, %get3A_270] {strides = array<i32>} : memref<200x128xf32, #tpu.memory_space<vmem>>, vector<1x16xf32>,
        %get3A_272 = vector.shape_cast %get3A_271 : vector<1x16xf32> to vector<16xf32>
        %mul3A_273 = arith.constant 11.3137083 : f32
        %mul3A_274 = vector.broadcast %mul3A_273 : f32 to vector<16xf32>
        %mul3A_275 = arith.mulf %get3A_272, %mul3A_274 : vector<16xf32>
        %swap3A_276 = arith.index_cast %add3A_268 : i32 to index
        %swap3A_277 = arith.constant 16 : index
        %swap3A_278 = tpu.vector_load %arg6[%swap3A_276, %swap3A_277] {strides = array<i32>} : memref<200x128xf32, #tpu.memory_space<vmem>>, vector<1x16xf32>,
        %swap3A_279 = vector.shape_cast %swap3A_278 : vector<1x16xf32> to vector<16xf32>
        %swap3A_280 = vector.shape_cast %mul3A_275 : vector<16xf32> to vector<1x16xf32>
        tpu.vector_store %arg6[%swap3A_276, %swap3A_277], %swap3A_280 {strides = array<i32>} : memref<200x128xf32, #tpu.memory_space<vmem>>, vector<1x16xf32>,
        %add3A_281 = arith.constant 1 : i32
        %add3A_282 = arith.addi %mul3A_142, %add3A_281 : i32
        %get3A_283 = arith.index_cast %add3A_282 : i32 to index
        %get3A_284 = arith.constant 32 : index
        %get3A_285 = tpu.vector_load %arg6[%get3A_283, %get3A_284] {strides = array<i32>} : memref<200x128xf32, #tpu.memory_space<vmem>>, vector<1x16xf32>,
        %get3A_286 = vector.shape_cast %get3A_285 : vector<1x16xf32> to vector<16xf32>
        %mul3A_287 = arith.constant 11.3137083 : f32
        %mul3A_288 = vector.broadcast %mul3A_287 : f32 to vector<16xf32>
        %mul3A_289 = arith.mulf %get3A_286, %mul3A_288 : vector<16xf32>
        %swap3A_290 = arith.index_cast %add3A_282 : i32 to index
        %swap3A_291 = arith.constant 32 : index
        %swap3A_292 = tpu.vector_load %arg6[%swap3A_290, %swap3A_291] {strides = array<i32>} : memref<200x128xf32, #tpu.memory_space<vmem>>, vector<1x16xf32>,
        %swap3A_293 = vector.shape_cast %swap3A_292 : vector<1x16xf32> to vector<16xf32>
        %swap3A_294 = vector.shape_cast %mul3A_289 : vector<16xf32> to vector<1x16xf32>
        tpu.vector_store %arg6[%swap3A_290, %swap3A_291], %swap3A_294 {strides = array<i32>} : memref<200x128xf32, #tpu.memory_space<vmem>>, vector<1x16xf32>,
        %add3A_295 = arith.constant 1 : i32
        %add3A_296 = arith.addi %mul3A_142, %add3A_295 : i32
        %get3A_297 = arith.index_cast %add3A_296 : i32 to index
        %get3A_298 = arith.constant 48 : index
        %get3A_299 = tpu.vector_load %arg6[%get3A_297, %get3A_298] {strides = array<i32>} : memref<200x128xf32, #tpu.memory_space<vmem>>, vector<1x16xf32>,
        %get3A_300 = vector.shape_cast %get3A_299 : vector<1x16xf32> to vector<16xf32>
        %mul3A_301 = arith.constant 11.3137083 : f32
        %mul3A_302 = vector.broadcast %mul3A_301 : f32 to vector<16xf32>
        %mul3A_303 = arith.mulf %get3A_300, %mul3A_302 : vector<16xf32>
        %swap3A_304 = arith.index_cast %add3A_296 : i32 to index
        %swap3A_305 = arith.constant 48 : index
        %swap3A_306 = tpu.vector_load %arg6[%swap3A_304, %swap3A_305] {strides = array<i32>} : memref<200x128xf32, #tpu.memory_space<vmem>>, vector<1x16xf32>,
        %swap3A_307 = vector.shape_cast %swap3A_306 : vector<1x16xf32> to vector<16xf32>
        %swap3A_308 = vector.shape_cast %mul3A_303 : vector<16xf32> to vector<1x16xf32>
        tpu.vector_store %arg6[%swap3A_304, %swap3A_305], %swap3A_308 {strides = array<i32>} : memref<200x128xf32, #tpu.memory_space<vmem>>, vector<1x16xf32>,
        %add3A_309 = arith.constant 1 : i32
        %add3A_310 = arith.addi %mul3A_142, %add3A_309 : i32
        %get3A_311 = arith.index_cast %add3A_310 : i32 to index
        %get3A_312 = arith.constant 64 : index
        %get3A_313 = tpu.vector_load %arg6[%get3A_311, %get3A_312] {strides = array<i32>} : memref<200x128xf32, #tpu.memory_space<vmem>>, vector<1x16xf32>,
        %get3A_314 = vector.shape_cast %get3A_313 : vector<1x16xf32> to vector<16xf32>
        %mul3A_315 = arith.constant 11.3137083 : f32
        %mul3A_316 = vector.broadcast %mul3A_315 : f32 to vector<16xf32>
        %mul3A_317 = arith.mulf %get3A_314, %mul3A_316 : vector<16xf32>
        %swap3A_318 = arith.index_cast %add3A_310 : i32 to index
        %swap3A_319 = arith.constant 64 : index
        %swap3A_320 = tpu.vector_load %arg6[%swap3A_318, %swap3A_319] {strides = array<i32>} : memref<200x128xf32, #tpu.memory_space<vmem>>, vector<1x16xf32>,
        %swap3A_321 = vector.shape_cast %swap3A_320 : vector<1x16xf32> to vector<16xf32>
        %swap3A_322 = vector.shape_cast %mul3A_317 : vector<16xf32> to vector<1x16xf32>
        tpu.vector_store %arg6[%swap3A_318, %swap3A_319], %swap3A_322 {strides = array<i32>} : memref<200x128xf32, #tpu.memory_space<vmem>>, vector<1x16xf32>,
        %add3A_323 = arith.constant 1 : i32
        %add3A_324 = arith.addi %mul3A_142, %add3A_323 : i32
        %get3A_325 = arith.index_cast %add3A_324 : i32 to index
        %get3A_326 = arith.constant 80 : index
        %get3A_327 = tpu.vector_load %arg6[%get3A_325, %get3A_326] {strides = array<i32>} : memref<200x128xf32, #tpu.memory_space<vmem>>, vector<1x16xf32>,
        %get3A_328 = vector.shape_cast %get3A_327 : vector<1x16xf32> to vector<16xf32>
        %mul3A_329 = arith.constant 11.3137083 : f32
        %mul3A_330 = vector.broadcast %mul3A_329 : f32 to vector<16xf32>
        %mul3A_331 = arith.mulf %get3A_328, %mul3A_330 : vector<16xf32>
        %swap3A_332 = arith.index_cast %add3A_324 : i32 to index
        %swap3A_333 = arith.constant 80 : index
        %swap3A_334 = tpu.vector_load %arg6[%swap3A_332, %swap3A_333] {strides = array<i32>} : memref<200x128xf32, #tpu.memory_space<vmem>>, vector<1x16xf32>,
        %swap3A_335 = vector.shape_cast %swap3A_334 : vector<1x16xf32> to vector<16xf32>
        %swap3A_336 = vector.shape_cast %mul3A_331 : vector<16xf32> to vector<1x16xf32>
        tpu.vector_store %arg6[%swap3A_332, %swap3A_333], %swap3A_336 {strides = array<i32>} : memref<200x128xf32, #tpu.memory_space<vmem>>, vector<1x16xf32>,
        %add3A_337 = arith.constant 1 : i32
        %add3A_338 = arith.addi %mul3A_142, %add3A_337 : i32
        %get3A_339 = arith.index_cast %add3A_338 : i32 to index
        %get3A_340 = arith.constant 96 : index
        %get3A_341 = tpu.vector_load %arg6[%get3A_339, %get3A_340] {strides = array<i32>} : memref<200x128xf32, #tpu.memory_space<vmem>>, vector<1x16xf32>,
        %get3A_342 = vector.shape_cast %get3A_341 : vector<1x16xf32> to vector<16xf32>
        %mul3A_343 = arith.constant 11.3137083 : f32
        %mul3A_344 = vector.broadcast %mul3A_343 : f32 to vector<16xf32>
        %mul3A_345 = arith.mulf %get3A_342, %mul3A_344 : vector<16xf32>
        %swap3A_346 = arith.index_cast %add3A_338 : i32 to index
        %swap3A_347 = arith.constant 96 : index
        %swap3A_348 = tpu.vector_load %arg6[%swap3A_346, %swap3A_347] {strides = array<i32>} : memref<200x128xf32, #tpu.memory_space<vmem>>, vector<1x16xf32>,
        %swap3A_349 = vector.shape_cast %swap3A_348 : vector<1x16xf32> to vector<16xf32>
        %swap3A_350 = vector.shape_cast %mul3A_345 : vector<16xf32> to vector<1x16xf32>
        tpu.vector_store %arg6[%swap3A_346, %swap3A_347], %swap3A_350 {strides = array<i32>} : memref<200x128xf32, #tpu.memory_space<vmem>>, vector<1x16xf32>,
        %add3A_351 = arith.constant 1 : i32
        %add3A_352 = arith.addi %mul3A_142, %add3A_351 : i32
        %get3A_353 = arith.index_cast %add3A_352 : i32 to index
        %get3A_354 = arith.constant 112 : index
        %get3A_355 = tpu.vector_load %arg6[%get3A_353, %get3A_354] {strides = array<i32>} : memref<200x128xf32, #tpu.memory_space<vmem>>, vector<1x16xf32>,
        %get3A_356 = vector.shape_cast %get3A_355 : vector<1x16xf32> to vector<16xf32>
        %mul3A_357 = arith.constant 11.3137083 : f32
        %mul3A_358 = vector.broadcast %mul3A_357 : f32 to vector<16xf32>
        %mul3A_359 = arith.mulf %get3A_356, %mul3A_358 : vector<16xf32>
        %swap3A_360 = arith.index_cast %add3A_352 : i32 to index
        %swap3A_361 = arith.constant 112 : index
        %swap3A_362 = tpu.vector_load %arg6[%swap3A_360, %swap3A_361] {strides = array<i32>} : memref<200x128xf32, #tpu.memory_space<vmem>>, vector<1x16xf32>,
        %swap3A_363 = vector.shape_cast %swap3A_362 : vector<1x16xf32> to vector<16xf32>
        %swap3A_364 = vector.shape_cast %mul3A_359 : vector<16xf32> to vector<1x16xf32>
        tpu.vector_store %arg6[%swap3A_360, %swap3A_361], %swap3A_364 {strides = array<i32>} : memref<200x128xf32, #tpu.memory_space<vmem>>, vector<1x16xf32>,
        %add3A_365 = arith.constant 2 : i32
        %add3A_366 = arith.addi %mul3A_142, %add3A_365 : i32
        %get3A_367 = arith.index_cast %add3A_366 : i32 to index
        %get3A_368 = arith.constant 0 : index
        %get3A_369 = tpu.vector_load %arg6[%get3A_367, %get3A_368] {strides = array<i32>} : memref<200x128xf32, #tpu.memory_space<vmem>>, vector<1x16xf32>,
        %get3A_370 = vector.shape_cast %get3A_369 : vector<1x16xf32> to vector<16xf32>
        %mul3A_371 = arith.constant 11.3137083 : f32
        %mul3A_372 = vector.broadcast %mul3A_371 : f32 to vector<16xf32>
        %mul3A_373 = arith.mulf %get3A_370, %mul3A_372 : vector<16xf32>
        %swap3A_374 = arith.index_cast %add3A_366 : i32 to index
        %swap3A_375 = arith.constant 0 : index
        %swap3A_376 = tpu.vector_load %arg6[%swap3A_374, %swap3A_375] {strides = array<i32>} : memref<200x128xf32, #tpu.memory_space<vmem>>, vector<1x16xf32>,
        %swap3A_377 = vector.shape_cast %swap3A_376 : vector<1x16xf32> to vector<16xf32>
        %swap3A_378 = vector.shape_cast %mul3A_373 : vector<16xf32> to vector<1x16xf32>
        tpu.vector_store %arg6[%swap3A_374, %swap3A_375], %swap3A_378 {strides = array<i32>} : memref<200x128xf32, #tpu.memory_space<vmem>>, vector<1x16xf32>,
        %add3A_379 = arith.constant 2 : i32
        %add3A_380 = arith.addi %mul3A_142, %add3A_379 : i32
        %get3A_381 = arith.index_cast %add3A_380 : i32 to index
        %get3A_382 = arith.constant 16 : index
        %get3A_383 = tpu.vector_load %arg6[%get3A_381, %get3A_382] {strides = array<i32>} : memref<200x128xf32, #tpu.memory_space<vmem>>, vector<1x16xf32>,
        %get3A_384 = vector.shape_cast %get3A_383 : vector<1x16xf32> to vector<16xf32>
        %mul3A_385 = arith.constant 11.3137083 : f32
        %mul3A_386 = vector.broadcast %mul3A_385 : f32 to vector<16xf32>
        %mul3A_387 = arith.mulf %get3A_384, %mul3A_386 : vector<16xf32>
        %swap3A_388 = arith.index_cast %add3A_380 : i32 to index
        %swap3A_389 = arith.constant 16 : index
        %swap3A_390 = tpu.vector_load %arg6[%swap3A_388, %swap3A_389] {strides = array<i32>} : memref<200x128xf32, #tpu.memory_space<vmem>>, vector<1x16xf32>,
        %swap3A_391 = vector.shape_cast %swap3A_390 : vector<1x16xf32> to vector<16xf32>
        %swap3A_392 = vector.shape_cast %mul3A_387 : vector<16xf32> to vector<1x16xf32>
        tpu.vector_store %arg6[%swap3A_388, %swap3A_389], %swap3A_392 {strides = array<i32>} : memref<200x128xf32, #tpu.memory_space<vmem>>, vector<1x16xf32>,
        %add3A_393 = arith.constant 2 : i32
        %add3A_394 = arith.addi %mul3A_142, %add3A_393 : i32
        %get3A_395 = arith.index_cast %add3A_394 : i32 to index
        %get3A_396 = arith.constant 32 : index
        %get3A_397 = tpu.vector_load %arg6[%get3A_395, %get3A_396] {strides = array<i32>} : memref<200x128xf32, #tpu.memory_space<vmem>>, vector<1x16xf32>,
        %get3A_398 = vector.shape_cast %get3A_397 : vector<1x16xf32> to vector<16xf32>
        %mul3A_399 = arith.constant 11.3137083 : f32
        %mul3A_400 = vector.broadcast %mul3A_399 : f32 to vector<16xf32>
        %mul3A_401 = arith.mulf %get3A_398, %mul3A_400 : vector<16xf32>
        %swap3A_402 = arith.index_cast %add3A_394 : i32 to index
        %swap3A_403 = arith.constant 32 : index
        %swap3A_404 = tpu.vector_load %arg6[%swap3A_402, %swap3A_403] {strides = array<i32>} : memref<200x128xf32, #tpu.memory_space<vmem>>, vector<1x16xf32>,
        %swap3A_405 = vector.shape_cast %swap3A_404 : vector<1x16xf32> to vector<16xf32>
        %swap3A_406 = vector.shape_cast %mul3A_401 : vector<16xf32> to vector<1x16xf32>
        tpu.vector_store %arg6[%swap3A_402, %swap3A_403], %swap3A_406 {strides = array<i32>} : memref<200x128xf32, #tpu.memory_space<vmem>>, vector<1x16xf32>,
        %add3A_407 = arith.constant 2 : i32
        %add3A_408 = arith.addi %mul3A_142, %add3A_407 : i32
        %get3A_409 = arith.index_cast %add3A_408 : i32 to index
        %get3A_410 = arith.constant 48 : index
        %get3A_411 = tpu.vector_load %arg6[%get3A_409, %get3A_410] {strides = array<i32>} : memref<200x128xf32, #tpu.memory_space<vmem>>, vector<1x16xf32>,
        %get3A_412 = vector.shape_cast %get3A_411 : vector<1x16xf32> to vector<16xf32>
        %mul3A_413 = arith.constant 11.3137083 : f32
        %mul3A_414 = vector.broadcast %mul3A_413 : f32 to vector<16xf32>
        %mul3A_415 = arith.mulf %get3A_412, %mul3A_414 : vector<16xf32>
        %swap3A_416 = arith.index_cast %add3A_408 : i32 to index
        %swap3A_417 = arith.constant 48 : index
        %swap3A_418 = tpu.vector_load %arg6[%swap3A_416, %swap3A_417] {strides = array<i32>} : memref<200x128xf32, #tpu.memory_space<vmem>>, vector<1x16xf32>,
        %swap3A_419 = vector.shape_cast %swap3A_418 : vector<1x16xf32> to vector<16xf32>
        %swap3A_420 = vector.shape_cast %mul3A_415 : vector<16xf32> to vector<1x16xf32>
        tpu.vector_store %arg6[%swap3A_416, %swap3A_417], %swap3A_420 {strides = array<i32>} : memref<200x128xf32, #tpu.memory_space<vmem>>, vector<1x16xf32>,
        %add3A_421 = arith.constant 2 : i32
        %add3A_422 = arith.addi %mul3A_142, %add3A_421 : i32
        %get3A_423 = arith.index_cast %add3A_422 : i32 to index
        %get3A_424 = arith.constant 64 : index
        %get3A_425 = tpu.vector_load %arg6[%get3A_423, %get3A_424] {strides = array<i32>} : memref<200x128xf32, #tpu.memory_space<vmem>>, vector<1x16xf32>,
        %get3A_426 = vector.shape_cast %get3A_425 : vector<1x16xf32> to vector<16xf32>
        %mul3A_427 = arith.constant 11.3137083 : f32
        %mul3A_428 = vector.broadcast %mul3A_427 : f32 to vector<16xf32>
        %mul3A_429 = arith.mulf %get3A_426, %mul3A_428 : vector<16xf32>
        %swap3A_430 = arith.index_cast %add3A_422 : i32 to index
        %swap3A_431 = arith.constant 64 : index
        %swap3A_432 = tpu.vector_load %arg6[%swap3A_430, %swap3A_431] {strides = array<i32>} : memref<200x128xf32, #tpu.memory_space<vmem>>, vector<1x16xf32>,
        %swap3A_433 = vector.shape_cast %swap3A_432 : vector<1x16xf32> to vector<16xf32>
        %swap3A_434 = vector.shape_cast %mul3A_429 : vector<16xf32> to vector<1x16xf32>
        tpu.vector_store %arg6[%swap3A_430, %swap3A_431], %swap3A_434 {strides = array<i32>} : memref<200x128xf32, #tpu.memory_space<vmem>>, vector<1x16xf32>,
        %add3A_435 = arith.constant 2 : i32
        %add3A_436 = arith.addi %mul3A_142, %add3A_435 : i32
        %get3A_437 = arith.index_cast %add3A_436 : i32 to index
        %get3A_438 = arith.constant 80 : index
        %get3A_439 = tpu.vector_load %arg6[%get3A_437, %get3A_438] {strides = array<i32>} : memref<200x128xf32, #tpu.memory_space<vmem>>, vector<1x16xf32>,
        %get3A_440 = vector.shape_cast %get3A_439 : vector<1x16xf32> to vector<16xf32>
        %mul3A_441 = arith.constant 11.3137083 : f32
        %mul3A_442 = vector.broadcast %mul3A_441 : f32 to vector<16xf32>
        %mul3A_443 = arith.mulf %get3A_440, %mul3A_442 : vector<16xf32>
        %swap3A_444 = arith.index_cast %add3A_436 : i32 to index
        %swap3A_445 = arith.constant 80 : index
        %swap3A_446 = tpu.vector_load %arg6[%swap3A_444, %swap3A_445] {strides = array<i32>} : memref<200x128xf32, #tpu.memory_space<vmem>>, vector<1x16xf32>,
        %swap3A_447 = vector.shape_cast %swap3A_446 : vector<1x16xf32> to vector<16xf32>
        %swap3A_448 = vector.shape_cast %mul3A_443 : vector<16xf32> to vector<1x16xf32>
        tpu.vector_store %arg6[%swap3A_444, %swap3A_445], %swap3A_448 {strides = array<i32>} : memref<200x128xf32, #tpu.memory_space<vmem>>, vector<1x16xf32>,
        %add3A_449 = arith.constant 2 : i32
        %add3A_450 = arith.addi %mul3A_142, %add3A_449 : i32
        %get3A_451 = arith.index_cast %add3A_450 : i32 to index
        %get3A_452 = arith.constant 96 : index
        %get3A_453 = tpu.vector_load %arg6[%get3A_451, %get3A_452] {strides = array<i32>} : memref<200x128xf32, #tpu.memory_space<vmem>>, vector<1x16xf32>,
        %get3A_454 = vector.shape_cast %get3A_453 : vector<1x16xf32> to vector<16xf32>
        %mul3A_455 = arith.constant 11.3137083 : f32
        %mul3A_456 = vector.broadcast %mul3A_455 : f32 to vector<16xf32>
        %mul3A_457 = arith.mulf %get3A_454, %mul3A_456 : vector<16xf32>
        %swap3A_458 = arith.index_cast %add3A_450 : i32 to index
        %swap3A_459 = arith.constant 96 : index
        %swap3A_460 = tpu.vector_load %arg6[%swap3A_458, %swap3A_459] {strides = array<i32>} : memref<200x128xf32, #tpu.memory_space<vmem>>, vector<1x16xf32>,
        %swap3A_461 = vector.shape_cast %swap3A_460 : vector<1x16xf32> to vector<16xf32>
        %swap3A_462 = vector.shape_cast %mul3A_457 : vector<16xf32> to vector<1x16xf32>
        tpu.vector_store %arg6[%swap3A_458, %swap3A_459], %swap3A_462 {strides = array<i32>} : memref<200x128xf32, #tpu.memory_space<vmem>>, vector<1x16xf32>,
        %add3A_463 = arith.constant 2 : i32
        %add3A_464 = arith.addi %mul3A_142, %add3A_463 : i32
        %get3A_465 = arith.index_cast %add3A_464 : i32 to index
        %get3A_466 = arith.constant 112 : index
        %get3A_467 = tpu.vector_load %arg6[%get3A_465, %get3A_466] {strides = array<i32>} : memref<200x128xf32, #tpu.memory_space<vmem>>, vector<1x16xf32>,
        %get3A_468 = vector.shape_cast %get3A_467 : vector<1x16xf32> to vector<16xf32>
        %mul3A_469 = arith.constant 11.3137083 : f32
        %mul3A_470 = vector.broadcast %mul3A_469 : f32 to vector<16xf32>
        %mul3A_471 = arith.mulf %get3A_468, %mul3A_470 : vector<16xf32>
        %swap3A_472 = arith.index_cast %add3A_464 : i32 to index
        %swap3A_473 = arith.constant 112 : index
        %swap3A_474 = tpu.vector_load %arg6[%swap3A_472, %swap3A_473] {strides = array<i32>} : memref<200x128xf32, #tpu.memory_space<vmem>>, vector<1x16xf32>,
        %swap3A_475 = vector.shape_cast %swap3A_474 : vector<1x16xf32> to vector<16xf32>
        %swap3A_476 = vector.shape_cast %mul3A_471 : vector<16xf32> to vector<1x16xf32>
        tpu.vector_store %arg6[%swap3A_472, %swap3A_473], %swap3A_476 {strides = array<i32>} : memref<200x128xf32, #tpu.memory_space<vmem>>, vector<1x16xf32>,
        %add3A_477 = arith.constant 3 : i32
        %add3A_478 = arith.addi %mul3A_142, %add3A_477 : i32
        %get3A_479 = arith.index_cast %add3A_478 : i32 to index
        %get3A_480 = arith.constant 0 : index
        %get3A_481 = tpu.vector_load %arg6[%get3A_479, %get3A_480] {strides = array<i32>} : memref<200x128xf32, #tpu.memory_space<vmem>>, vector<1x16xf32>,
        %get3A_482 = vector.shape_cast %get3A_481 : vector<1x16xf32> to vector<16xf32>
        %mul3A_483 = arith.constant 11.3137083 : f32
        %mul3A_484 = vector.broadcast %mul3A_483 : f32 to vector<16xf32>
        %mul3A_485 = arith.mulf %get3A_482, %mul3A_484 : vector<16xf32>
        %swap3A_486 = arith.index_cast %add3A_478 : i32 to index
        %swap3A_487 = arith.constant 0 : index
        %swap3A_488 = tpu.vector_load %arg6[%swap3A_486, %swap3A_487] {strides = array<i32>} : memref<200x128xf32, #tpu.memory_space<vmem>>, vector<1x16xf32>,
        %swap3A_489 = vector.shape_cast %swap3A_488 : vector<1x16xf32> to vector<16xf32>
        %swap3A_490 = vector.shape_cast %mul3A_485 : vector<16xf32> to vector<1x16xf32>
        tpu.vector_store %arg6[%swap3A_486, %swap3A_487], %swap3A_490 {strides = array<i32>} : memref<200x128xf32, #tpu.memory_space<vmem>>, vector<1x16xf32>,
        %add3A_491 = arith.constant 3 : i32
        %add3A_492 = arith.addi %mul3A_142, %add3A_491 : i32
        %get3A_493 = arith.index_cast %add3A_492 : i32 to index
        %get3A_494 = arith.constant 16 : index
        %get3A_495 = tpu.vector_load %arg6[%get3A_493, %get3A_494] {strides = array<i32>} : memref<200x128xf32, #tpu.memory_space<vmem>>, vector<1x16xf32>,
        %get3A_496 = vector.shape_cast %get3A_495 : vector<1x16xf32> to vector<16xf32>
        %mul3A_497 = arith.constant 11.3137083 : f32
        %mul3A_498 = vector.broadcast %mul3A_497 : f32 to vector<16xf32>
        %mul3A_499 = arith.mulf %get3A_496, %mul3A_498 : vector<16xf32>
        %swap3A_500 = arith.index_cast %add3A_492 : i32 to index
        %swap3A_501 = arith.constant 16 : index
        %swap3A_502 = tpu.vector_load %arg6[%swap3A_500, %swap3A_501] {strides = array<i32>} : memref<200x128xf32, #tpu.memory_space<vmem>>, vector<1x16xf32>,
        %swap3A_503 = vector.shape_cast %swap3A_502 : vector<1x16xf32> to vector<16xf32>
        %swap3A_504 = vector.shape_cast %mul3A_499 : vector<16xf32> to vector<1x16xf32>
        tpu.vector_store %arg6[%swap3A_500, %swap3A_501], %swap3A_504 {strides = array<i32>} : memref<200x128xf32, #tpu.memory_space<vmem>>, vector<1x16xf32>,
        %add3A_505 = arith.constant 3 : i32
        %add3A_506 = arith.addi %mul3A_142, %add3A_505 : i32
        %get3A_507 = arith.index_cast %add3A_506 : i32 to index
        %get3A_508 = arith.constant 32 : index
        %get3A_509 = tpu.vector_load %arg6[%get3A_507, %get3A_508] {strides = array<i32>} : memref<200x128xf32, #tpu.memory_space<vmem>>, vector<1x16xf32>,
        %get3A_510 = vector.shape_cast %get3A_509 : vector<1x16xf32> to vector<16xf32>
        %mul3A_511 = arith.constant 11.3137083 : f32
        %mul3A_512 = vector.broadcast %mul3A_511 : f32 to vector<16xf32>
        %mul3A_513 = arith.mulf %get3A_510, %mul3A_512 : vector<16xf32>
        %swap3A_514 = arith.index_cast %add3A_506 : i32 to index
        %swap3A_515 = arith.constant 32 : index
        %swap3A_516 = tpu.vector_load %arg6[%swap3A_514, %swap3A_515] {strides = array<i32>} : memref<200x128xf32, #tpu.memory_space<vmem>>, vector<1x16xf32>,
        %swap3A_517 = vector.shape_cast %swap3A_516 : vector<1x16xf32> to vector<16xf32>
        %swap3A_518 = vector.shape_cast %mul3A_513 : vector<16xf32> to vector<1x16xf32>
        tpu.vector_store %arg6[%swap3A_514, %swap3A_515], %swap3A_518 {strides = array<i32>} : memref<200x128xf32, #tpu.memory_space<vmem>>, vector<1x16xf32>,
        %add3A_519 = arith.constant 3 : i32
        %add3A_520 = arith.addi %mul3A_142, %add3A_519 : i32
        %get3A_521 = arith.index_cast %add3A_520 : i32 to index
        %get3A_522 = arith.constant 48 : index
        %get3A_523 = tpu.vector_load %arg6[%get3A_521, %get3A_522] {strides = array<i32>} : memref<200x128xf32, #tpu.memory_space<vmem>>, vector<1x16xf32>,
        %get3A_524 = vector.shape_cast %get3A_523 : vector<1x16xf32> to vector<16xf32>
        %mul3A_525 = arith.constant 11.3137083 : f32
        %mul3A_526 = vector.broadcast %mul3A_525 : f32 to vector<16xf32>
        %mul3A_527 = arith.mulf %get3A_524, %mul3A_526 : vector<16xf32>
        %swap3A_528 = arith.index_cast %add3A_520 : i32 to index
        %swap3A_529 = arith.constant 48 : index
        %swap3A_530 = tpu.vector_load %arg6[%swap3A_528, %swap3A_529] {strides = array<i32>} : memref<200x128xf32, #tpu.memory_space<vmem>>, vector<1x16xf32>,
        %swap3A_531 = vector.shape_cast %swap3A_530 : vector<1x16xf32> to vector<16xf32>
        %swap3A_532 = vector.shape_cast %mul3A_527 : vector<16xf32> to vector<1x16xf32>
        tpu.vector_store %arg6[%swap3A_528, %swap3A_529], %swap3A_532 {strides = array<i32>} : memref<200x128xf32, #tpu.memory_space<vmem>>, vector<1x16xf32>,
        %add3A_533 = arith.constant 3 : i32
        %add3A_534 = arith.addi %mul3A_142, %add3A_533 : i32
        %get3A_535 = arith.index_cast %add3A_534 : i32 to index
        %get3A_536 = arith.constant 64 : index
        %get3A_537 = tpu.vector_load %arg6[%get3A_535, %get3A_536] {strides = array<i32>} : memref<200x128xf32, #tpu.memory_space<vmem>>, vector<1x16xf32>,
        %get3A_538 = vector.shape_cast %get3A_537 : vector<1x16xf32> to vector<16xf32>
        %mul3A_539 = arith.constant 11.3137083 : f32
        %mul3A_540 = vector.broadcast %mul3A_539 : f32 to vector<16xf32>
        %mul3A_541 = arith.mulf %get3A_538, %mul3A_540 : vector<16xf32>
        %swap3A_542 = arith.index_cast %add3A_534 : i32 to index
        %swap3A_543 = arith.constant 64 : index
        %swap3A_544 = tpu.vector_load %arg6[%swap3A_542, %swap3A_543] {strides = array<i32>} : memref<200x128xf32, #tpu.memory_space<vmem>>, vector<1x16xf32>,
        %swap3A_545 = vector.shape_cast %swap3A_544 : vector<1x16xf32> to vector<16xf32>
        %swap3A_546 = vector.shape_cast %mul3A_541 : vector<16xf32> to vector<1x16xf32>
        tpu.vector_store %arg6[%swap3A_542, %swap3A_543], %swap3A_546 {strides = array<i32>} : memref<200x128xf32, #tpu.memory_space<vmem>>, vector<1x16xf32>,
        %add3A_547 = arith.constant 3 : i32
        %add3A_548 = arith.addi %mul3A_142, %add3A_547 : i32
        %get3A_549 = arith.index_cast %add3A_548 : i32 to index
        %get3A_550 = arith.constant 80 : index
        %get3A_551 = tpu.vector_load %arg6[%get3A_549, %get3A_550] {strides = array<i32>} : memref<200x128xf32, #tpu.memory_space<vmem>>, vector<1x16xf32>,
        %get3A_552 = vector.shape_cast %get3A_551 : vector<1x16xf32> to vector<16xf32>
        %mul3A_553 = arith.constant 11.3137083 : f32
        %mul3A_554 = vector.broadcast %mul3A_553 : f32 to vector<16xf32>
        %mul3A_555 = arith.mulf %get3A_552, %mul3A_554 : vector<16xf32>
        %swap3A_556 = arith.index_cast %add3A_548 : i32 to index
        %swap3A_557 = arith.constant 80 : index
        %swap3A_558 = tpu.vector_load %arg6[%swap3A_556, %swap3A_557] {strides = array<i32>} : memref<200x128xf32, #tpu.memory_space<vmem>>, vector<1x16xf32>,
        %swap3A_559 = vector.shape_cast %swap3A_558 : vector<1x16xf32> to vector<16xf32>
        %swap3A_560 = vector.shape_cast %mul3A_555 : vector<16xf32> to vector<1x16xf32>
        tpu.vector_store %arg6[%swap3A_556, %swap3A_557], %swap3A_560 {strides = array<i32>} : memref<200x128xf32, #tpu.memory_space<vmem>>, vector<1x16xf32>,
        %add3A_561 = arith.constant 3 : i32
        %add3A_562 = arith.addi %mul3A_142, %add3A_561 : i32
        %get3A_563 = arith.index_cast %add3A_562 : i32 to index
        %get3A_564 = arith.constant 96 : index
        %get3A_565 = tpu.vector_load %arg6[%get3A_563, %get3A_564] {strides = array<i32>} : memref<200x128xf32, #tpu.memory_space<vmem>>, vector<1x16xf32>,
        %get3A_566 = vector.shape_cast %get3A_565 : vector<1x16xf32> to vector<16xf32>
        %mul3A_567 = arith.constant 11.3137083 : f32
        %mul3A_568 = vector.broadcast %mul3A_567 : f32 to vector<16xf32>
        %mul3A_569 = arith.mulf %get3A_566, %mul3A_568 : vector<16xf32>
        %swap3A_570 = arith.index_cast %add3A_562 : i32 to index
        %swap3A_571 = arith.constant 96 : index
        %swap3A_572 = tpu.vector_load %arg6[%swap3A_570, %swap3A_571] {strides = array<i32>} : memref<200x128xf32, #tpu.memory_space<vmem>>, vector<1x16xf32>,
        %swap3A_573 = vector.shape_cast %swap3A_572 : vector<1x16xf32> to vector<16xf32>
        %swap3A_574 = vector.shape_cast %mul3A_569 : vector<16xf32> to vector<1x16xf32>
        tpu.vector_store %arg6[%swap3A_570, %swap3A_571], %swap3A_574 {strides = array<i32>} : memref<200x128xf32, #tpu.memory_space<vmem>>, vector<1x16xf32>,
        %add3A_575 = arith.constant 3 : i32
        %add3A_576 = arith.addi %mul3A_142, %add3A_575 : i32
        %get3A_577 = arith.index_cast %add3A_576 : i32 to index
        %get3A_578 = arith.constant 112 : index
        %get3A_579 = tpu.vector_load %arg6[%get3A_577, %get3A_578] {strides = array<i32>} : memref<200x128xf32, #tpu.memory_space<vmem>>, vector<1x16xf32>,
        %get3A_580 = vector.shape_cast %get3A_579 : vector<1x16xf32> to vector<16xf32>
        %mul3A_581 = arith.constant 11.3137083 : f32
        %mul3A_582 = vector.broadcast %mul3A_581 : f32 to vector<16xf32>
        %mul3A_583 = arith.mulf %get3A_580, %mul3A_582 : vector<16xf32>
        %swap3A_584 = arith.index_cast %add3A_576 : i32 to index
        %swap3A_585 = arith.constant 112 : index
        %swap3A_586 = tpu.vector_load %arg6[%swap3A_584, %swap3A_585] {strides = array<i32>} : memref<200x128xf32, #tpu.memory_space<vmem>>, vector<1x16xf32>,
        %swap3A_587 = vector.shape_cast %swap3A_586 : vector<1x16xf32> to vector<16xf32>
        %swap3A_588 = vector.shape_cast %mul3A_583 : vector<16xf32> to vector<1x16xf32>
        tpu.vector_store %arg6[%swap3A_584, %swap3A_585], %swap3A_588 {strides = array<i32>} : memref<200x128xf32, #tpu.memory_space<vmem>>, vector<1x16xf32>,
      }
      %scan3A_51 = arith.constant 50 : i32
      %mul3A_52 = arith.constant 200 : i32
      %mul3A_53 = arith.muli %add3A_36, %mul3A_52 : i32
      %add3A_54 = arith.addi %mul3A_2, %mul3A_53 : i32
      %dma_start3A_55 = arith.constant 0 : i32
      %dma_start3A_56 = tpu.memref_slice %arg4[%add3A_54, %dma_start3A_55] : memref<819200x128xf32, #tpu.memory_space<hbm>> -> memref<200x128xf32, #tpu.memory_space<hbm>>
      %dma_start3A_57 = arith.constant 0 : i32
      %dma_start3A_58 = tpu.memref_slice %arg4[%add3A_54, %dma_start3A_57] : memref<819200x128xf32, #tpu.memory_space<hbm>> -> memref<200x128xf32, #tpu.memory_space<hbm>>
      tpu.enqueue_dma source(%arg6 : memref<200x128xf32, #tpu.memory_space<vmem>>) target(%dma_start3A_58 : memref<200x128xf32, #tpu.memory_space<hbm>>) target_semaphore(%arg14 : memref<!tpu.dma_semaphore, #tpu.memory_space<semaphore_mem>>)
      %add3A_59 = arith.constant 1 : i32
      %add3A_60 = arith.addi %mul3A_34, %add3A_59 : i32
      %dma_wait3A_61 = arith.constant 0 : i32
      %dma_wait3A_62 = tpu.memref_slice %arg5[%dma_wait3A_61] : memref<25600xi32, #tpu.memory_space<vmem>> -> memref<200xi32, #tpu.memory_space<vmem>>
      %dma_wait3A_63 = arith.constant 0 : i32
      %dma_wait3A_64 = arith.constant 0 : i32
      %dma_wait3A_65 = tpu.memref_slice %arg2[%dma_wait3A_63, %dma_wait3A_64] : memref<100000x128xf32, #tpu.memory_space<hbm>> -> memref<100000x128xf32, #tpu.memory_space<hbm>>
      tpu.wait_indirect_dma semaphore(%arg11 : memref<!tpu.dma_semaphore, #tpu.memory_space<semaphore_mem>>) src(%dma_wait3A_65 : memref<100000x128xf32, #tpu.memory_space<hbm>>) dst(%arg7 : memref<200x128xf32, #tpu.memory_space<vmem>>)
      %add3A_66 = arith.constant 2 : i32
      %add3A_67 = arith.addi %add3A_60, %add3A_66 : i32
      %lt3A_68 = arith.constant 128 : i32
      %lt3A_69 = arith.cmpi slt, %add3A_67, %lt3A_68 : i32
      %convert_element_type3A_70 = arith.extui %lt3A_69 : i1 to i32
      %cond3A_71 = arith.constant 0 : i32
      %cond3A_72 = arith.cmpi ne, %convert_element_type3A_70, %cond3A_71 : i32
      scf.if %cond3A_72 {
        %ge3A = arith.constant 2 : i32
        %ge3A_140 = arith.cmpi sge, %add3A_60, %ge3A : i32
        %convert_element_type3A_141 = arith.extui %ge3A_140 : i1 to i32
        %cond3A_142 = arith.constant 0 : i32
        %cond3A_143 = arith.cmpi ne, %convert_element_type3A_141, %cond3A_142 : i32
        scf.if %cond3A_143 {
          %dma_wait3A_152 = arith.constant 0 : i32
          %dma_wait3A_153 = tpu.memref_slice %arg4[%mul3A_2, %dma_wait3A_152] : memref<819200x128xf32, #tpu.memory_space<hbm>> -> memref<200x128xf32, #tpu.memory_space<hbm>>
          %dma_wait3A_154 = arith.constant 0 : i32
          %dma_wait3A_155 = tpu.memref_slice %arg4[%mul3A_2, %dma_wait3A_154] : memref<819200x128xf32, #tpu.memory_space<hbm>> -> memref<200x128xf32, #tpu.memory_space<hbm>>
          tpu.wait_dma2 semaphore(%arg17 : memref<!tpu.dma_semaphore, #tpu.memory_space<semaphore_mem>>) src(%arg9 : memref<200x128xf32, #tpu.memory_space<vmem>>) dst(%dma_wait3A_155 : memref<200x128xf32, #tpu.memory_space<hbm>>)
        } else {
        }
        %add3A_144 = arith.constant 2 : i32
        %add3A_145 = arith.addi %add3A_60, %add3A_144 : i32
        %mul3A_146 = arith.constant 200 : i32
        %mul3A_147 = arith.muli %add3A_145, %mul3A_146 : i32
        %dma_start3A_148 = tpu.memref_slice %arg5[%mul3A_147] : memref<25600xi32, #tpu.memory_space<vmem>> -> memref<200xi32, #tpu.memory_space<vmem>>
        %dma_start3A_149 = arith.constant 0 : i32
        %dma_start3A_150 = arith.constant 0 : i32
        %dma_start3A_151 = tpu.memref_slice %arg2[%dma_start3A_149, %dma_start3A_150] : memref<100000x128xf32, #tpu.memory_space<hbm>> -> memref<100000x128xf32, #tpu.memory_space<hbm>>
        tpu.enqueue_indirect_dma source(%dma_start3A_151 : memref<100000x128xf32, #tpu.memory_space<hbm>>) target(%arg9 : memref<200x128xf32, #tpu.memory_space<vmem>>) offsets(%dma_start3A_148 : memref<200xi32, #tpu.memory_space<vmem>>) semaphore(%arg13 : memref<!tpu.dma_semaphore, #tpu.memory_space<semaphore_mem>>)
      } else {
      }
      %scan3A_73 = arith.constant 0 : i32
      %scan3A_74 = arith.constant 0 : i32
      %scan3A_75 = arith.constant 50 : i32
      %scan3A_76 = arith.addi %scan3A_74, %scan3A_75 : i32
      %scan3A_77 = arith.constant 1 : i32
      scf.for %scan3A_140 = %scan3A_74 to %scan3A_76 step %scan3A_77  : i32 {
        %mul3A_141 = arith.constant 4 : i32
        %mul3A_142 = arith.muli %scan3A_140, %mul3A_141 : i32
        %add3A_143 = arith.constant 0 : i32
        %add3A_144 = arith.addi %mul3A_142, %add3A_143 : i32
        %get3A = arith.index_cast %add3A_144 : i32 to index
        %get3A_145 = arith.constant 0 : index
        %get3A_146 = tpu.vector_load %arg7[%get3A, %get3A_145] {strides = array<i32>} : memref<200x128xf32, #tpu.memory_space<vmem>>, vector<1x16xf32>,
        %get3A_147 = vector.shape_cast %get3A_146 : vector<1x16xf32> to vector<16xf32>
        %mul3A_148 = arith.constant 11.3137083 : f32
        %mul3A_149 = vector.broadcast %mul3A_148 : f32 to vector<16xf32>
        %mul3A_150 = arith.mulf %get3A_147, %mul3A_149 : vector<16xf32>
        %swap3A = arith.index_cast %add3A_144 : i32 to index
        %swap3A_151 = arith.constant 0 : index
        %swap3A_152 = tpu.vector_load %arg7[%swap3A, %swap3A_151] {strides = array<i32>} : memref<200x128xf32, #tpu.memory_space<vmem>>, vector<1x16xf32>,
        %swap3A_153 = vector.shape_cast %swap3A_152 : vector<1x16xf32> to vector<16xf32>
        %swap3A_154 = vector.shape_cast %mul3A_150 : vector<16xf32> to vector<1x16xf32>
        tpu.vector_store %arg7[%swap3A, %swap3A_151], %swap3A_154 {strides = array<i32>} : memref<200x128xf32, #tpu.memory_space<vmem>>, vector<1x16xf32>,
        %add3A_155 = arith.constant 0 : i32
        %add3A_156 = arith.addi %mul3A_142, %add3A_155 : i32
        %get3A_157 = arith.index_cast %add3A_156 : i32 to index
        %get3A_158 = arith.constant 16 : index
        %get3A_159 = tpu.vector_load %arg7[%get3A_157, %get3A_158] {strides = array<i32>} : memref<200x128xf32, #tpu.memory_space<vmem>>, vector<1x16xf32>,
        %get3A_160 = vector.shape_cast %get3A_159 : vector<1x16xf32> to vector<16xf32>
        %mul3A_161 = arith.constant 11.3137083 : f32
        %mul3A_162 = vector.broadcast %mul3A_161 : f32 to vector<16xf32>
        %mul3A_163 = arith.mulf %get3A_160, %mul3A_162 : vector<16xf32>
        %swap3A_164 = arith.index_cast %add3A_156 : i32 to index
        %swap3A_165 = arith.constant 16 : index
        %swap3A_166 = tpu.vector_load %arg7[%swap3A_164, %swap3A_165] {strides = array<i32>} : memref<200x128xf32, #tpu.memory_space<vmem>>, vector<1x16xf32>,
        %swap3A_167 = vector.shape_cast %swap3A_166 : vector<1x16xf32> to vector<16xf32>
        %swap3A_168 = vector.shape_cast %mul3A_163 : vector<16xf32> to vector<1x16xf32>
        tpu.vector_store %arg7[%swap3A_164, %swap3A_165], %swap3A_168 {strides = array<i32>} : memref<200x128xf32, #tpu.memory_space<vmem>>, vector<1x16xf32>,
        %add3A_169 = arith.constant 0 : i32
        %add3A_170 = arith.addi %mul3A_142, %add3A_169 : i32
        %get3A_171 = arith.index_cast %add3A_170 : i32 to index
        %get3A_172 = arith.constant 32 : index
        %get3A_173 = tpu.vector_load %arg7[%get3A_171, %get3A_172] {strides = array<i32>} : memref<200x128xf32, #tpu.memory_space<vmem>>, vector<1x16xf32>,
        %get3A_174 = vector.shape_cast %get3A_173 : vector<1x16xf32> to vector<16xf32>
        %mul3A_175 = arith.constant 11.3137083 : f32
        %mul3A_176 = vector.broadcast %mul3A_175 : f32 to vector<16xf32>
        %mul3A_177 = arith.mulf %get3A_174, %mul3A_176 : vector<16xf32>
        %swap3A_178 = arith.index_cast %add3A_170 : i32 to index
        %swap3A_179 = arith.constant 32 : index
        %swap3A_180 = tpu.vector_load %arg7[%swap3A_178, %swap3A_179] {strides = array<i32>} : memref<200x128xf32, #tpu.memory_space<vmem>>, vector<1x16xf32>,
        %swap3A_181 = vector.shape_cast %swap3A_180 : vector<1x16xf32> to vector<16xf32>
        %swap3A_182 = vector.shape_cast %mul3A_177 : vector<16xf32> to vector<1x16xf32>
        tpu.vector_store %arg7[%swap3A_178, %swap3A_179], %swap3A_182 {strides = array<i32>} : memref<200x128xf32, #tpu.memory_space<vmem>>, vector<1x16xf32>,
        %add3A_183 = arith.constant 0 : i32
        %add3A_184 = arith.addi %mul3A_142, %add3A_183 : i32
        %get3A_185 = arith.index_cast %add3A_184 : i32 to index
        %get3A_186 = arith.constant 48 : index
        %get3A_187 = tpu.vector_load %arg7[%get3A_185, %get3A_186] {strides = array<i32>} : memref<200x128xf32, #tpu.memory_space<vmem>>, vector<1x16xf32>,
        %get3A_188 = vector.shape_cast %get3A_187 : vector<1x16xf32> to vector<16xf32>
        %mul3A_189 = arith.constant 11.3137083 : f32
        %mul3A_190 = vector.broadcast %mul3A_189 : f32 to vector<16xf32>
        %mul3A_191 = arith.mulf %get3A_188, %mul3A_190 : vector<16xf32>
        %swap3A_192 = arith.index_cast %add3A_184 : i32 to index
        %swap3A_193 = arith.constant 48 : index
        %swap3A_194 = tpu.vector_load %arg7[%swap3A_192, %swap3A_193] {strides = array<i32>} : memref<200x128xf32, #tpu.memory_space<vmem>>, vector<1x16xf32>,
        %swap3A_195 = vector.shape_cast %swap3A_194 : vector<1x16xf32> to vector<16xf32>
        %swap3A_196 = vector.shape_cast %mul3A_191 : vector<16xf32> to vector<1x16xf32>
        tpu.vector_store %arg7[%swap3A_192, %swap3A_193], %swap3A_196 {strides = array<i32>} : memref<200x128xf32, #tpu.memory_space<vmem>>, vector<1x16xf32>,
        %add3A_197 = arith.constant 0 : i32
        %add3A_198 = arith.addi %mul3A_142, %add3A_197 : i32
        %get3A_199 = arith.index_cast %add3A_198 : i32 to index
        %get3A_200 = arith.constant 64 : index
        %get3A_201 = tpu.vector_load %arg7[%get3A_199, %get3A_200] {strides = array<i32>} : memref<200x128xf32, #tpu.memory_space<vmem>>, vector<1x16xf32>,
        %get3A_202 = vector.shape_cast %get3A_201 : vector<1x16xf32> to vector<16xf32>
        %mul3A_203 = arith.constant 11.3137083 : f32
        %mul3A_204 = vector.broadcast %mul3A_203 : f32 to vector<16xf32>
        %mul3A_205 = arith.mulf %get3A_202, %mul3A_204 : vector<16xf32>
        %swap3A_206 = arith.index_cast %add3A_198 : i32 to index
        %swap3A_207 = arith.constant 64 : index
        %swap3A_208 = tpu.vector_load %arg7[%swap3A_206, %swap3A_207] {strides = array<i32>} : memref<200x128xf32, #tpu.memory_space<vmem>>, vector<1x16xf32>,
        %swap3A_209 = vector.shape_cast %swap3A_208 : vector<1x16xf32> to vector<16xf32>
        %swap3A_210 = vector.shape_cast %mul3A_205 : vector<16xf32> to vector<1x16xf32>
        tpu.vector_store %arg7[%swap3A_206, %swap3A_207], %swap3A_210 {strides = array<i32>} : memref<200x128xf32, #tpu.memory_space<vmem>>, vector<1x16xf32>,
        %add3A_211 = arith.constant 0 : i32
        %add3A_212 = arith.addi %mul3A_142, %add3A_211 : i32
        %get3A_213 = arith.index_cast %add3A_212 : i32 to index
        %get3A_214 = arith.constant 80 : index
        %get3A_215 = tpu.vector_load %arg7[%get3A_213, %get3A_214] {strides = array<i32>} : memref<200x128xf32, #tpu.memory_space<vmem>>, vector<1x16xf32>,
        %get3A_216 = vector.shape_cast %get3A_215 : vector<1x16xf32> to vector<16xf32>
        %mul3A_217 = arith.constant 11.3137083 : f32
        %mul3A_218 = vector.broadcast %mul3A_217 : f32 to vector<16xf32>
        %mul3A_219 = arith.mulf %get3A_216, %mul3A_218 : vector<16xf32>
        %swap3A_220 = arith.index_cast %add3A_212 : i32 to index
        %swap3A_221 = arith.constant 80 : index
        %swap3A_222 = tpu.vector_load %arg7[%swap3A_220, %swap3A_221] {strides = array<i32>} : memref<200x128xf32, #tpu.memory_space<vmem>>, vector<1x16xf32>,
        %swap3A_223 = vector.shape_cast %swap3A_222 : vector<1x16xf32> to vector<16xf32>
        %swap3A_224 = vector.shape_cast %mul3A_219 : vector<16xf32> to vector<1x16xf32>
        tpu.vector_store %arg7[%swap3A_220, %swap3A_221], %swap3A_224 {strides = array<i32>} : memref<200x128xf32, #tpu.memory_space<vmem>>, vector<1x16xf32>,
        %add3A_225 = arith.constant 0 : i32
        %add3A_226 = arith.addi %mul3A_142, %add3A_225 : i32
        %get3A_227 = arith.index_cast %add3A_226 : i32 to index
        %get3A_228 = arith.constant 96 : index
        %get3A_229 = tpu.vector_load %arg7[%get3A_227, %get3A_228] {strides = array<i32>} : memref<200x128xf32, #tpu.memory_space<vmem>>, vector<1x16xf32>,
        %get3A_230 = vector.shape_cast %get3A_229 : vector<1x16xf32> to vector<16xf32>
        %mul3A_231 = arith.constant 11.3137083 : f32
        %mul3A_232 = vector.broadcast %mul3A_231 : f32 to vector<16xf32>
        %mul3A_233 = arith.mulf %get3A_230, %mul3A_232 : vector<16xf32>
        %swap3A_234 = arith.index_cast %add3A_226 : i32 to index
        %swap3A_235 = arith.constant 96 : index
        %swap3A_236 = tpu.vector_load %arg7[%swap3A_234, %swap3A_235] {strides = array<i32>} : memref<200x128xf32, #tpu.memory_space<vmem>>, vector<1x16xf32>,
        %swap3A_237 = vector.shape_cast %swap3A_236 : vector<1x16xf32> to vector<16xf32>
        %swap3A_238 = vector.shape_cast %mul3A_233 : vector<16xf32> to vector<1x16xf32>
        tpu.vector_store %arg7[%swap3A_234, %swap3A_235], %swap3A_238 {strides = array<i32>} : memref<200x128xf32, #tpu.memory_space<vmem>>, vector<1x16xf32>,
        %add3A_239 = arith.constant 0 : i32
        %add3A_240 = arith.addi %mul3A_142, %add3A_239 : i32
        %get3A_241 = arith.index_cast %add3A_240 : i32 to index
        %get3A_242 = arith.constant 112 : index
        %get3A_243 = tpu.vector_load %arg7[%get3A_241, %get3A_242] {strides = array<i32>} : memref<200x128xf32, #tpu.memory_space<vmem>>, vector<1x16xf32>,
        %get3A_244 = vector.shape_cast %get3A_243 : vector<1x16xf32> to vector<16xf32>
        %mul3A_245 = arith.constant 11.3137083 : f32
        %mul3A_246 = vector.broadcast %mul3A_245 : f32 to vector<16xf32>
        %mul3A_247 = arith.mulf %get3A_244, %mul3A_246 : vector<16xf32>
        %swap3A_248 = arith.index_cast %add3A_240 : i32 to index
        %swap3A_249 = arith.constant 112 : index
        %swap3A_250 = tpu.vector_load %arg7[%swap3A_248, %swap3A_249] {strides = array<i32>} : memref<200x128xf32, #tpu.memory_space<vmem>>, vector<1x16xf32>,
        %swap3A_251 = vector.shape_cast %swap3A_250 : vector<1x16xf32> to vector<16xf32>
        %swap3A_252 = vector.shape_cast %mul3A_247 : vector<16xf32> to vector<1x16xf32>
        tpu.vector_store %arg7[%swap3A_248, %swap3A_249], %swap3A_252 {strides = array<i32>} : memref<200x128xf32, #tpu.memory_space<vmem>>, vector<1x16xf32>,
        %add3A_253 = arith.constant 1 : i32
        %add3A_254 = arith.addi %mul3A_142, %add3A_253 : i32
        %get3A_255 = arith.index_cast %add3A_254 : i32 to index
        %get3A_256 = arith.constant 0 : index
        %get3A_257 = tpu.vector_load %arg7[%get3A_255, %get3A_256] {strides = array<i32>} : memref<200x128xf32, #tpu.memory_space<vmem>>, vector<1x16xf32>,
        %get3A_258 = vector.shape_cast %get3A_257 : vector<1x16xf32> to vector<16xf32>
        %mul3A_259 = arith.constant 11.3137083 : f32
        %mul3A_260 = vector.broadcast %mul3A_259 : f32 to vector<16xf32>
        %mul3A_261 = arith.mulf %get3A_258, %mul3A_260 : vector<16xf32>
        %swap3A_262 = arith.index_cast %add3A_254 : i32 to index
        %swap3A_263 = arith.constant 0 : index
        %swap3A_264 = tpu.vector_load %arg7[%swap3A_262, %swap3A_263] {strides = array<i32>} : memref<200x128xf32, #tpu.memory_space<vmem>>, vector<1x16xf32>,
        %swap3A_265 = vector.shape_cast %swap3A_264 : vector<1x16xf32> to vector<16xf32>
        %swap3A_266 = vector.shape_cast %mul3A_261 : vector<16xf32> to vector<1x16xf32>
        tpu.vector_store %arg7[%swap3A_262, %swap3A_263], %swap3A_266 {strides = array<i32>} : memref<200x128xf32, #tpu.memory_space<vmem>>, vector<1x16xf32>,
        %add3A_267 = arith.constant 1 : i32
        %add3A_268 = arith.addi %mul3A_142, %add3A_267 : i32
        %get3A_269 = arith.index_cast %add3A_268 : i32 to index
        %get3A_270 = arith.constant 16 : index
        %get3A_271 = tpu.vector_load %arg7[%get3A_269, %get3A_270] {strides = array<i32>} : memref<200x128xf32, #tpu.memory_space<vmem>>, vector<1x16xf32>,
        %get3A_272 = vector.shape_cast %get3A_271 : vector<1x16xf32> to vector<16xf32>
        %mul3A_273 = arith.constant 11.3137083 : f32
        %mul3A_274 = vector.broadcast %mul3A_273 : f32 to vector<16xf32>
        %mul3A_275 = arith.mulf %get3A_272, %mul3A_274 : vector<16xf32>
        %swap3A_276 = arith.index_cast %add3A_268 : i32 to index
        %swap3A_277 = arith.constant 16 : index
        %swap3A_278 = tpu.vector_load %arg7[%swap3A_276, %swap3A_277] {strides = array<i32>} : memref<200x128xf32, #tpu.memory_space<vmem>>, vector<1x16xf32>,
        %swap3A_279 = vector.shape_cast %swap3A_278 : vector<1x16xf32> to vector<16xf32>
        %swap3A_280 = vector.shape_cast %mul3A_275 : vector<16xf32> to vector<1x16xf32>
        tpu.vector_store %arg7[%swap3A_276, %swap3A_277], %swap3A_280 {strides = array<i32>} : memref<200x128xf32, #tpu.memory_space<vmem>>, vector<1x16xf32>,
        %add3A_281 = arith.constant 1 : i32
        %add3A_282 = arith.addi %mul3A_142, %add3A_281 : i32
        %get3A_283 = arith.index_cast %add3A_282 : i32 to index
        %get3A_284 = arith.constant 32 : index
        %get3A_285 = tpu.vector_load %arg7[%get3A_283, %get3A_284] {strides = array<i32>} : memref<200x128xf32, #tpu.memory_space<vmem>>, vector<1x16xf32>,
        %get3A_286 = vector.shape_cast %get3A_285 : vector<1x16xf32> to vector<16xf32>
        %mul3A_287 = arith.constant 11.3137083 : f32
        %mul3A_288 = vector.broadcast %mul3A_287 : f32 to vector<16xf32>
        %mul3A_289 = arith.mulf %get3A_286, %mul3A_288 : vector<16xf32>
        %swap3A_290 = arith.index_cast %add3A_282 : i32 to index
        %swap3A_291 = arith.constant 32 : index
        %swap3A_292 = tpu.vector_load %arg7[%swap3A_290, %swap3A_291] {strides = array<i32>} : memref<200x128xf32, #tpu.memory_space<vmem>>, vector<1x16xf32>,
        %swap3A_293 = vector.shape_cast %swap3A_292 : vector<1x16xf32> to vector<16xf32>
        %swap3A_294 = vector.shape_cast %mul3A_289 : vector<16xf32> to vector<1x16xf32>
        tpu.vector_store %arg7[%swap3A_290, %swap3A_291], %swap3A_294 {strides = array<i32>} : memref<200x128xf32, #tpu.memory_space<vmem>>, vector<1x16xf32>,
        %add3A_295 = arith.constant 1 : i32
        %add3A_296 = arith.addi %mul3A_142, %add3A_295 : i32
        %get3A_297 = arith.index_cast %add3A_296 : i32 to index
        %get3A_298 = arith.constant 48 : index
        %get3A_299 = tpu.vector_load %arg7[%get3A_297, %get3A_298] {strides = array<i32>} : memref<200x128xf32, #tpu.memory_space<vmem>>, vector<1x16xf32>,
        %get3A_300 = vector.shape_cast %get3A_299 : vector<1x16xf32> to vector<16xf32>
        %mul3A_301 = arith.constant 11.3137083 : f32
        %mul3A_302 = vector.broadcast %mul3A_301 : f32 to vector<16xf32>
        %mul3A_303 = arith.mulf %get3A_300, %mul3A_302 : vector<16xf32>
        %swap3A_304 = arith.index_cast %add3A_296 : i32 to index
        %swap3A_305 = arith.constant 48 : index
        %swap3A_306 = tpu.vector_load %arg7[%swap3A_304, %swap3A_305] {strides = array<i32>} : memref<200x128xf32, #tpu.memory_space<vmem>>, vector<1x16xf32>,
        %swap3A_307 = vector.shape_cast %swap3A_306 : vector<1x16xf32> to vector<16xf32>
        %swap3A_308 = vector.shape_cast %mul3A_303 : vector<16xf32> to vector<1x16xf32>
        tpu.vector_store %arg7[%swap3A_304, %swap3A_305], %swap3A_308 {strides = array<i32>} : memref<200x128xf32, #tpu.memory_space<vmem>>, vector<1x16xf32>,
        %add3A_309 = arith.constant 1 : i32
        %add3A_310 = arith.addi %mul3A_142, %add3A_309 : i32
        %get3A_311 = arith.index_cast %add3A_310 : i32 to index
        %get3A_312 = arith.constant 64 : index
        %get3A_313 = tpu.vector_load %arg7[%get3A_311, %get3A_312] {strides = array<i32>} : memref<200x128xf32, #tpu.memory_space<vmem>>, vector<1x16xf32>,
        %get3A_314 = vector.shape_cast %get3A_313 : vector<1x16xf32> to vector<16xf32>
        %mul3A_315 = arith.constant 11.3137083 : f32
        %mul3A_316 = vector.broadcast %mul3A_315 : f32 to vector<16xf32>
        %mul3A_317 = arith.mulf %get3A_314, %mul3A_316 : vector<16xf32>
        %swap3A_318 = arith.index_cast %add3A_310 : i32 to index
        %swap3A_319 = arith.constant 64 : index
        %swap3A_320 = tpu.vector_load %arg7[%swap3A_318, %swap3A_319] {strides = array<i32>} : memref<200x128xf32, #tpu.memory_space<vmem>>, vector<1x16xf32>,
        %swap3A_321 = vector.shape_cast %swap3A_320 : vector<1x16xf32> to vector<16xf32>
        %swap3A_322 = vector.shape_cast %mul3A_317 : vector<16xf32> to vector<1x16xf32>
        tpu.vector_store %arg7[%swap3A_318, %swap3A_319], %swap3A_322 {strides = array<i32>} : memref<200x128xf32, #tpu.memory_space<vmem>>, vector<1x16xf32>,
        %add3A_323 = arith.constant 1 : i32
        %add3A_324 = arith.addi %mul3A_142, %add3A_323 : i32
        %get3A_325 = arith.index_cast %add3A_324 : i32 to index
        %get3A_326 = arith.constant 80 : index
        %get3A_327 = tpu.vector_load %arg7[%get3A_325, %get3A_326] {strides = array<i32>} : memref<200x128xf32, #tpu.memory_space<vmem>>, vector<1x16xf32>,
        %get3A_328 = vector.shape_cast %get3A_327 : vector<1x16xf32> to vector<16xf32>
        %mul3A_329 = arith.constant 11.3137083 : f32
        %mul3A_330 = vector.broadcast %mul3A_329 : f32 to vector<16xf32>
        %mul3A_331 = arith.mulf %get3A_328, %mul3A_330 : vector<16xf32>
        %swap3A_332 = arith.index_cast %add3A_324 : i32 to index
        %swap3A_333 = arith.constant 80 : index
        %swap3A_334 = tpu.vector_load %arg7[%swap3A_332, %swap3A_333] {strides = array<i32>} : memref<200x128xf32, #tpu.memory_space<vmem>>, vector<1x16xf32>,
        %swap3A_335 = vector.shape_cast %swap3A_334 : vector<1x16xf32> to vector<16xf32>
        %swap3A_336 = vector.shape_cast %mul3A_331 : vector<16xf32> to vector<1x16xf32>
        tpu.vector_store %arg7[%swap3A_332, %swap3A_333], %swap3A_336 {strides = array<i32>} : memref<200x128xf32, #tpu.memory_space<vmem>>, vector<1x16xf32>,
        %add3A_337 = arith.constant 1 : i32
        %add3A_338 = arith.addi %mul3A_142, %add3A_337 : i32
        %get3A_339 = arith.index_cast %add3A_338 : i32 to index
        %get3A_340 = arith.constant 96 : index
        %get3A_341 = tpu.vector_load %arg7[%get3A_339, %get3A_340] {strides = array<i32>} : memref<200x128xf32, #tpu.memory_space<vmem>>, vector<1x16xf32>,
        %get3A_342 = vector.shape_cast %get3A_341 : vector<1x16xf32> to vector<16xf32>
        %mul3A_343 = arith.constant 11.3137083 : f32
        %mul3A_344 = vector.broadcast %mul3A_343 : f32 to vector<16xf32>
        %mul3A_345 = arith.mulf %get3A_342, %mul3A_344 : vector<16xf32>
        %swap3A_346 = arith.index_cast %add3A_338 : i32 to index
        %swap3A_347 = arith.constant 96 : index
        %swap3A_348 = tpu.vector_load %arg7[%swap3A_346, %swap3A_347] {strides = array<i32>} : memref<200x128xf32, #tpu.memory_space<vmem>>, vector<1x16xf32>,
        %swap3A_349 = vector.shape_cast %swap3A_348 : vector<1x16xf32> to vector<16xf32>
        %swap3A_350 = vector.shape_cast %mul3A_345 : vector<16xf32> to vector<1x16xf32>
        tpu.vector_store %arg7[%swap3A_346, %swap3A_347], %swap3A_350 {strides = array<i32>} : memref<200x128xf32, #tpu.memory_space<vmem>>, vector<1x16xf32>,
        %add3A_351 = arith.constant 1 : i32
        %add3A_352 = arith.addi %mul3A_142, %add3A_351 : i32
        %get3A_353 = arith.index_cast %add3A_352 : i32 to index
        %get3A_354 = arith.constant 112 : index
        %get3A_355 = tpu.vector_load %arg7[%get3A_353, %get3A_354] {strides = array<i32>} : memref<200x128xf32, #tpu.memory_space<vmem>>, vector<1x16xf32>,
        %get3A_356 = vector.shape_cast %get3A_355 : vector<1x16xf32> to vector<16xf32>
        %mul3A_357 = arith.constant 11.3137083 : f32
        %mul3A_358 = vector.broadcast %mul3A_357 : f32 to vector<16xf32>
        %mul3A_359 = arith.mulf %get3A_356, %mul3A_358 : vector<16xf32>
        %swap3A_360 = arith.index_cast %add3A_352 : i32 to index
        %swap3A_361 = arith.constant 112 : index
        %swap3A_362 = tpu.vector_load %arg7[%swap3A_360, %swap3A_361] {strides = array<i32>} : memref<200x128xf32, #tpu.memory_space<vmem>>, vector<1x16xf32>,
        %swap3A_363 = vector.shape_cast %swap3A_362 : vector<1x16xf32> to vector<16xf32>
        %swap3A_364 = vector.shape_cast %mul3A_359 : vector<16xf32> to vector<1x16xf32>
        tpu.vector_store %arg7[%swap3A_360, %swap3A_361], %swap3A_364 {strides = array<i32>} : memref<200x128xf32, #tpu.memory_space<vmem>>, vector<1x16xf32>,
        %add3A_365 = arith.constant 2 : i32
        %add3A_366 = arith.addi %mul3A_142, %add3A_365 : i32
        %get3A_367 = arith.index_cast %add3A_366 : i32 to index
        %get3A_368 = arith.constant 0 : index
        %get3A_369 = tpu.vector_load %arg7[%get3A_367, %get3A_368] {strides = array<i32>} : memref<200x128xf32, #tpu.memory_space<vmem>>, vector<1x16xf32>,
        %get3A_370 = vector.shape_cast %get3A_369 : vector<1x16xf32> to vector<16xf32>
        %mul3A_371 = arith.constant 11.3137083 : f32
        %mul3A_372 = vector.broadcast %mul3A_371 : f32 to vector<16xf32>
        %mul3A_373 = arith.mulf %get3A_370, %mul3A_372 : vector<16xf32>
        %swap3A_374 = arith.index_cast %add3A_366 : i32 to index
        %swap3A_375 = arith.constant 0 : index
        %swap3A_376 = tpu.vector_load %arg7[%swap3A_374, %swap3A_375] {strides = array<i32>} : memref<200x128xf32, #tpu.memory_space<vmem>>, vector<1x16xf32>,
        %swap3A_377 = vector.shape_cast %swap3A_376 : vector<1x16xf32> to vector<16xf32>
        %swap3A_378 = vector.shape_cast %mul3A_373 : vector<16xf32> to vector<1x16xf32>
        tpu.vector_store %arg7[%swap3A_374, %swap3A_375], %swap3A_378 {strides = array<i32>} : memref<200x128xf32, #tpu.memory_space<vmem>>, vector<1x16xf32>,
        %add3A_379 = arith.constant 2 : i32
        %add3A_380 = arith.addi %mul3A_142, %add3A_379 : i32
        %get3A_381 = arith.index_cast %add3A_380 : i32 to index
        %get3A_382 = arith.constant 16 : index
        %get3A_383 = tpu.vector_load %arg7[%get3A_381, %get3A_382] {strides = array<i32>} : memref<200x128xf32, #tpu.memory_space<vmem>>, vector<1x16xf32>,
        %get3A_384 = vector.shape_cast %get3A_383 : vector<1x16xf32> to vector<16xf32>
        %mul3A_385 = arith.constant 11.3137083 : f32
        %mul3A_386 = vector.broadcast %mul3A_385 : f32 to vector<16xf32>
        %mul3A_387 = arith.mulf %get3A_384, %mul3A_386 : vector<16xf32>
        %swap3A_388 = arith.index_cast %add3A_380 : i32 to index
        %swap3A_389 = arith.constant 16 : index
        %swap3A_390 = tpu.vector_load %arg7[%swap3A_388, %swap3A_389] {strides = array<i32>} : memref<200x128xf32, #tpu.memory_space<vmem>>, vector<1x16xf32>,
        %swap3A_391 = vector.shape_cast %swap3A_390 : vector<1x16xf32> to vector<16xf32>
        %swap3A_392 = vector.shape_cast %mul3A_387 : vector<16xf32> to vector<1x16xf32>
        tpu.vector_store %arg7[%swap3A_388, %swap3A_389], %swap3A_392 {strides = array<i32>} : memref<200x128xf32, #tpu.memory_space<vmem>>, vector<1x16xf32>,
        %add3A_393 = arith.constant 2 : i32
        %add3A_394 = arith.addi %mul3A_142, %add3A_393 : i32
        %get3A_395 = arith.index_cast %add3A_394 : i32 to index
        %get3A_396 = arith.constant 32 : index
        %get3A_397 = tpu.vector_load %arg7[%get3A_395, %get3A_396] {strides = array<i32>} : memref<200x128xf32, #tpu.memory_space<vmem>>, vector<1x16xf32>,
        %get3A_398 = vector.shape_cast %get3A_397 : vector<1x16xf32> to vector<16xf32>
        %mul3A_399 = arith.constant 11.3137083 : f32
        %mul3A_400 = vector.broadcast %mul3A_399 : f32 to vector<16xf32>
        %mul3A_401 = arith.mulf %get3A_398, %mul3A_400 : vector<16xf32>
        %swap3A_402 = arith.index_cast %add3A_394 : i32 to index
        %swap3A_403 = arith.constant 32 : index
        %swap3A_404 = tpu.vector_load %arg7[%swap3A_402, %swap3A_403] {strides = array<i32>} : memref<200x128xf32, #tpu.memory_space<vmem>>, vector<1x16xf32>,
        %swap3A_405 = vector.shape_cast %swap3A_404 : vector<1x16xf32> to vector<16xf32>
        %swap3A_406 = vector.shape_cast %mul3A_401 : vector<16xf32> to vector<1x16xf32>
        tpu.vector_store %arg7[%swap3A_402, %swap3A_403], %swap3A_406 {strides = array<i32>} : memref<200x128xf32, #tpu.memory_space<vmem>>, vector<1x16xf32>,
        %add3A_407 = arith.constant 2 : i32
        %add3A_408 = arith.addi %mul3A_142, %add3A_407 : i32
        %get3A_409 = arith.index_cast %add3A_408 : i32 to index
        %get3A_410 = arith.constant 48 : index
        %get3A_411 = tpu.vector_load %arg7[%get3A_409, %get3A_410] {strides = array<i32>} : memref<200x128xf32, #tpu.memory_space<vmem>>, vector<1x16xf32>,
        %get3A_412 = vector.shape_cast %get3A_411 : vector<1x16xf32> to vector<16xf32>
        %mul3A_413 = arith.constant 11.3137083 : f32
        %mul3A_414 = vector.broadcast %mul3A_413 : f32 to vector<16xf32>
        %mul3A_415 = arith.mulf %get3A_412, %mul3A_414 : vector<16xf32>
        %swap3A_416 = arith.index_cast %add3A_408 : i32 to index
        %swap3A_417 = arith.constant 48 : index
        %swap3A_418 = tpu.vector_load %arg7[%swap3A_416, %swap3A_417] {strides = array<i32>} : memref<200x128xf32, #tpu.memory_space<vmem>>, vector<1x16xf32>,
        %swap3A_419 = vector.shape_cast %swap3A_418 : vector<1x16xf32> to vector<16xf32>
        %swap3A_420 = vector.shape_cast %mul3A_415 : vector<16xf32> to vector<1x16xf32>
        tpu.vector_store %arg7[%swap3A_416, %swap3A_417], %swap3A_420 {strides = array<i32>} : memref<200x128xf32, #tpu.memory_space<vmem>>, vector<1x16xf32>,
        %add3A_421 = arith.constant 2 : i32
        %add3A_422 = arith.addi %mul3A_142, %add3A_421 : i32
        %get3A_423 = arith.index_cast %add3A_422 : i32 to index
        %get3A_424 = arith.constant 64 : index
        %get3A_425 = tpu.vector_load %arg7[%get3A_423, %get3A_424] {strides = array<i32>} : memref<200x128xf32, #tpu.memory_space<vmem>>, vector<1x16xf32>,
        %get3A_426 = vector.shape_cast %get3A_425 : vector<1x16xf32> to vector<16xf32>
        %mul3A_427 = arith.constant 11.3137083 : f32
        %mul3A_428 = vector.broadcast %mul3A_427 : f32 to vector<16xf32>
        %mul3A_429 = arith.mulf %get3A_426, %mul3A_428 : vector<16xf32>
        %swap3A_430 = arith.index_cast %add3A_422 : i32 to index
        %swap3A_431 = arith.constant 64 : index
        %swap3A_432 = tpu.vector_load %arg7[%swap3A_430, %swap3A_431] {strides = array<i32>} : memref<200x128xf32, #tpu.memory_space<vmem>>, vector<1x16xf32>,
        %swap3A_433 = vector.shape_cast %swap3A_432 : vector<1x16xf32> to vector<16xf32>
        %swap3A_434 = vector.shape_cast %mul3A_429 : vector<16xf32> to vector<1x16xf32>
        tpu.vector_store %arg7[%swap3A_430, %swap3A_431], %swap3A_434 {strides = array<i32>} : memref<200x128xf32, #tpu.memory_space<vmem>>, vector<1x16xf32>,
        %add3A_435 = arith.constant 2 : i32
        %add3A_436 = arith.addi %mul3A_142, %add3A_435 : i32
        %get3A_437 = arith.index_cast %add3A_436 : i32 to index
        %get3A_438 = arith.constant 80 : index
        %get3A_439 = tpu.vector_load %arg7[%get3A_437, %get3A_438] {strides = array<i32>} : memref<200x128xf32, #tpu.memory_space<vmem>>, vector<1x16xf32>,
        %get3A_440 = vector.shape_cast %get3A_439 : vector<1x16xf32> to vector<16xf32>
        %mul3A_441 = arith.constant 11.3137083 : f32
        %mul3A_442 = vector.broadcast %mul3A_441 : f32 to vector<16xf32>
        %mul3A_443 = arith.mulf %get3A_440, %mul3A_442 : vector<16xf32>
        %swap3A_444 = arith.index_cast %add3A_436 : i32 to index
        %swap3A_445 = arith.constant 80 : index
        %swap3A_446 = tpu.vector_load %arg7[%swap3A_444, %swap3A_445] {strides = array<i32>} : memref<200x128xf32, #tpu.memory_space<vmem>>, vector<1x16xf32>,
        %swap3A_447 = vector.shape_cast %swap3A_446 : vector<1x16xf32> to vector<16xf32>
        %swap3A_448 = vector.shape_cast %mul3A_443 : vector<16xf32> to vector<1x16xf32>
        tpu.vector_store %arg7[%swap3A_444, %swap3A_445], %swap3A_448 {strides = array<i32>} : memref<200x128xf32, #tpu.memory_space<vmem>>, vector<1x16xf32>,
        %add3A_449 = arith.constant 2 : i32
        %add3A_450 = arith.addi %mul3A_142, %add3A_449 : i32
        %get3A_451 = arith.index_cast %add3A_450 : i32 to index
        %get3A_452 = arith.constant 96 : index
        %get3A_453 = tpu.vector_load %arg7[%get3A_451, %get3A_452] {strides = array<i32>} : memref<200x128xf32, #tpu.memory_space<vmem>>, vector<1x16xf32>,
        %get3A_454 = vector.shape_cast %get3A_453 : vector<1x16xf32> to vector<16xf32>
        %mul3A_455 = arith.constant 11.3137083 : f32
        %mul3A_456 = vector.broadcast %mul3A_455 : f32 to vector<16xf32>
        %mul3A_457 = arith.mulf %get3A_454, %mul3A_456 : vector<16xf32>
        %swap3A_458 = arith.index_cast %add3A_450 : i32 to index
        %swap3A_459 = arith.constant 96 : index
        %swap3A_460 = tpu.vector_load %arg7[%swap3A_458, %swap3A_459] {strides = array<i32>} : memref<200x128xf32, #tpu.memory_space<vmem>>, vector<1x16xf32>,
        %swap3A_461 = vector.shape_cast %swap3A_460 : vector<1x16xf32> to vector<16xf32>
        %swap3A_462 = vector.shape_cast %mul3A_457 : vector<16xf32> to vector<1x16xf32>
        tpu.vector_store %arg7[%swap3A_458, %swap3A_459], %swap3A_462 {strides = array<i32>} : memref<200x128xf32, #tpu.memory_space<vmem>>, vector<1x16xf32>,
        %add3A_463 = arith.constant 2 : i32
        %add3A_464 = arith.addi %mul3A_142, %add3A_463 : i32
        %get3A_465 = arith.index_cast %add3A_464 : i32 to index
        %get3A_466 = arith.constant 112 : index
        %get3A_467 = tpu.vector_load %arg7[%get3A_465, %get3A_466] {strides = array<i32>} : memref<200x128xf32, #tpu.memory_space<vmem>>, vector<1x16xf32>,
        %get3A_468 = vector.shape_cast %get3A_467 : vector<1x16xf32> to vector<16xf32>
        %mul3A_469 = arith.constant 11.3137083 : f32
        %mul3A_470 = vector.broadcast %mul3A_469 : f32 to vector<16xf32>
        %mul3A_471 = arith.mulf %get3A_468, %mul3A_470 : vector<16xf32>
        %swap3A_472 = arith.index_cast %add3A_464 : i32 to index
        %swap3A_473 = arith.constant 112 : index
        %swap3A_474 = tpu.vector_load %arg7[%swap3A_472, %swap3A_473] {strides = array<i32>} : memref<200x128xf32, #tpu.memory_space<vmem>>, vector<1x16xf32>,
        %swap3A_475 = vector.shape_cast %swap3A_474 : vector<1x16xf32> to vector<16xf32>
        %swap3A_476 = vector.shape_cast %mul3A_471 : vector<16xf32> to vector<1x16xf32>
        tpu.vector_store %arg7[%swap3A_472, %swap3A_473], %swap3A_476 {strides = array<i32>} : memref<200x128xf32, #tpu.memory_space<vmem>>, vector<1x16xf32>,
        %add3A_477 = arith.constant 3 : i32
        %add3A_478 = arith.addi %mul3A_142, %add3A_477 : i32
        %get3A_479 = arith.index_cast %add3A_478 : i32 to index
        %get3A_480 = arith.constant 0 : index
        %get3A_481 = tpu.vector_load %arg7[%get3A_479, %get3A_480] {strides = array<i32>} : memref<200x128xf32, #tpu.memory_space<vmem>>, vector<1x16xf32>,
        %get3A_482 = vector.shape_cast %get3A_481 : vector<1x16xf32> to vector<16xf32>
        %mul3A_483 = arith.constant 11.3137083 : f32
        %mul3A_484 = vector.broadcast %mul3A_483 : f32 to vector<16xf32>
        %mul3A_485 = arith.mulf %get3A_482, %mul3A_484 : vector<16xf32>
        %swap3A_486 = arith.index_cast %add3A_478 : i32 to index
        %swap3A_487 = arith.constant 0 : index
        %swap3A_488 = tpu.vector_load %arg7[%swap3A_486, %swap3A_487] {strides = array<i32>} : memref<200x128xf32, #tpu.memory_space<vmem>>, vector<1x16xf32>,
        %swap3A_489 = vector.shape_cast %swap3A_488 : vector<1x16xf32> to vector<16xf32>
        %swap3A_490 = vector.shape_cast %mul3A_485 : vector<16xf32> to vector<1x16xf32>
        tpu.vector_store %arg7[%swap3A_486, %swap3A_487], %swap3A_490 {strides = array<i32>} : memref<200x128xf32, #tpu.memory_space<vmem>>, vector<1x16xf32>,
        %add3A_491 = arith.constant 3 : i32
        %add3A_492 = arith.addi %mul3A_142, %add3A_491 : i32
        %get3A_493 = arith.index_cast %add3A_492 : i32 to index
        %get3A_494 = arith.constant 16 : index
        %get3A_495 = tpu.vector_load %arg7[%get3A_493, %get3A_494] {strides = array<i32>} : memref<200x128xf32, #tpu.memory_space<vmem>>, vector<1x16xf32>,
        %get3A_496 = vector.shape_cast %get3A_495 : vector<1x16xf32> to vector<16xf32>
        %mul3A_497 = arith.constant 11.3137083 : f32
        %mul3A_498 = vector.broadcast %mul3A_497 : f32 to vector<16xf32>
        %mul3A_499 = arith.mulf %get3A_496, %mul3A_498 : vector<16xf32>
        %swap3A_500 = arith.index_cast %add3A_492 : i32 to index
        %swap3A_501 = arith.constant 16 : index
        %swap3A_502 = tpu.vector_load %arg7[%swap3A_500, %swap3A_501] {strides = array<i32>} : memref<200x128xf32, #tpu.memory_space<vmem>>, vector<1x16xf32>,
        %swap3A_503 = vector.shape_cast %swap3A_502 : vector<1x16xf32> to vector<16xf32>
        %swap3A_504 = vector.shape_cast %mul3A_499 : vector<16xf32> to vector<1x16xf32>
        tpu.vector_store %arg7[%swap3A_500, %swap3A_501], %swap3A_504 {strides = array<i32>} : memref<200x128xf32, #tpu.memory_space<vmem>>, vector<1x16xf32>,
        %add3A_505 = arith.constant 3 : i32
        %add3A_506 = arith.addi %mul3A_142, %add3A_505 : i32
        %get3A_507 = arith.index_cast %add3A_506 : i32 to index
        %get3A_508 = arith.constant 32 : index
        %get3A_509 = tpu.vector_load %arg7[%get3A_507, %get3A_508] {strides = array<i32>} : memref<200x128xf32, #tpu.memory_space<vmem>>, vector<1x16xf32>,
        %get3A_510 = vector.shape_cast %get3A_509 : vector<1x16xf32> to vector<16xf32>
        %mul3A_511 = arith.constant 11.3137083 : f32
        %mul3A_512 = vector.broadcast %mul3A_511 : f32 to vector<16xf32>
        %mul3A_513 = arith.mulf %get3A_510, %mul3A_512 : vector<16xf32>
        %swap3A_514 = arith.index_cast %add3A_506 : i32 to index
        %swap3A_515 = arith.constant 32 : index
        %swap3A_516 = tpu.vector_load %arg7[%swap3A_514, %swap3A_515] {strides = array<i32>} : memref<200x128xf32, #tpu.memory_space<vmem>>, vector<1x16xf32>,
        %swap3A_517 = vector.shape_cast %swap3A_516 : vector<1x16xf32> to vector<16xf32>
        %swap3A_518 = vector.shape_cast %mul3A_513 : vector<16xf32> to vector<1x16xf32>
        tpu.vector_store %arg7[%swap3A_514, %swap3A_515], %swap3A_518 {strides = array<i32>} : memref<200x128xf32, #tpu.memory_space<vmem>>, vector<1x16xf32>,
        %add3A_519 = arith.constant 3 : i32
        %add3A_520 = arith.addi %mul3A_142, %add3A_519 : i32
        %get3A_521 = arith.index_cast %add3A_520 : i32 to index
        %get3A_522 = arith.constant 48 : index
        %get3A_523 = tpu.vector_load %arg7[%get3A_521, %get3A_522] {strides = array<i32>} : memref<200x128xf32, #tpu.memory_space<vmem>>, vector<1x16xf32>,
        %get3A_524 = vector.shape_cast %get3A_523 : vector<1x16xf32> to vector<16xf32>
        %mul3A_525 = arith.constant 11.3137083 : f32
        %mul3A_526 = vector.broadcast %mul3A_525 : f32 to vector<16xf32>
        %mul3A_527 = arith.mulf %get3A_524, %mul3A_526 : vector<16xf32>
        %swap3A_528 = arith.index_cast %add3A_520 : i32 to index
        %swap3A_529 = arith.constant 48 : index
        %swap3A_530 = tpu.vector_load %arg7[%swap3A_528, %swap3A_529] {strides = array<i32>} : memref<200x128xf32, #tpu.memory_space<vmem>>, vector<1x16xf32>,
        %swap3A_531 = vector.shape_cast %swap3A_530 : vector<1x16xf32> to vector<16xf32>
        %swap3A_532 = vector.shape_cast %mul3A_527 : vector<16xf32> to vector<1x16xf32>
        tpu.vector_store %arg7[%swap3A_528, %swap3A_529], %swap3A_532 {strides = array<i32>} : memref<200x128xf32, #tpu.memory_space<vmem>>, vector<1x16xf32>,
        %add3A_533 = arith.constant 3 : i32
        %add3A_534 = arith.addi %mul3A_142, %add3A_533 : i32
        %get3A_535 = arith.index_cast %add3A_534 : i32 to index
        %get3A_536 = arith.constant 64 : index
        %get3A_537 = tpu.vector_load %arg7[%get3A_535, %get3A_536] {strides = array<i32>} : memref<200x128xf32, #tpu.memory_space<vmem>>, vector<1x16xf32>,
        %get3A_538 = vector.shape_cast %get3A_537 : vector<1x16xf32> to vector<16xf32>
        %mul3A_539 = arith.constant 11.3137083 : f32
        %mul3A_540 = vector.broadcast %mul3A_539 : f32 to vector<16xf32>
        %mul3A_541 = arith.mulf %get3A_538, %mul3A_540 : vector<16xf32>
        %swap3A_542 = arith.index_cast %add3A_534 : i32 to index
        %swap3A_543 = arith.constant 64 : index
        %swap3A_544 = tpu.vector_load %arg7[%swap3A_542, %swap3A_543] {strides = array<i32>} : memref<200x128xf32, #tpu.memory_space<vmem>>, vector<1x16xf32>,
        %swap3A_545 = vector.shape_cast %swap3A_544 : vector<1x16xf32> to vector<16xf32>
        %swap3A_546 = vector.shape_cast %mul3A_541 : vector<16xf32> to vector<1x16xf32>
        tpu.vector_store %arg7[%swap3A_542, %swap3A_543], %swap3A_546 {strides = array<i32>} : memref<200x128xf32, #tpu.memory_space<vmem>>, vector<1x16xf32>,
        %add3A_547 = arith.constant 3 : i32
        %add3A_548 = arith.addi %mul3A_142, %add3A_547 : i32
        %get3A_549 = arith.index_cast %add3A_548 : i32 to index
        %get3A_550 = arith.constant 80 : index
        %get3A_551 = tpu.vector_load %arg7[%get3A_549, %get3A_550] {strides = array<i32>} : memref<200x128xf32, #tpu.memory_space<vmem>>, vector<1x16xf32>,
        %get3A_552 = vector.shape_cast %get3A_551 : vector<1x16xf32> to vector<16xf32>
        %mul3A_553 = arith.constant 11.3137083 : f32
        %mul3A_554 = vector.broadcast %mul3A_553 : f32 to vector<16xf32>
        %mul3A_555 = arith.mulf %get3A_552, %mul3A_554 : vector<16xf32>
        %swap3A_556 = arith.index_cast %add3A_548 : i32 to index
        %swap3A_557 = arith.constant 80 : index
        %swap3A_558 = tpu.vector_load %arg7[%swap3A_556, %swap3A_557] {strides = array<i32>} : memref<200x128xf32, #tpu.memory_space<vmem>>, vector<1x16xf32>,
        %swap3A_559 = vector.shape_cast %swap3A_558 : vector<1x16xf32> to vector<16xf32>
        %swap3A_560 = vector.shape_cast %mul3A_555 : vector<16xf32> to vector<1x16xf32>
        tpu.vector_store %arg7[%swap3A_556, %swap3A_557], %swap3A_560 {strides = array<i32>} : memref<200x128xf32, #tpu.memory_space<vmem>>, vector<1x16xf32>,
        %add3A_561 = arith.constant 3 : i32
        %add3A_562 = arith.addi %mul3A_142, %add3A_561 : i32
        %get3A_563 = arith.index_cast %add3A_562 : i32 to index
        %get3A_564 = arith.constant 96 : index
        %get3A_565 = tpu.vector_load %arg7[%get3A_563, %get3A_564] {strides = array<i32>} : memref<200x128xf32, #tpu.memory_space<vmem>>, vector<1x16xf32>,
        %get3A_566 = vector.shape_cast %get3A_565 : vector<1x16xf32> to vector<16xf32>
        %mul3A_567 = arith.constant 11.3137083 : f32
        %mul3A_568 = vector.broadcast %mul3A_567 : f32 to vector<16xf32>
        %mul3A_569 = arith.mulf %get3A_566, %mul3A_568 : vector<16xf32>
        %swap3A_570 = arith.index_cast %add3A_562 : i32 to index
        %swap3A_571 = arith.constant 96 : index
        %swap3A_572 = tpu.vector_load %arg7[%swap3A_570, %swap3A_571] {strides = array<i32>} : memref<200x128xf32, #tpu.memory_space<vmem>>, vector<1x16xf32>,
        %swap3A_573 = vector.shape_cast %swap3A_572 : vector<1x16xf32> to vector<16xf32>
        %swap3A_574 = vector.shape_cast %mul3A_569 : vector<16xf32> to vector<1x16xf32>
        tpu.vector_store %arg7[%swap3A_570, %swap3A_571], %swap3A_574 {strides = array<i32>} : memref<200x128xf32, #tpu.memory_space<vmem>>, vector<1x16xf32>,
        %add3A_575 = arith.constant 3 : i32
        %add3A_576 = arith.addi %mul3A_142, %add3A_575 : i32
        %get3A_577 = arith.index_cast %add3A_576 : i32 to index
        %get3A_578 = arith.constant 112 : index
        %get3A_579 = tpu.vector_load %arg7[%get3A_577, %get3A_578] {strides = array<i32>} : memref<200x128xf32, #tpu.memory_space<vmem>>, vector<1x16xf32>,
        %get3A_580 = vector.shape_cast %get3A_579 : vector<1x16xf32> to vector<16xf32>
        %mul3A_581 = arith.constant 11.3137083 : f32
        %mul3A_582 = vector.broadcast %mul3A_581 : f32 to vector<16xf32>
        %mul3A_583 = arith.mulf %get3A_580, %mul3A_582 : vector<16xf32>
        %swap3A_584 = arith.index_cast %add3A_576 : i32 to index
        %swap3A_585 = arith.constant 112 : index
        %swap3A_586 = tpu.vector_load %arg7[%swap3A_584, %swap3A_585] {strides = array<i32>} : memref<200x128xf32, #tpu.memory_space<vmem>>, vector<1x16xf32>,
        %swap3A_587 = vector.shape_cast %swap3A_586 : vector<1x16xf32> to vector<16xf32>
        %swap3A_588 = vector.shape_cast %mul3A_583 : vector<16xf32> to vector<1x16xf32>
        tpu.vector_store %arg7[%swap3A_584, %swap3A_585], %swap3A_588 {strides = array<i32>} : memref<200x128xf32, #tpu.memory_space<vmem>>, vector<1x16xf32>,
      }
      %scan3A_78 = arith.constant 50 : i32
      %mul3A_79 = arith.constant 200 : i32
      %mul3A_80 = arith.muli %add3A_60, %mul3A_79 : i32
      %add3A_81 = arith.addi %mul3A_2, %mul3A_80 : i32
      %dma_start3A_82 = arith.constant 0 : i32
      %dma_start3A_83 = tpu.memref_slice %arg4[%add3A_81, %dma_start3A_82] : memref<819200x128xf32, #tpu.memory_space<hbm>> -> memref<200x128xf32, #tpu.memory_space<hbm>>
      %dma_start3A_84 = arith.constant 0 : i32
      %dma_start3A_85 = tpu.memref_slice %arg4[%add3A_81, %dma_start3A_84] : memref<819200x128xf32, #tpu.memory_space<hbm>> -> memref<200x128xf32, #tpu.memory_space<hbm>>
      tpu.enqueue_dma source(%arg7 : memref<200x128xf32, #tpu.memory_space<vmem>>) target(%dma_start3A_85 : memref<200x128xf32, #tpu.memory_space<hbm>>) target_semaphore(%arg15 : memref<!tpu.dma_semaphore, #tpu.memory_space<semaphore_mem>>)
      %add3A_86 = arith.constant 2 : i32
      %add3A_87 = arith.addi %mul3A_34, %add3A_86 : i32
      %dma_wait3A_88 = arith.constant 0 : i32
      %dma_wait3A_89 = tpu.memref_slice %arg5[%dma_wait3A_88] : memref<25600xi32, #tpu.memory_space<vmem>> -> memref<200xi32, #tpu.memory_space<vmem>>
      %dma_wait3A_90 = arith.constant 0 : i32
      %dma_wait3A_91 = arith.constant 0 : i32
      %dma_wait3A_92 = tpu.memref_slice %arg2[%dma_wait3A_90, %dma_wait3A_91] : memref<100000x128xf32, #tpu.memory_space<hbm>> -> memref<100000x128xf32, #tpu.memory_space<hbm>>
      tpu.wait_indirect_dma semaphore(%arg12 : memref<!tpu.dma_semaphore, #tpu.memory_space<semaphore_mem>>) src(%dma_wait3A_92 : memref<100000x128xf32, #tpu.memory_space<hbm>>) dst(%arg8 : memref<200x128xf32, #tpu.memory_space<vmem>>)
      %add3A_93 = arith.constant 2 : i32
      %add3A_94 = arith.addi %add3A_87, %add3A_93 : i32
      %lt3A_95 = arith.constant 128 : i32
      %lt3A_96 = arith.cmpi slt, %add3A_94, %lt3A_95 : i32
      %convert_element_type3A_97 = arith.extui %lt3A_96 : i1 to i32
      %cond3A_98 = arith.constant 0 : i32
      %cond3A_99 = arith.cmpi ne, %convert_element_type3A_97, %cond3A_98 : i32
      scf.if %cond3A_99 {
        %ge3A = arith.constant 2 : i32
        %ge3A_140 = arith.cmpi sge, %add3A_87, %ge3A : i32
        %convert_element_type3A_141 = arith.extui %ge3A_140 : i1 to i32
        %cond3A_142 = arith.constant 0 : i32
        %cond3A_143 = arith.cmpi ne, %convert_element_type3A_141, %cond3A_142 : i32
        scf.if %cond3A_143 {
          %dma_wait3A_152 = arith.constant 0 : i32
          %dma_wait3A_153 = tpu.memref_slice %arg4[%mul3A_2, %dma_wait3A_152] : memref<819200x128xf32, #tpu.memory_space<hbm>> -> memref<200x128xf32, #tpu.memory_space<hbm>>
          %dma_wait3A_154 = arith.constant 0 : i32
          %dma_wait3A_155 = tpu.memref_slice %arg4[%mul3A_2, %dma_wait3A_154] : memref<819200x128xf32, #tpu.memory_space<hbm>> -> memref<200x128xf32, #tpu.memory_space<hbm>>
          tpu.wait_dma2 semaphore(%arg14 : memref<!tpu.dma_semaphore, #tpu.memory_space<semaphore_mem>>) src(%arg6 : memref<200x128xf32, #tpu.memory_space<vmem>>) dst(%dma_wait3A_155 : memref<200x128xf32, #tpu.memory_space<hbm>>)
        } else {
        }
        %add3A_144 = arith.constant 2 : i32
        %add3A_145 = arith.addi %add3A_87, %add3A_144 : i32
        %mul3A_146 = arith.constant 200 : i32
        %mul3A_147 = arith.muli %add3A_145, %mul3A_146 : i32
        %dma_start3A_148 = tpu.memref_slice %arg5[%mul3A_147] : memref<25600xi32, #tpu.memory_space<vmem>> -> memref<200xi32, #tpu.memory_space<vmem>>
        %dma_start3A_149 = arith.constant 0 : i32
        %dma_start3A_150 = arith.constant 0 : i32
        %dma_start3A_151 = tpu.memref_slice %arg2[%dma_start3A_149, %dma_start3A_150] : memref<100000x128xf32, #tpu.memory_space<hbm>> -> memref<100000x128xf32, #tpu.memory_space<hbm>>
        tpu.enqueue_indirect_dma source(%dma_start3A_151 : memref<100000x128xf32, #tpu.memory_space<hbm>>) target(%arg6 : memref<200x128xf32, #tpu.memory_space<vmem>>) offsets(%dma_start3A_148 : memref<200xi32, #tpu.memory_space<vmem>>) semaphore(%arg10 : memref<!tpu.dma_semaphore, #tpu.memory_space<semaphore_mem>>)
      } else {
      }
      %scan3A_100 = arith.constant 0 : i32
      %scan3A_101 = arith.constant 0 : i32
      %scan3A_102 = arith.constant 50 : i32
      %scan3A_103 = arith.addi %scan3A_101, %scan3A_102 : i32
      %scan3A_104 = arith.constant 1 : i32
      scf.for %scan3A_140 = %scan3A_101 to %scan3A_103 step %scan3A_104  : i32 {
        %mul3A_141 = arith.constant 4 : i32
        %mul3A_142 = arith.muli %scan3A_140, %mul3A_141 : i32
        %add3A_143 = arith.constant 0 : i32
        %add3A_144 = arith.addi %mul3A_142, %add3A_143 : i32
        %get3A = arith.index_cast %add3A_144 : i32 to index
        %get3A_145 = arith.constant 0 : index
        %get3A_146 = tpu.vector_load %arg8[%get3A, %get3A_145] {strides = array<i32>} : memref<200x128xf32, #tpu.memory_space<vmem>>, vector<1x16xf32>,
        %get3A_147 = vector.shape_cast %get3A_146 : vector<1x16xf32> to vector<16xf32>
        %mul3A_148 = arith.constant 11.3137083 : f32
        %mul3A_149 = vector.broadcast %mul3A_148 : f32 to vector<16xf32>
        %mul3A_150 = arith.mulf %get3A_147, %mul3A_149 : vector<16xf32>
        %swap3A = arith.index_cast %add3A_144 : i32 to index
        %swap3A_151 = arith.constant 0 : index
        %swap3A_152 = tpu.vector_load %arg8[%swap3A, %swap3A_151] {strides = array<i32>} : memref<200x128xf32, #tpu.memory_space<vmem>>, vector<1x16xf32>,
        %swap3A_153 = vector.shape_cast %swap3A_152 : vector<1x16xf32> to vector<16xf32>
        %swap3A_154 = vector.shape_cast %mul3A_150 : vector<16xf32> to vector<1x16xf32>
        tpu.vector_store %arg8[%swap3A, %swap3A_151], %swap3A_154 {strides = array<i32>} : memref<200x128xf32, #tpu.memory_space<vmem>>, vector<1x16xf32>,
        %add3A_155 = arith.constant 0 : i32
        %add3A_156 = arith.addi %mul3A_142, %add3A_155 : i32
        %get3A_157 = arith.index_cast %add3A_156 : i32 to index
        %get3A_158 = arith.constant 16 : index
        %get3A_159 = tpu.vector_load %arg8[%get3A_157, %get3A_158] {strides = array<i32>} : memref<200x128xf32, #tpu.memory_space<vmem>>, vector<1x16xf32>,
        %get3A_160 = vector.shape_cast %get3A_159 : vector<1x16xf32> to vector<16xf32>
        %mul3A_161 = arith.constant 11.3137083 : f32
        %mul3A_162 = vector.broadcast %mul3A_161 : f32 to vector<16xf32>
        %mul3A_163 = arith.mulf %get3A_160, %mul3A_162 : vector<16xf32>
        %swap3A_164 = arith.index_cast %add3A_156 : i32 to index
        %swap3A_165 = arith.constant 16 : index
        %swap3A_166 = tpu.vector_load %arg8[%swap3A_164, %swap3A_165] {strides = array<i32>} : memref<200x128xf32, #tpu.memory_space<vmem>>, vector<1x16xf32>,
        %swap3A_167 = vector.shape_cast %swap3A_166 : vector<1x16xf32> to vector<16xf32>
        %swap3A_168 = vector.shape_cast %mul3A_163 : vector<16xf32> to vector<1x16xf32>
        tpu.vector_store %arg8[%swap3A_164, %swap3A_165], %swap3A_168 {strides = array<i32>} : memref<200x128xf32, #tpu.memory_space<vmem>>, vector<1x16xf32>,
        %add3A_169 = arith.constant 0 : i32
        %add3A_170 = arith.addi %mul3A_142, %add3A_169 : i32
        %get3A_171 = arith.index_cast %add3A_170 : i32 to index
        %get3A_172 = arith.constant 32 : index
        %get3A_173 = tpu.vector_load %arg8[%get3A_171, %get3A_172] {strides = array<i32>} : memref<200x128xf32, #tpu.memory_space<vmem>>, vector<1x16xf32>,
        %get3A_174 = vector.shape_cast %get3A_173 : vector<1x16xf32> to vector<16xf32>
        %mul3A_175 = arith.constant 11.3137083 : f32
        %mul3A_176 = vector.broadcast %mul3A_175 : f32 to vector<16xf32>
        %mul3A_177 = arith.mulf %get3A_174, %mul3A_176 : vector<16xf32>
        %swap3A_178 = arith.index_cast %add3A_170 : i32 to index
        %swap3A_179 = arith.constant 32 : index
        %swap3A_180 = tpu.vector_load %arg8[%swap3A_178, %swap3A_179] {strides = array<i32>} : memref<200x128xf32, #tpu.memory_space<vmem>>, vector<1x16xf32>,
        %swap3A_181 = vector.shape_cast %swap3A_180 : vector<1x16xf32> to vector<16xf32>
        %swap3A_182 = vector.shape_cast %mul3A_177 : vector<16xf32> to vector<1x16xf32>
        tpu.vector_store %arg8[%swap3A_178, %swap3A_179], %swap3A_182 {strides = array<i32>} : memref<200x128xf32, #tpu.memory_space<vmem>>, vector<1x16xf32>,
        %add3A_183 = arith.constant 0 : i32
        %add3A_184 = arith.addi %mul3A_142, %add3A_183 : i32
        %get3A_185 = arith.index_cast %add3A_184 : i32 to index
        %get3A_186 = arith.constant 48 : index
        %get3A_187 = tpu.vector_load %arg8[%get3A_185, %get3A_186] {strides = array<i32>} : memref<200x128xf32, #tpu.memory_space<vmem>>, vector<1x16xf32>,
        %get3A_188 = vector.shape_cast %get3A_187 : vector<1x16xf32> to vector<16xf32>
        %mul3A_189 = arith.constant 11.3137083 : f32
        %mul3A_190 = vector.broadcast %mul3A_189 : f32 to vector<16xf32>
        %mul3A_191 = arith.mulf %get3A_188, %mul3A_190 : vector<16xf32>
        %swap3A_192 = arith.index_cast %add3A_184 : i32 to index
        %swap3A_193 = arith.constant 48 : index
        %swap3A_194 = tpu.vector_load %arg8[%swap3A_192, %swap3A_193] {strides = array<i32>} : memref<200x128xf32, #tpu.memory_space<vmem>>, vector<1x16xf32>,
        %swap3A_195 = vector.shape_cast %swap3A_194 : vector<1x16xf32> to vector<16xf32>
        %swap3A_196 = vector.shape_cast %mul3A_191 : vector<16xf32> to vector<1x16xf32>
        tpu.vector_store %arg8[%swap3A_192, %swap3A_193], %swap3A_196 {strides = array<i32>} : memref<200x128xf32, #tpu.memory_space<vmem>>, vector<1x16xf32>,
        %add3A_197 = arith.constant 0 : i32
        %add3A_198 = arith.addi %mul3A_142, %add3A_197 : i32
        %get3A_199 = arith.index_cast %add3A_198 : i32 to index
        %get3A_200 = arith.constant 64 : index
        %get3A_201 = tpu.vector_load %arg8[%get3A_199, %get3A_200] {strides = array<i32>} : memref<200x128xf32, #tpu.memory_space<vmem>>, vector<1x16xf32>,
        %get3A_202 = vector.shape_cast %get3A_201 : vector<1x16xf32> to vector<16xf32>
        %mul3A_203 = arith.constant 11.3137083 : f32
        %mul3A_204 = vector.broadcast %mul3A_203 : f32 to vector<16xf32>
        %mul3A_205 = arith.mulf %get3A_202, %mul3A_204 : vector<16xf32>
        %swap3A_206 = arith.index_cast %add3A_198 : i32 to index
        %swap3A_207 = arith.constant 64 : index
        %swap3A_208 = tpu.vector_load %arg8[%swap3A_206, %swap3A_207] {strides = array<i32>} : memref<200x128xf32, #tpu.memory_space<vmem>>, vector<1x16xf32>,
        %swap3A_209 = vector.shape_cast %swap3A_208 : vector<1x16xf32> to vector<16xf32>
        %swap3A_210 = vector.shape_cast %mul3A_205 : vector<16xf32> to vector<1x16xf32>
        tpu.vector_store %arg8[%swap3A_206, %swap3A_207], %swap3A_210 {strides = array<i32>} : memref<200x128xf32, #tpu.memory_space<vmem>>, vector<1x16xf32>,
        %add3A_211 = arith.constant 0 : i32
        %add3A_212 = arith.addi %mul3A_142, %add3A_211 : i32
        %get3A_213 = arith.index_cast %add3A_212 : i32 to index
        %get3A_214 = arith.constant 80 : index
        %get3A_215 = tpu.vector_load %arg8[%get3A_213, %get3A_214] {strides = array<i32>} : memref<200x128xf32, #tpu.memory_space<vmem>>, vector<1x16xf32>,
        %get3A_216 = vector.shape_cast %get3A_215 : vector<1x16xf32> to vector<16xf32>
        %mul3A_217 = arith.constant 11.3137083 : f32
        %mul3A_218 = vector.broadcast %mul3A_217 : f32 to vector<16xf32>
        %mul3A_219 = arith.mulf %get3A_216, %mul3A_218 : vector<16xf32>
        %swap3A_220 = arith.index_cast %add3A_212 : i32 to index
        %swap3A_221 = arith.constant 80 : index
        %swap3A_222 = tpu.vector_load %arg8[%swap3A_220, %swap3A_221] {strides = array<i32>} : memref<200x128xf32, #tpu.memory_space<vmem>>, vector<1x16xf32>,
        %swap3A_223 = vector.shape_cast %swap3A_222 : vector<1x16xf32> to vector<16xf32>
        %swap3A_224 = vector.shape_cast %mul3A_219 : vector<16xf32> to vector<1x16xf32>
        tpu.vector_store %arg8[%swap3A_220, %swap3A_221], %swap3A_224 {strides = array<i32>} : memref<200x128xf32, #tpu.memory_space<vmem>>, vector<1x16xf32>,
        %add3A_225 = arith.constant 0 : i32
        %add3A_226 = arith.addi %mul3A_142, %add3A_225 : i32
        %get3A_227 = arith.index_cast %add3A_226 : i32 to index
        %get3A_228 = arith.constant 96 : index
        %get3A_229 = tpu.vector_load %arg8[%get3A_227, %get3A_228] {strides = array<i32>} : memref<200x128xf32, #tpu.memory_space<vmem>>, vector<1x16xf32>,
        %get3A_230 = vector.shape_cast %get3A_229 : vector<1x16xf32> to vector<16xf32>
        %mul3A_231 = arith.constant 11.3137083 : f32
        %mul3A_232 = vector.broadcast %mul3A_231 : f32 to vector<16xf32>
        %mul3A_233 = arith.mulf %get3A_230, %mul3A_232 : vector<16xf32>
        %swap3A_234 = arith.index_cast %add3A_226 : i32 to index
        %swap3A_235 = arith.constant 96 : index
        %swap3A_236 = tpu.vector_load %arg8[%swap3A_234, %swap3A_235] {strides = array<i32>} : memref<200x128xf32, #tpu.memory_space<vmem>>, vector<1x16xf32>,
        %swap3A_237 = vector.shape_cast %swap3A_236 : vector<1x16xf32> to vector<16xf32>
        %swap3A_238 = vector.shape_cast %mul3A_233 : vector<16xf32> to vector<1x16xf32>
        tpu.vector_store %arg8[%swap3A_234, %swap3A_235], %swap3A_238 {strides = array<i32>} : memref<200x128xf32, #tpu.memory_space<vmem>>, vector<1x16xf32>,
        %add3A_239 = arith.constant 0 : i32
        %add3A_240 = arith.addi %mul3A_142, %add3A_239 : i32
        %get3A_241 = arith.index_cast %add3A_240 : i32 to index
        %get3A_242 = arith.constant 112 : index
        %get3A_243 = tpu.vector_load %arg8[%get3A_241, %get3A_242] {strides = array<i32>} : memref<200x128xf32, #tpu.memory_space<vmem>>, vector<1x16xf32>,
        %get3A_244 = vector.shape_cast %get3A_243 : vector<1x16xf32> to vector<16xf32>
        %mul3A_245 = arith.constant 11.3137083 : f32
        %mul3A_246 = vector.broadcast %mul3A_245 : f32 to vector<16xf32>
        %mul3A_247 = arith.mulf %get3A_244, %mul3A_246 : vector<16xf32>
        %swap3A_248 = arith.index_cast %add3A_240 : i32 to index
        %swap3A_249 = arith.constant 112 : index
        %swap3A_250 = tpu.vector_load %arg8[%swap3A_248, %swap3A_249] {strides = array<i32>} : memref<200x128xf32, #tpu.memory_space<vmem>>, vector<1x16xf32>,
        %swap3A_251 = vector.shape_cast %swap3A_250 : vector<1x16xf32> to vector<16xf32>
        %swap3A_252 = vector.shape_cast %mul3A_247 : vector<16xf32> to vector<1x16xf32>
        tpu.vector_store %arg8[%swap3A_248, %swap3A_249], %swap3A_252 {strides = array<i32>} : memref<200x128xf32, #tpu.memory_space<vmem>>, vector<1x16xf32>,
        %add3A_253 = arith.constant 1 : i32
        %add3A_254 = arith.addi %mul3A_142, %add3A_253 : i32
        %get3A_255 = arith.index_cast %add3A_254 : i32 to index
        %get3A_256 = arith.constant 0 : index
        %get3A_257 = tpu.vector_load %arg8[%get3A_255, %get3A_256] {strides = array<i32>} : memref<200x128xf32, #tpu.memory_space<vmem>>, vector<1x16xf32>,
        %get3A_258 = vector.shape_cast %get3A_257 : vector<1x16xf32> to vector<16xf32>
        %mul3A_259 = arith.constant 11.3137083 : f32
        %mul3A_260 = vector.broadcast %mul3A_259 : f32 to vector<16xf32>
        %mul3A_261 = arith.mulf %get3A_258, %mul3A_260 : vector<16xf32>
        %swap3A_262 = arith.index_cast %add3A_254 : i32 to index
        %swap3A_263 = arith.constant 0 : index
        %swap3A_264 = tpu.vector_load %arg8[%swap3A_262, %swap3A_263] {strides = array<i32>} : memref<200x128xf32, #tpu.memory_space<vmem>>, vector<1x16xf32>,
        %swap3A_265 = vector.shape_cast %swap3A_264 : vector<1x16xf32> to vector<16xf32>
        %swap3A_266 = vector.shape_cast %mul3A_261 : vector<16xf32> to vector<1x16xf32>
        tpu.vector_store %arg8[%swap3A_262, %swap3A_263], %swap3A_266 {strides = array<i32>} : memref<200x128xf32, #tpu.memory_space<vmem>>, vector<1x16xf32>,
        %add3A_267 = arith.constant 1 : i32
        %add3A_268 = arith.addi %mul3A_142, %add3A_267 : i32
        %get3A_269 = arith.index_cast %add3A_268 : i32 to index
        %get3A_270 = arith.constant 16 : index
        %get3A_271 = tpu.vector_load %arg8[%get3A_269, %get3A_270] {strides = array<i32>} : memref<200x128xf32, #tpu.memory_space<vmem>>, vector<1x16xf32>,
        %get3A_272 = vector.shape_cast %get3A_271 : vector<1x16xf32> to vector<16xf32>
        %mul3A_273 = arith.constant 11.3137083 : f32
        %mul3A_274 = vector.broadcast %mul3A_273 : f32 to vector<16xf32>
        %mul3A_275 = arith.mulf %get3A_272, %mul3A_274 : vector<16xf32>
        %swap3A_276 = arith.index_cast %add3A_268 : i32 to index
        %swap3A_277 = arith.constant 16 : index
        %swap3A_278 = tpu.vector_load %arg8[%swap3A_276, %swap3A_277] {strides = array<i32>} : memref<200x128xf32, #tpu.memory_space<vmem>>, vector<1x16xf32>,
        %swap3A_279 = vector.shape_cast %swap3A_278 : vector<1x16xf32> to vector<16xf32>
        %swap3A_280 = vector.shape_cast %mul3A_275 : vector<16xf32> to vector<1x16xf32>
        tpu.vector_store %arg8[%swap3A_276, %swap3A_277], %swap3A_280 {strides = array<i32>} : memref<200x128xf32, #tpu.memory_space<vmem>>, vector<1x16xf32>,
        %add3A_281 = arith.constant 1 : i32
        %add3A_282 = arith.addi %mul3A_142, %add3A_281 : i32
        %get3A_283 = arith.index_cast %add3A_282 : i32 to index
        %get3A_284 = arith.constant 32 : index
        %get3A_285 = tpu.vector_load %arg8[%get3A_283, %get3A_284] {strides = array<i32>} : memref<200x128xf32, #tpu.memory_space<vmem>>, vector<1x16xf32>,
        %get3A_286 = vector.shape_cast %get3A_285 : vector<1x16xf32> to vector<16xf32>
        %mul3A_287 = arith.constant 11.3137083 : f32
        %mul3A_288 = vector.broadcast %mul3A_287 : f32 to vector<16xf32>
        %mul3A_289 = arith.mulf %get3A_286, %mul3A_288 : vector<16xf32>
        %swap3A_290 = arith.index_cast %add3A_282 : i32 to index
        %swap3A_291 = arith.constant 32 : index
        %swap3A_292 = tpu.vector_load %arg8[%swap3A_290, %swap3A_291] {strides = array<i32>} : memref<200x128xf32, #tpu.memory_space<vmem>>, vector<1x16xf32>,
        %swap3A_293 = vector.shape_cast %swap3A_292 : vector<1x16xf32> to vector<16xf32>
        %swap3A_294 = vector.shape_cast %mul3A_289 : vector<16xf32> to vector<1x16xf32>
        tpu.vector_store %arg8[%swap3A_290, %swap3A_291], %swap3A_294 {strides = array<i32>} : memref<200x128xf32, #tpu.memory_space<vmem>>, vector<1x16xf32>,
        %add3A_295 = arith.constant 1 : i32
        %add3A_296 = arith.addi %mul3A_142, %add3A_295 : i32
        %get3A_297 = arith.index_cast %add3A_296 : i32 to index
        %get3A_298 = arith.constant 48 : index
        %get3A_299 = tpu.vector_load %arg8[%get3A_297, %get3A_298] {strides = array<i32>} : memref<200x128xf32, #tpu.memory_space<vmem>>, vector<1x16xf32>,
        %get3A_300 = vector.shape_cast %get3A_299 : vector<1x16xf32> to vector<16xf32>
        %mul3A_301 = arith.constant 11.3137083 : f32
        %mul3A_302 = vector.broadcast %mul3A_301 : f32 to vector<16xf32>
        %mul3A_303 = arith.mulf %get3A_300, %mul3A_302 : vector<16xf32>
        %swap3A_304 = arith.index_cast %add3A_296 : i32 to index
        %swap3A_305 = arith.constant 48 : index
        %swap3A_306 = tpu.vector_load %arg8[%swap3A_304, %swap3A_305] {strides = array<i32>} : memref<200x128xf32, #tpu.memory_space<vmem>>, vector<1x16xf32>,
        %swap3A_307 = vector.shape_cast %swap3A_306 : vector<1x16xf32> to vector<16xf32>
        %swap3A_308 = vector.shape_cast %mul3A_303 : vector<16xf32> to vector<1x16xf32>
        tpu.vector_store %arg8[%swap3A_304, %swap3A_305], %swap3A_308 {strides = array<i32>} : memref<200x128xf32, #tpu.memory_space<vmem>>, vector<1x16xf32>,
        %add3A_309 = arith.constant 1 : i32
        %add3A_310 = arith.addi %mul3A_142, %add3A_309 : i32
        %get3A_311 = arith.index_cast %add3A_310 : i32 to index
        %get3A_312 = arith.constant 64 : index
        %get3A_313 = tpu.vector_load %arg8[%get3A_311, %get3A_312] {strides = array<i32>} : memref<200x128xf32, #tpu.memory_space<vmem>>, vector<1x16xf32>,
        %get3A_314 = vector.shape_cast %get3A_313 : vector<1x16xf32> to vector<16xf32>
        %mul3A_315 = arith.constant 11.3137083 : f32
        %mul3A_316 = vector.broadcast %mul3A_315 : f32 to vector<16xf32>
        %mul3A_317 = arith.mulf %get3A_314, %mul3A_316 : vector<16xf32>
        %swap3A_318 = arith.index_cast %add3A_310 : i32 to index
        %swap3A_319 = arith.constant 64 : index
        %swap3A_320 = tpu.vector_load %arg8[%swap3A_318, %swap3A_319] {strides = array<i32>} : memref<200x128xf32, #tpu.memory_space<vmem>>, vector<1x16xf32>,
        %swap3A_321 = vector.shape_cast %swap3A_320 : vector<1x16xf32> to vector<16xf32>
        %swap3A_322 = vector.shape_cast %mul3A_317 : vector<16xf32> to vector<1x16xf32>
        tpu.vector_store %arg8[%swap3A_318, %swap3A_319], %swap3A_322 {strides = array<i32>} : memref<200x128xf32, #tpu.memory_space<vmem>>, vector<1x16xf32>,
        %add3A_323 = arith.constant 1 : i32
        %add3A_324 = arith.addi %mul3A_142, %add3A_323 : i32
        %get3A_325 = arith.index_cast %add3A_324 : i32 to index
        %get3A_326 = arith.constant 80 : index
        %get3A_327 = tpu.vector_load %arg8[%get3A_325, %get3A_326] {strides = array<i32>} : memref<200x128xf32, #tpu.memory_space<vmem>>, vector<1x16xf32>,
        %get3A_328 = vector.shape_cast %get3A_327 : vector<1x16xf32> to vector<16xf32>
        %mul3A_329 = arith.constant 11.3137083 : f32
        %mul3A_330 = vector.broadcast %mul3A_329 : f32 to vector<16xf32>
        %mul3A_331 = arith.mulf %get3A_328, %mul3A_330 : vector<16xf32>
        %swap3A_332 = arith.index_cast %add3A_324 : i32 to index
        %swap3A_333 = arith.constant 80 : index
        %swap3A_334 = tpu.vector_load %arg8[%swap3A_332, %swap3A_333] {strides = array<i32>} : memref<200x128xf32, #tpu.memory_space<vmem>>, vector<1x16xf32>,
        %swap3A_335 = vector.shape_cast %swap3A_334 : vector<1x16xf32> to vector<16xf32>
        %swap3A_336 = vector.shape_cast %mul3A_331 : vector<16xf32> to vector<1x16xf32>
        tpu.vector_store %arg8[%swap3A_332, %swap3A_333], %swap3A_336 {strides = array<i32>} : memref<200x128xf32, #tpu.memory_space<vmem>>, vector<1x16xf32>,
        %add3A_337 = arith.constant 1 : i32
        %add3A_338 = arith.addi %mul3A_142, %add3A_337 : i32
        %get3A_339 = arith.index_cast %add3A_338 : i32 to index
        %get3A_340 = arith.constant 96 : index
        %get3A_341 = tpu.vector_load %arg8[%get3A_339, %get3A_340] {strides = array<i32>} : memref<200x128xf32, #tpu.memory_space<vmem>>, vector<1x16xf32>,
        %get3A_342 = vector.shape_cast %get3A_341 : vector<1x16xf32> to vector<16xf32>
        %mul3A_343 = arith.constant 11.3137083 : f32
        %mul3A_344 = vector.broadcast %mul3A_343 : f32 to vector<16xf32>
        %mul3A_345 = arith.mulf %get3A_342, %mul3A_344 : vector<16xf32>
        %swap3A_346 = arith.index_cast %add3A_338 : i32 to index
        %swap3A_347 = arith.constant 96 : index
        %swap3A_348 = tpu.vector_load %arg8[%swap3A_346, %swap3A_347] {strides = array<i32>} : memref<200x128xf32, #tpu.memory_space<vmem>>, vector<1x16xf32>,
        %swap3A_349 = vector.shape_cast %swap3A_348 : vector<1x16xf32> to vector<16xf32>
        %swap3A_350 = vector.shape_cast %mul3A_345 : vector<16xf32> to vector<1x16xf32>
        tpu.vector_store %arg8[%swap3A_346, %swap3A_347], %swap3A_350 {strides = array<i32>} : memref<200x128xf32, #tpu.memory_space<vmem>>, vector<1x16xf32>,
        %add3A_351 = arith.constant 1 : i32
        %add3A_352 = arith.addi %mul3A_142, %add3A_351 : i32
        %get3A_353 = arith.index_cast %add3A_352 : i32 to index
        %get3A_354 = arith.constant 112 : index
        %get3A_355 = tpu.vector_load %arg8[%get3A_353, %get3A_354] {strides = array<i32>} : memref<200x128xf32, #tpu.memory_space<vmem>>, vector<1x16xf32>,
        %get3A_356 = vector.shape_cast %get3A_355 : vector<1x16xf32> to vector<16xf32>
        %mul3A_357 = arith.constant 11.3137083 : f32
        %mul3A_358 = vector.broadcast %mul3A_357 : f32 to vector<16xf32>
        %mul3A_359 = arith.mulf %get3A_356, %mul3A_358 : vector<16xf32>
        %swap3A_360 = arith.index_cast %add3A_352 : i32 to index
        %swap3A_361 = arith.constant 112 : index
        %swap3A_362 = tpu.vector_load %arg8[%swap3A_360, %swap3A_361] {strides = array<i32>} : memref<200x128xf32, #tpu.memory_space<vmem>>, vector<1x16xf32>,
        %swap3A_363 = vector.shape_cast %swap3A_362 : vector<1x16xf32> to vector<16xf32>
        %swap3A_364 = vector.shape_cast %mul3A_359 : vector<16xf32> to vector<1x16xf32>
        tpu.vector_store %arg8[%swap3A_360, %swap3A_361], %swap3A_364 {strides = array<i32>} : memref<200x128xf32, #tpu.memory_space<vmem>>, vector<1x16xf32>,
        %add3A_365 = arith.constant 2 : i32
        %add3A_366 = arith.addi %mul3A_142, %add3A_365 : i32
        %get3A_367 = arith.index_cast %add3A_366 : i32 to index
        %get3A_368 = arith.constant 0 : index
        %get3A_369 = tpu.vector_load %arg8[%get3A_367, %get3A_368] {strides = array<i32>} : memref<200x128xf32, #tpu.memory_space<vmem>>, vector<1x16xf32>,
        %get3A_370 = vector.shape_cast %get3A_369 : vector<1x16xf32> to vector<16xf32>
        %mul3A_371 = arith.constant 11.3137083 : f32
        %mul3A_372 = vector.broadcast %mul3A_371 : f32 to vector<16xf32>
        %mul3A_373 = arith.mulf %get3A_370, %mul3A_372 : vector<16xf32>
        %swap3A_374 = arith.index_cast %add3A_366 : i32 to index
        %swap3A_375 = arith.constant 0 : index
        %swap3A_376 = tpu.vector_load %arg8[%swap3A_374, %swap3A_375] {strides = array<i32>} : memref<200x128xf32, #tpu.memory_space<vmem>>, vector<1x16xf32>,
        %swap3A_377 = vector.shape_cast %swap3A_376 : vector<1x16xf32> to vector<16xf32>
        %swap3A_378 = vector.shape_cast %mul3A_373 : vector<16xf32> to vector<1x16xf32>
        tpu.vector_store %arg8[%swap3A_374, %swap3A_375], %swap3A_378 {strides = array<i32>} : memref<200x128xf32, #tpu.memory_space<vmem>>, vector<1x16xf32>,
        %add3A_379 = arith.constant 2 : i32
        %add3A_380 = arith.addi %mul3A_142, %add3A_379 : i32
        %get3A_381 = arith.index_cast %add3A_380 : i32 to index
        %get3A_382 = arith.constant 16 : index
        %get3A_383 = tpu.vector_load %arg8[%get3A_381, %get3A_382] {strides = array<i32>} : memref<200x128xf32, #tpu.memory_space<vmem>>, vector<1x16xf32>,
        %get3A_384 = vector.shape_cast %get3A_383 : vector<1x16xf32> to vector<16xf32>
        %mul3A_385 = arith.constant 11.3137083 : f32
        %mul3A_386 = vector.broadcast %mul3A_385 : f32 to vector<16xf32>
        %mul3A_387 = arith.mulf %get3A_384, %mul3A_386 : vector<16xf32>
        %swap3A_388 = arith.index_cast %add3A_380 : i32 to index
        %swap3A_389 = arith.constant 16 : index
        %swap3A_390 = tpu.vector_load %arg8[%swap3A_388, %swap3A_389] {strides = array<i32>} : memref<200x128xf32, #tpu.memory_space<vmem>>, vector<1x16xf32>,
        %swap3A_391 = vector.shape_cast %swap3A_390 : vector<1x16xf32> to vector<16xf32>
        %swap3A_392 = vector.shape_cast %mul3A_387 : vector<16xf32> to vector<1x16xf32>
        tpu.vector_store %arg8[%swap3A_388, %swap3A_389], %swap3A_392 {strides = array<i32>} : memref<200x128xf32, #tpu.memory_space<vmem>>, vector<1x16xf32>,
        %add3A_393 = arith.constant 2 : i32
        %add3A_394 = arith.addi %mul3A_142, %add3A_393 : i32
        %get3A_395 = arith.index_cast %add3A_394 : i32 to index
        %get3A_396 = arith.constant 32 : index
        %get3A_397 = tpu.vector_load %arg8[%get3A_395, %get3A_396] {strides = array<i32>} : memref<200x128xf32, #tpu.memory_space<vmem>>, vector<1x16xf32>,
        %get3A_398 = vector.shape_cast %get3A_397 : vector<1x16xf32> to vector<16xf32>
        %mul3A_399 = arith.constant 11.3137083 : f32
        %mul3A_400 = vector.broadcast %mul3A_399 : f32 to vector<16xf32>
        %mul3A_401 = arith.mulf %get3A_398, %mul3A_400 : vector<16xf32>
        %swap3A_402 = arith.index_cast %add3A_394 : i32 to index
        %swap3A_403 = arith.constant 32 : index
        %swap3A_404 = tpu.vector_load %arg8[%swap3A_402, %swap3A_403] {strides = array<i32>} : memref<200x128xf32, #tpu.memory_space<vmem>>, vector<1x16xf32>,
        %swap3A_405 = vector.shape_cast %swap3A_404 : vector<1x16xf32> to vector<16xf32>
        %swap3A_406 = vector.shape_cast %mul3A_401 : vector<16xf32> to vector<1x16xf32>
        tpu.vector_store %arg8[%swap3A_402, %swap3A_403], %swap3A_406 {strides = array<i32>} : memref<200x128xf32, #tpu.memory_space<vmem>>, vector<1x16xf32>,
        %add3A_407 = arith.constant 2 : i32
        %add3A_408 = arith.addi %mul3A_142, %add3A_407 : i32
        %get3A_409 = arith.index_cast %add3A_408 : i32 to index
        %get3A_410 = arith.constant 48 : index
        %get3A_411 = tpu.vector_load %arg8[%get3A_409, %get3A_410] {strides = array<i32>} : memref<200x128xf32, #tpu.memory_space<vmem>>, vector<1x16xf32>,
        %get3A_412 = vector.shape_cast %get3A_411 : vector<1x16xf32> to vector<16xf32>
        %mul3A_413 = arith.constant 11.3137083 : f32
        %mul3A_414 = vector.broadcast %mul3A_413 : f32 to vector<16xf32>
        %mul3A_415 = arith.mulf %get3A_412, %mul3A_414 : vector<16xf32>
        %swap3A_416 = arith.index_cast %add3A_408 : i32 to index
        %swap3A_417 = arith.constant 48 : index
        %swap3A_418 = tpu.vector_load %arg8[%swap3A_416, %swap3A_417] {strides = array<i32>} : memref<200x128xf32, #tpu.memory_space<vmem>>, vector<1x16xf32>,
        %swap3A_419 = vector.shape_cast %swap3A_418 : vector<1x16xf32> to vector<16xf32>
        %swap3A_420 = vector.shape_cast %mul3A_415 : vector<16xf32> to vector<1x16xf32>
        tpu.vector_store %arg8[%swap3A_416, %swap3A_417], %swap3A_420 {strides = array<i32>} : memref<200x128xf32, #tpu.memory_space<vmem>>, vector<1x16xf32>,
        %add3A_421 = arith.constant 2 : i32
        %add3A_422 = arith.addi %mul3A_142, %add3A_421 : i32
        %get3A_423 = arith.index_cast %add3A_422 : i32 to index
        %get3A_424 = arith.constant 64 : index
        %get3A_425 = tpu.vector_load %arg8[%get3A_423, %get3A_424] {strides = array<i32>} : memref<200x128xf32, #tpu.memory_space<vmem>>, vector<1x16xf32>,
        %get3A_426 = vector.shape_cast %get3A_425 : vector<1x16xf32> to vector<16xf32>
        %mul3A_427 = arith.constant 11.3137083 : f32
        %mul3A_428 = vector.broadcast %mul3A_427 : f32 to vector<16xf32>
        %mul3A_429 = arith.mulf %get3A_426, %mul3A_428 : vector<16xf32>
        %swap3A_430 = arith.index_cast %add3A_422 : i32 to index
        %swap3A_431 = arith.constant 64 : index
        %swap3A_432 = tpu.vector_load %arg8[%swap3A_430, %swap3A_431] {strides = array<i32>} : memref<200x128xf32, #tpu.memory_space<vmem>>, vector<1x16xf32>,
        %swap3A_433 = vector.shape_cast %swap3A_432 : vector<1x16xf32> to vector<16xf32>
        %swap3A_434 = vector.shape_cast %mul3A_429 : vector<16xf32> to vector<1x16xf32>
        tpu.vector_store %arg8[%swap3A_430, %swap3A_431], %swap3A_434 {strides = array<i32>} : memref<200x128xf32, #tpu.memory_space<vmem>>, vector<1x16xf32>,
        %add3A_435 = arith.constant 2 : i32
        %add3A_436 = arith.addi %mul3A_142, %add3A_435 : i32
        %get3A_437 = arith.index_cast %add3A_436 : i32 to index
        %get3A_438 = arith.constant 80 : index
        %get3A_439 = tpu.vector_load %arg8[%get3A_437, %get3A_438] {strides = array<i32>} : memref<200x128xf32, #tpu.memory_space<vmem>>, vector<1x16xf32>,
        %get3A_440 = vector.shape_cast %get3A_439 : vector<1x16xf32> to vector<16xf32>
        %mul3A_441 = arith.constant 11.3137083 : f32
        %mul3A_442 = vector.broadcast %mul3A_441 : f32 to vector<16xf32>
        %mul3A_443 = arith.mulf %get3A_440, %mul3A_442 : vector<16xf32>
        %swap3A_444 = arith.index_cast %add3A_436 : i32 to index
        %swap3A_445 = arith.constant 80 : index
        %swap3A_446 = tpu.vector_load %arg8[%swap3A_444, %swap3A_445] {strides = array<i32>} : memref<200x128xf32, #tpu.memory_space<vmem>>, vector<1x16xf32>,
        %swap3A_447 = vector.shape_cast %swap3A_446 : vector<1x16xf32> to vector<16xf32>
        %swap3A_448 = vector.shape_cast %mul3A_443 : vector<16xf32> to vector<1x16xf32>
        tpu.vector_store %arg8[%swap3A_444, %swap3A_445], %swap3A_448 {strides = array<i32>} : memref<200x128xf32, #tpu.memory_space<vmem>>, vector<1x16xf32>,
        %add3A_449 = arith.constant 2 : i32
        %add3A_450 = arith.addi %mul3A_142, %add3A_449 : i32
        %get3A_451 = arith.index_cast %add3A_450 : i32 to index
        %get3A_452 = arith.constant 96 : index
        %get3A_453 = tpu.vector_load %arg8[%get3A_451, %get3A_452] {strides = array<i32>} : memref<200x128xf32, #tpu.memory_space<vmem>>, vector<1x16xf32>,
        %get3A_454 = vector.shape_cast %get3A_453 : vector<1x16xf32> to vector<16xf32>
        %mul3A_455 = arith.constant 11.3137083 : f32
        %mul3A_456 = vector.broadcast %mul3A_455 : f32 to vector<16xf32>
        %mul3A_457 = arith.mulf %get3A_454, %mul3A_456 : vector<16xf32>
        %swap3A_458 = arith.index_cast %add3A_450 : i32 to index
        %swap3A_459 = arith.constant 96 : index
        %swap3A_460 = tpu.vector_load %arg8[%swap3A_458, %swap3A_459] {strides = array<i32>} : memref<200x128xf32, #tpu.memory_space<vmem>>, vector<1x16xf32>,
        %swap3A_461 = vector.shape_cast %swap3A_460 : vector<1x16xf32> to vector<16xf32>
        %swap3A_462 = vector.shape_cast %mul3A_457 : vector<16xf32> to vector<1x16xf32>
        tpu.vector_store %arg8[%swap3A_458, %swap3A_459], %swap3A_462 {strides = array<i32>} : memref<200x128xf32, #tpu.memory_space<vmem>>, vector<1x16xf32>,
        %add3A_463 = arith.constant 2 : i32
        %add3A_464 = arith.addi %mul3A_142, %add3A_463 : i32
        %get3A_465 = arith.index_cast %add3A_464 : i32 to index
        %get3A_466 = arith.constant 112 : index
        %get3A_467 = tpu.vector_load %arg8[%get3A_465, %get3A_466] {strides = array<i32>} : memref<200x128xf32, #tpu.memory_space<vmem>>, vector<1x16xf32>,
        %get3A_468 = vector.shape_cast %get3A_467 : vector<1x16xf32> to vector<16xf32>
        %mul3A_469 = arith.constant 11.3137083 : f32
        %mul3A_470 = vector.broadcast %mul3A_469 : f32 to vector<16xf32>
        %mul3A_471 = arith.mulf %get3A_468, %mul3A_470 : vector<16xf32>
        %swap3A_472 = arith.index_cast %add3A_464 : i32 to index
        %swap3A_473 = arith.constant 112 : index
        %swap3A_474 = tpu.vector_load %arg8[%swap3A_472, %swap3A_473] {strides = array<i32>} : memref<200x128xf32, #tpu.memory_space<vmem>>, vector<1x16xf32>,
        %swap3A_475 = vector.shape_cast %swap3A_474 : vector<1x16xf32> to vector<16xf32>
        %swap3A_476 = vector.shape_cast %mul3A_471 : vector<16xf32> to vector<1x16xf32>
        tpu.vector_store %arg8[%swap3A_472, %swap3A_473], %swap3A_476 {strides = array<i32>} : memref<200x128xf32, #tpu.memory_space<vmem>>, vector<1x16xf32>,
        %add3A_477 = arith.constant 3 : i32
        %add3A_478 = arith.addi %mul3A_142, %add3A_477 : i32
        %get3A_479 = arith.index_cast %add3A_478 : i32 to index
        %get3A_480 = arith.constant 0 : index
        %get3A_481 = tpu.vector_load %arg8[%get3A_479, %get3A_480] {strides = array<i32>} : memref<200x128xf32, #tpu.memory_space<vmem>>, vector<1x16xf32>,
        %get3A_482 = vector.shape_cast %get3A_481 : vector<1x16xf32> to vector<16xf32>
        %mul3A_483 = arith.constant 11.3137083 : f32
        %mul3A_484 = vector.broadcast %mul3A_483 : f32 to vector<16xf32>
        %mul3A_485 = arith.mulf %get3A_482, %mul3A_484 : vector<16xf32>
        %swap3A_486 = arith.index_cast %add3A_478 : i32 to index
        %swap3A_487 = arith.constant 0 : index
        %swap3A_488 = tpu.vector_load %arg8[%swap3A_486, %swap3A_487] {strides = array<i32>} : memref<200x128xf32, #tpu.memory_space<vmem>>, vector<1x16xf32>,
        %swap3A_489 = vector.shape_cast %swap3A_488 : vector<1x16xf32> to vector<16xf32>
        %swap3A_490 = vector.shape_cast %mul3A_485 : vector<16xf32> to vector<1x16xf32>
        tpu.vector_store %arg8[%swap3A_486, %swap3A_487], %swap3A_490 {strides = array<i32>} : memref<200x128xf32, #tpu.memory_space<vmem>>, vector<1x16xf32>,
        %add3A_491 = arith.constant 3 : i32
        %add3A_492 = arith.addi %mul3A_142, %add3A_491 : i32
        %get3A_493 = arith.index_cast %add3A_492 : i32 to index
        %get3A_494 = arith.constant 16 : index
        %get3A_495 = tpu.vector_load %arg8[%get3A_493, %get3A_494] {strides = array<i32>} : memref<200x128xf32, #tpu.memory_space<vmem>>, vector<1x16xf32>,
        %get3A_496 = vector.shape_cast %get3A_495 : vector<1x16xf32> to vector<16xf32>
        %mul3A_497 = arith.constant 11.3137083 : f32
        %mul3A_498 = vector.broadcast %mul3A_497 : f32 to vector<16xf32>
        %mul3A_499 = arith.mulf %get3A_496, %mul3A_498 : vector<16xf32>
        %swap3A_500 = arith.index_cast %add3A_492 : i32 to index
        %swap3A_501 = arith.constant 16 : index
        %swap3A_502 = tpu.vector_load %arg8[%swap3A_500, %swap3A_501] {strides = array<i32>} : memref<200x128xf32, #tpu.memory_space<vmem>>, vector<1x16xf32>,
        %swap3A_503 = vector.shape_cast %swap3A_502 : vector<1x16xf32> to vector<16xf32>
        %swap3A_504 = vector.shape_cast %mul3A_499 : vector<16xf32> to vector<1x16xf32>
        tpu.vector_store %arg8[%swap3A_500, %swap3A_501], %swap3A_504 {strides = array<i32>} : memref<200x128xf32, #tpu.memory_space<vmem>>, vector<1x16xf32>,
        %add3A_505 = arith.constant 3 : i32
        %add3A_506 = arith.addi %mul3A_142, %add3A_505 : i32
        %get3A_507 = arith.index_cast %add3A_506 : i32 to index
        %get3A_508 = arith.constant 32 : index
        %get3A_509 = tpu.vector_load %arg8[%get3A_507, %get3A_508] {strides = array<i32>} : memref<200x128xf32, #tpu.memory_space<vmem>>, vector<1x16xf32>,
        %get3A_510 = vector.shape_cast %get3A_509 : vector<1x16xf32> to vector<16xf32>
        %mul3A_511 = arith.constant 11.3137083 : f32
        %mul3A_512 = vector.broadcast %mul3A_511 : f32 to vector<16xf32>
        %mul3A_513 = arith.mulf %get3A_510, %mul3A_512 : vector<16xf32>
        %swap3A_514 = arith.index_cast %add3A_506 : i32 to index
        %swap3A_515 = arith.constant 32 : index
        %swap3A_516 = tpu.vector_load %arg8[%swap3A_514, %swap3A_515] {strides = array<i32>} : memref<200x128xf32, #tpu.memory_space<vmem>>, vector<1x16xf32>,
        %swap3A_517 = vector.shape_cast %swap3A_516 : vector<1x16xf32> to vector<16xf32>
        %swap3A_518 = vector.shape_cast %mul3A_513 : vector<16xf32> to vector<1x16xf32>
        tpu.vector_store %arg8[%swap3A_514, %swap3A_515], %swap3A_518 {strides = array<i32>} : memref<200x128xf32, #tpu.memory_space<vmem>>, vector<1x16xf32>,
        %add3A_519 = arith.constant 3 : i32
        %add3A_520 = arith.addi %mul3A_142, %add3A_519 : i32
        %get3A_521 = arith.index_cast %add3A_520 : i32 to index
        %get3A_522 = arith.constant 48 : index
        %get3A_523 = tpu.vector_load %arg8[%get3A_521, %get3A_522] {strides = array<i32>} : memref<200x128xf32, #tpu.memory_space<vmem>>, vector<1x16xf32>,
        %get3A_524 = vector.shape_cast %get3A_523 : vector<1x16xf32> to vector<16xf32>
        %mul3A_525 = arith.constant 11.3137083 : f32
        %mul3A_526 = vector.broadcast %mul3A_525 : f32 to vector<16xf32>
        %mul3A_527 = arith.mulf %get3A_524, %mul3A_526 : vector<16xf32>
        %swap3A_528 = arith.index_cast %add3A_520 : i32 to index
        %swap3A_529 = arith.constant 48 : index
        %swap3A_530 = tpu.vector_load %arg8[%swap3A_528, %swap3A_529] {strides = array<i32>} : memref<200x128xf32, #tpu.memory_space<vmem>>, vector<1x16xf32>,
        %swap3A_531 = vector.shape_cast %swap3A_530 : vector<1x16xf32> to vector<16xf32>
        %swap3A_532 = vector.shape_cast %mul3A_527 : vector<16xf32> to vector<1x16xf32>
        tpu.vector_store %arg8[%swap3A_528, %swap3A_529], %swap3A_532 {strides = array<i32>} : memref<200x128xf32, #tpu.memory_space<vmem>>, vector<1x16xf32>,
        %add3A_533 = arith.constant 3 : i32
        %add3A_534 = arith.addi %mul3A_142, %add3A_533 : i32
        %get3A_535 = arith.index_cast %add3A_534 : i32 to index
        %get3A_536 = arith.constant 64 : index
        %get3A_537 = tpu.vector_load %arg8[%get3A_535, %get3A_536] {strides = array<i32>} : memref<200x128xf32, #tpu.memory_space<vmem>>, vector<1x16xf32>,
        %get3A_538 = vector.shape_cast %get3A_537 : vector<1x16xf32> to vector<16xf32>
        %mul3A_539 = arith.constant 11.3137083 : f32
        %mul3A_540 = vector.broadcast %mul3A_539 : f32 to vector<16xf32>
        %mul3A_541 = arith.mulf %get3A_538, %mul3A_540 : vector<16xf32>
        %swap3A_542 = arith.index_cast %add3A_534 : i32 to index
        %swap3A_543 = arith.constant 64 : index
        %swap3A_544 = tpu.vector_load %arg8[%swap3A_542, %swap3A_543] {strides = array<i32>} : memref<200x128xf32, #tpu.memory_space<vmem>>, vector<1x16xf32>,
        %swap3A_545 = vector.shape_cast %swap3A_544 : vector<1x16xf32> to vector<16xf32>
        %swap3A_546 = vector.shape_cast %mul3A_541 : vector<16xf32> to vector<1x16xf32>
        tpu.vector_store %arg8[%swap3A_542, %swap3A_543], %swap3A_546 {strides = array<i32>} : memref<200x128xf32, #tpu.memory_space<vmem>>, vector<1x16xf32>,
        %add3A_547 = arith.constant 3 : i32
        %add3A_548 = arith.addi %mul3A_142, %add3A_547 : i32
        %get3A_549 = arith.index_cast %add3A_548 : i32 to index
        %get3A_550 = arith.constant 80 : index
        %get3A_551 = tpu.vector_load %arg8[%get3A_549, %get3A_550] {strides = array<i32>} : memref<200x128xf32, #tpu.memory_space<vmem>>, vector<1x16xf32>,
        %get3A_552 = vector.shape_cast %get3A_551 : vector<1x16xf32> to vector<16xf32>
        %mul3A_553 = arith.constant 11.3137083 : f32
        %mul3A_554 = vector.broadcast %mul3A_553 : f32 to vector<16xf32>
        %mul3A_555 = arith.mulf %get3A_552, %mul3A_554 : vector<16xf32>
        %swap3A_556 = arith.index_cast %add3A_548 : i32 to index
        %swap3A_557 = arith.constant 80 : index
        %swap3A_558 = tpu.vector_load %arg8[%swap3A_556, %swap3A_557] {strides = array<i32>} : memref<200x128xf32, #tpu.memory_space<vmem>>, vector<1x16xf32>,
        %swap3A_559 = vector.shape_cast %swap3A_558 : vector<1x16xf32> to vector<16xf32>
        %swap3A_560 = vector.shape_cast %mul3A_555 : vector<16xf32> to vector<1x16xf32>
        tpu.vector_store %arg8[%swap3A_556, %swap3A_557], %swap3A_560 {strides = array<i32>} : memref<200x128xf32, #tpu.memory_space<vmem>>, vector<1x16xf32>,
        %add3A_561 = arith.constant 3 : i32
        %add3A_562 = arith.addi %mul3A_142, %add3A_561 : i32
        %get3A_563 = arith.index_cast %add3A_562 : i32 to index
        %get3A_564 = arith.constant 96 : index
        %get3A_565 = tpu.vector_load %arg8[%get3A_563, %get3A_564] {strides = array<i32>} : memref<200x128xf32, #tpu.memory_space<vmem>>, vector<1x16xf32>,
        %get3A_566 = vector.shape_cast %get3A_565 : vector<1x16xf32> to vector<16xf32>
        %mul3A_567 = arith.constant 11.3137083 : f32
        %mul3A_568 = vector.broadcast %mul3A_567 : f32 to vector<16xf32>
        %mul3A_569 = arith.mulf %get3A_566, %mul3A_568 : vector<16xf32>
        %swap3A_570 = arith.index_cast %add3A_562 : i32 to index
        %swap3A_571 = arith.constant 96 : index
        %swap3A_572 = tpu.vector_load %arg8[%swap3A_570, %swap3A_571] {strides = array<i32>} : memref<200x128xf32, #tpu.memory_space<vmem>>, vector<1x16xf32>,
        %swap3A_573 = vector.shape_cast %swap3A_572 : vector<1x16xf32> to vector<16xf32>
        %swap3A_574 = vector.shape_cast %mul3A_569 : vector<16xf32> to vector<1x16xf32>
        tpu.vector_store %arg8[%swap3A_570, %swap3A_571], %swap3A_574 {strides = array<i32>} : memref<200x128xf32, #tpu.memory_space<vmem>>, vector<1x16xf32>,
        %add3A_575 = arith.constant 3 : i32
        %add3A_576 = arith.addi %mul3A_142, %add3A_575 : i32
        %get3A_577 = arith.index_cast %add3A_576 : i32 to index
        %get3A_578 = arith.constant 112 : index
        %get3A_579 = tpu.vector_load %arg8[%get3A_577, %get3A_578] {strides = array<i32>} : memref<200x128xf32, #tpu.memory_space<vmem>>, vector<1x16xf32>,
        %get3A_580 = vector.shape_cast %get3A_579 : vector<1x16xf32> to vector<16xf32>
        %mul3A_581 = arith.constant 11.3137083 : f32
        %mul3A_582 = vector.broadcast %mul3A_581 : f32 to vector<16xf32>
        %mul3A_583 = arith.mulf %get3A_580, %mul3A_582 : vector<16xf32>
        %swap3A_584 = arith.index_cast %add3A_576 : i32 to index
        %swap3A_585 = arith.constant 112 : index
        %swap3A_586 = tpu.vector_load %arg8[%swap3A_584, %swap3A_585] {strides = array<i32>} : memref<200x128xf32, #tpu.memory_space<vmem>>, vector<1x16xf32>,
        %swap3A_587 = vector.shape_cast %swap3A_586 : vector<1x16xf32> to vector<16xf32>
        %swap3A_588 = vector.shape_cast %mul3A_583 : vector<16xf32> to vector<1x16xf32>
        tpu.vector_store %arg8[%swap3A_584, %swap3A_585], %swap3A_588 {strides = array<i32>} : memref<200x128xf32, #tpu.memory_space<vmem>>, vector<1x16xf32>,
      }
      %scan3A_105 = arith.constant 50 : i32
      %mul3A_106 = arith.constant 200 : i32
      %mul3A_107 = arith.muli %add3A_87, %mul3A_106 : i32
      %add3A_108 = arith.addi %mul3A_2, %mul3A_107 : i32
      %dma_start3A_109 = arith.constant 0 : i32
      %dma_start3A_110 = tpu.memref_slice %arg4[%add3A_108, %dma_start3A_109] : memref<819200x128xf32, #tpu.memory_space<hbm>> -> memref<200x128xf32, #tpu.memory_space<hbm>>
      %dma_start3A_111 = arith.constant 0 : i32
      %dma_start3A_112 = tpu.memref_slice %arg4[%add3A_108, %dma_start3A_111] : memref<819200x128xf32, #tpu.memory_space<hbm>> -> memref<200x128xf32, #tpu.memory_space<hbm>>
      tpu.enqueue_dma source(%arg8 : memref<200x128xf32, #tpu.memory_space<vmem>>) target(%dma_start3A_112 : memref<200x128xf32, #tpu.memory_space<hbm>>) target_semaphore(%arg16 : memref<!tpu.dma_semaphore, #tpu.memory_space<semaphore_mem>>)
      %add3A_113 = arith.constant 3 : i32
      %add3A_114 = arith.addi %mul3A_34, %add3A_113 : i32
      %dma_wait3A_115 = arith.constant 0 : i32
      %dma_wait3A_116 = tpu.memref_slice %arg5[%dma_wait3A_115] : memref<25600xi32, #tpu.memory_space<vmem>> -> memref<200xi32, #tpu.memory_space<vmem>>
      %dma_wait3A_117 = arith.constant 0 : i32
      %dma_wait3A_118 = arith.constant 0 : i32
      %dma_wait3A_119 = tpu.memref_slice %arg2[%dma_wait3A_117, %dma_wait3A_118] : memref<100000x128xf32, #tpu.memory_space<hbm>> -> memref<100000x128xf32, #tpu.memory_space<hbm>>
      tpu.wait_indirect_dma semaphore(%arg13 : memref<!tpu.dma_semaphore, #tpu.memory_space<semaphore_mem>>) src(%dma_wait3A_119 : memref<100000x128xf32, #tpu.memory_space<hbm>>) dst(%arg9 : memref<200x128xf32, #tpu.memory_space<vmem>>)
      %add3A_120 = arith.constant 2 : i32
      %add3A_121 = arith.addi %add3A_114, %add3A_120 : i32
      %lt3A_122 = arith.constant 128 : i32
      %lt3A_123 = arith.cmpi slt, %add3A_121, %lt3A_122 : i32
      %convert_element_type3A_124 = arith.extui %lt3A_123 : i1 to i32
      %cond3A_125 = arith.constant 0 : i32
      %cond3A_126 = arith.cmpi ne, %convert_element_type3A_124, %cond3A_125 : i32
      scf.if %cond3A_126 {
        %ge3A = arith.constant 2 : i32
        %ge3A_140 = arith.cmpi sge, %add3A_114, %ge3A : i32
        %convert_element_type3A_141 = arith.extui %ge3A_140 : i1 to i32
        %cond3A_142 = arith.constant 0 : i32
        %cond3A_143 = arith.cmpi ne, %convert_element_type3A_141, %cond3A_142 : i32
        scf.if %cond3A_143 {
          %dma_wait3A_152 = arith.constant 0 : i32
          %dma_wait3A_153 = tpu.memref_slice %arg4[%mul3A_2, %dma_wait3A_152] : memref<819200x128xf32, #tpu.memory_space<hbm>> -> memref<200x128xf32, #tpu.memory_space<hbm>>
          %dma_wait3A_154 = arith.constant 0 : i32
          %dma_wait3A_155 = tpu.memref_slice %arg4[%mul3A_2, %dma_wait3A_154] : memref<819200x128xf32, #tpu.memory_space<hbm>> -> memref<200x128xf32, #tpu.memory_space<hbm>>
          tpu.wait_dma2 semaphore(%arg15 : memref<!tpu.dma_semaphore, #tpu.memory_space<semaphore_mem>>) src(%arg7 : memref<200x128xf32, #tpu.memory_space<vmem>>) dst(%dma_wait3A_155 : memref<200x128xf32, #tpu.memory_space<hbm>>)
        } else {
        }
        %add3A_144 = arith.constant 2 : i32
        %add3A_145 = arith.addi %add3A_114, %add3A_144 : i32
        %mul3A_146 = arith.constant 200 : i32
        %mul3A_147 = arith.muli %add3A_145, %mul3A_146 : i32
        %dma_start3A_148 = tpu.memref_slice %arg5[%mul3A_147] : memref<25600xi32, #tpu.memory_space<vmem>> -> memref<200xi32, #tpu.memory_space<vmem>>
        %dma_start3A_149 = arith.constant 0 : i32
        %dma_start3A_150 = arith.constant 0 : i32
        %dma_start3A_151 = tpu.memref_slice %arg2[%dma_start3A_149, %dma_start3A_150] : memref<100000x128xf32, #tpu.memory_space<hbm>> -> memref<100000x128xf32, #tpu.memory_space<hbm>>
        tpu.enqueue_indirect_dma source(%dma_start3A_151 : memref<100000x128xf32, #tpu.memory_space<hbm>>) target(%arg7 : memref<200x128xf32, #tpu.memory_space<vmem>>) offsets(%dma_start3A_148 : memref<200xi32, #tpu.memory_space<vmem>>) semaphore(%arg11 : memref<!tpu.dma_semaphore, #tpu.memory_space<semaphore_mem>>)
      } else {
      }
      %scan3A_127 = arith.constant 0 : i32
      %scan3A_128 = arith.constant 0 : i32
      %scan3A_129 = arith.constant 50 : i32
      %scan3A_130 = arith.addi %scan3A_128, %scan3A_129 : i32
      %scan3A_131 = arith.constant 1 : i32
      scf.for %scan3A_140 = %scan3A_128 to %scan3A_130 step %scan3A_131  : i32 {
        %mul3A_141 = arith.constant 4 : i32
        %mul3A_142 = arith.muli %scan3A_140, %mul3A_141 : i32
        %add3A_143 = arith.constant 0 : i32
        %add3A_144 = arith.addi %mul3A_142, %add3A_143 : i32
        %get3A = arith.index_cast %add3A_144 : i32 to index
        %get3A_145 = arith.constant 0 : index
        %get3A_146 = tpu.vector_load %arg9[%get3A, %get3A_145] {strides = array<i32>} : memref<200x128xf32, #tpu.memory_space<vmem>>, vector<1x16xf32>,
        %get3A_147 = vector.shape_cast %get3A_146 : vector<1x16xf32> to vector<16xf32>
        %mul3A_148 = arith.constant 11.3137083 : f32
        %mul3A_149 = vector.broadcast %mul3A_148 : f32 to vector<16xf32>
        %mul3A_150 = arith.mulf %get3A_147, %mul3A_149 : vector<16xf32>
        %swap3A = arith.index_cast %add3A_144 : i32 to index
        %swap3A_151 = arith.constant 0 : index
        %swap3A_152 = tpu.vector_load %arg9[%swap3A, %swap3A_151] {strides = array<i32>} : memref<200x128xf32, #tpu.memory_space<vmem>>, vector<1x16xf32>,
        %swap3A_153 = vector.shape_cast %swap3A_152 : vector<1x16xf32> to vector<16xf32>
        %swap3A_154 = vector.shape_cast %mul3A_150 : vector<16xf32> to vector<1x16xf32>
        tpu.vector_store %arg9[%swap3A, %swap3A_151], %swap3A_154 {strides = array<i32>} : memref<200x128xf32, #tpu.memory_space<vmem>>, vector<1x16xf32>,
        %add3A_155 = arith.constant 0 : i32
        %add3A_156 = arith.addi %mul3A_142, %add3A_155 : i32
        %get3A_157 = arith.index_cast %add3A_156 : i32 to index
        %get3A_158 = arith.constant 16 : index
        %get3A_159 = tpu.vector_load %arg9[%get3A_157, %get3A_158] {strides = array<i32>} : memref<200x128xf32, #tpu.memory_space<vmem>>, vector<1x16xf32>,
        %get3A_160 = vector.shape_cast %get3A_159 : vector<1x16xf32> to vector<16xf32>
        %mul3A_161 = arith.constant 11.3137083 : f32
        %mul3A_162 = vector.broadcast %mul3A_161 : f32 to vector<16xf32>
        %mul3A_163 = arith.mulf %get3A_160, %mul3A_162 : vector<16xf32>
        %swap3A_164 = arith.index_cast %add3A_156 : i32 to index
        %swap3A_165 = arith.constant 16 : index
        %swap3A_166 = tpu.vector_load %arg9[%swap3A_164, %swap3A_165] {strides = array<i32>} : memref<200x128xf32, #tpu.memory_space<vmem>>, vector<1x16xf32>,
        %swap3A_167 = vector.shape_cast %swap3A_166 : vector<1x16xf32> to vector<16xf32>
        %swap3A_168 = vector.shape_cast %mul3A_163 : vector<16xf32> to vector<1x16xf32>
        tpu.vector_store %arg9[%swap3A_164, %swap3A_165], %swap3A_168 {strides = array<i32>} : memref<200x128xf32, #tpu.memory_space<vmem>>, vector<1x16xf32>,
        %add3A_169 = arith.constant 0 : i32
        %add3A_170 = arith.addi %mul3A_142, %add3A_169 : i32
        %get3A_171 = arith.index_cast %add3A_170 : i32 to index
        %get3A_172 = arith.constant 32 : index
        %get3A_173 = tpu.vector_load %arg9[%get3A_171, %get3A_172] {strides = array<i32>} : memref<200x128xf32, #tpu.memory_space<vmem>>, vector<1x16xf32>,
        %get3A_174 = vector.shape_cast %get3A_173 : vector<1x16xf32> to vector<16xf32>
        %mul3A_175 = arith.constant 11.3137083 : f32
        %mul3A_176 = vector.broadcast %mul3A_175 : f32 to vector<16xf32>
        %mul3A_177 = arith.mulf %get3A_174, %mul3A_176 : vector<16xf32>
        %swap3A_178 = arith.index_cast %add3A_170 : i32 to index
        %swap3A_179 = arith.constant 32 : index
        %swap3A_180 = tpu.vector_load %arg9[%swap3A_178, %swap3A_179] {strides = array<i32>} : memref<200x128xf32, #tpu.memory_space<vmem>>, vector<1x16xf32>,
        %swap3A_181 = vector.shape_cast %swap3A_180 : vector<1x16xf32> to vector<16xf32>
        %swap3A_182 = vector.shape_cast %mul3A_177 : vector<16xf32> to vector<1x16xf32>
        tpu.vector_store %arg9[%swap3A_178, %swap3A_179], %swap3A_182 {strides = array<i32>} : memref<200x128xf32, #tpu.memory_space<vmem>>, vector<1x16xf32>,
        %add3A_183 = arith.constant 0 : i32
        %add3A_184 = arith.addi %mul3A_142, %add3A_183 : i32
        %get3A_185 = arith.index_cast %add3A_184 : i32 to index
        %get3A_186 = arith.constant 48 : index
        %get3A_187 = tpu.vector_load %arg9[%get3A_185, %get3A_186] {strides = array<i32>} : memref<200x128xf32, #tpu.memory_space<vmem>>, vector<1x16xf32>,
        %get3A_188 = vector.shape_cast %get3A_187 : vector<1x16xf32> to vector<16xf32>
        %mul3A_189 = arith.constant 11.3137083 : f32
        %mul3A_190 = vector.broadcast %mul3A_189 : f32 to vector<16xf32>
        %mul3A_191 = arith.mulf %get3A_188, %mul3A_190 : vector<16xf32>
        %swap3A_192 = arith.index_cast %add3A_184 : i32 to index
        %swap3A_193 = arith.constant 48 : index
        %swap3A_194 = tpu.vector_load %arg9[%swap3A_192, %swap3A_193] {strides = array<i32>} : memref<200x128xf32, #tpu.memory_space<vmem>>, vector<1x16xf32>,
        %swap3A_195 = vector.shape_cast %swap3A_194 : vector<1x16xf32> to vector<16xf32>
        %swap3A_196 = vector.shape_cast %mul3A_191 : vector<16xf32> to vector<1x16xf32>
        tpu.vector_store %arg9[%swap3A_192, %swap3A_193], %swap3A_196 {strides = array<i32>} : memref<200x128xf32, #tpu.memory_space<vmem>>, vector<1x16xf32>,
        %add3A_197 = arith.constant 0 : i32
        %add3A_198 = arith.addi %mul3A_142, %add3A_197 : i32
        %get3A_199 = arith.index_cast %add3A_198 : i32 to index
        %get3A_200 = arith.constant 64 : index
        %get3A_201 = tpu.vector_load %arg9[%get3A_199, %get3A_200] {strides = array<i32>} : memref<200x128xf32, #tpu.memory_space<vmem>>, vector<1x16xf32>,
        %get3A_202 = vector.shape_cast %get3A_201 : vector<1x16xf32> to vector<16xf32>
        %mul3A_203 = arith.constant 11.3137083 : f32
        %mul3A_204 = vector.broadcast %mul3A_203 : f32 to vector<16xf32>
        %mul3A_205 = arith.mulf %get3A_202, %mul3A_204 : vector<16xf32>
        %swap3A_206 = arith.index_cast %add3A_198 : i32 to index
        %swap3A_207 = arith.constant 64 : index
        %swap3A_208 = tpu.vector_load %arg9[%swap3A_206, %swap3A_207] {strides = array<i32>} : memref<200x128xf32, #tpu.memory_space<vmem>>, vector<1x16xf32>,
        %swap3A_209 = vector.shape_cast %swap3A_208 : vector<1x16xf32> to vector<16xf32>
        %swap3A_210 = vector.shape_cast %mul3A_205 : vector<16xf32> to vector<1x16xf32>
        tpu.vector_store %arg9[%swap3A_206, %swap3A_207], %swap3A_210 {strides = array<i32>} : memref<200x128xf32, #tpu.memory_space<vmem>>, vector<1x16xf32>,
        %add3A_211 = arith.constant 0 : i32
        %add3A_212 = arith.addi %mul3A_142, %add3A_211 : i32
        %get3A_213 = arith.index_cast %add3A_212 : i32 to index
        %get3A_214 = arith.constant 80 : index
        %get3A_215 = tpu.vector_load %arg9[%get3A_213, %get3A_214] {strides = array<i32>} : memref<200x128xf32, #tpu.memory_space<vmem>>, vector<1x16xf32>,
        %get3A_216 = vector.shape_cast %get3A_215 : vector<1x16xf32> to vector<16xf32>
        %mul3A_217 = arith.constant 11.3137083 : f32
        %mul3A_218 = vector.broadcast %mul3A_217 : f32 to vector<16xf32>
        %mul3A_219 = arith.mulf %get3A_216, %mul3A_218 : vector<16xf32>
        %swap3A_220 = arith.index_cast %add3A_212 : i32 to index
        %swap3A_221 = arith.constant 80 : index
        %swap3A_222 = tpu.vector_load %arg9[%swap3A_220, %swap3A_221] {strides = array<i32>} : memref<200x128xf32, #tpu.memory_space<vmem>>, vector<1x16xf32>,
        %swap3A_223 = vector.shape_cast %swap3A_222 : vector<1x16xf32> to vector<16xf32>
        %swap3A_224 = vector.shape_cast %mul3A_219 : vector<16xf32> to vector<1x16xf32>
        tpu.vector_store %arg9[%swap3A_220, %swap3A_221], %swap3A_224 {strides = array<i32>} : memref<200x128xf32, #tpu.memory_space<vmem>>, vector<1x16xf32>,
        %add3A_225 = arith.constant 0 : i32
        %add3A_226 = arith.addi %mul3A_142, %add3A_225 : i32
        %get3A_227 = arith.index_cast %add3A_226 : i32 to index
        %get3A_228 = arith.constant 96 : index
        %get3A_229 = tpu.vector_load %arg9[%get3A_227, %get3A_228] {strides = array<i32>} : memref<200x128xf32, #tpu.memory_space<vmem>>, vector<1x16xf32>,
        %get3A_230 = vector.shape_cast %get3A_229 : vector<1x16xf32> to vector<16xf32>
        %mul3A_231 = arith.constant 11.3137083 : f32
        %mul3A_232 = vector.broadcast %mul3A_231 : f32 to vector<16xf32>
        %mul3A_233 = arith.mulf %get3A_230, %mul3A_232 : vector<16xf32>
        %swap3A_234 = arith.index_cast %add3A_226 : i32 to index
        %swap3A_235 = arith.constant 96 : index
        %swap3A_236 = tpu.vector_load %arg9[%swap3A_234, %swap3A_235] {strides = array<i32>} : memref<200x128xf32, #tpu.memory_space<vmem>>, vector<1x16xf32>,
        %swap3A_237 = vector.shape_cast %swap3A_236 : vector<1x16xf32> to vector<16xf32>
        %swap3A_238 = vector.shape_cast %mul3A_233 : vector<16xf32> to vector<1x16xf32>
        tpu.vector_store %arg9[%swap3A_234, %swap3A_235], %swap3A_238 {strides = array<i32>} : memref<200x128xf32, #tpu.memory_space<vmem>>, vector<1x16xf32>,
        %add3A_239 = arith.constant 0 : i32
        %add3A_240 = arith.addi %mul3A_142, %add3A_239 : i32
        %get3A_241 = arith.index_cast %add3A_240 : i32 to index
        %get3A_242 = arith.constant 112 : index
        %get3A_243 = tpu.vector_load %arg9[%get3A_241, %get3A_242] {strides = array<i32>} : memref<200x128xf32, #tpu.memory_space<vmem>>, vector<1x16xf32>,
        %get3A_244 = vector.shape_cast %get3A_243 : vector<1x16xf32> to vector<16xf32>
        %mul3A_245 = arith.constant 11.3137083 : f32
        %mul3A_246 = vector.broadcast %mul3A_245 : f32 to vector<16xf32>
        %mul3A_247 = arith.mulf %get3A_244, %mul3A_246 : vector<16xf32>
        %swap3A_248 = arith.index_cast %add3A_240 : i32 to index
        %swap3A_249 = arith.constant 112 : index
        %swap3A_250 = tpu.vector_load %arg9[%swap3A_248, %swap3A_249] {strides = array<i32>} : memref<200x128xf32, #tpu.memory_space<vmem>>, vector<1x16xf32>,
        %swap3A_251 = vector.shape_cast %swap3A_250 : vector<1x16xf32> to vector<16xf32>
        %swap3A_252 = vector.shape_cast %mul3A_247 : vector<16xf32> to vector<1x16xf32>
        tpu.vector_store %arg9[%swap3A_248, %swap3A_249], %swap3A_252 {strides = array<i32>} : memref<200x128xf32, #tpu.memory_space<vmem>>, vector<1x16xf32>,
        %add3A_253 = arith.constant 1 : i32
        %add3A_254 = arith.addi %mul3A_142, %add3A_253 : i32
        %get3A_255 = arith.index_cast %add3A_254 : i32 to index
        %get3A_256 = arith.constant 0 : index
        %get3A_257 = tpu.vector_load %arg9[%get3A_255, %get3A_256] {strides = array<i32>} : memref<200x128xf32, #tpu.memory_space<vmem>>, vector<1x16xf32>,
        %get3A_258 = vector.shape_cast %get3A_257 : vector<1x16xf32> to vector<16xf32>
        %mul3A_259 = arith.constant 11.3137083 : f32
        %mul3A_260 = vector.broadcast %mul3A_259 : f32 to vector<16xf32>
        %mul3A_261 = arith.mulf %get3A_258, %mul3A_260 : vector<16xf32>
        %swap3A_262 = arith.index_cast %add3A_254 : i32 to index
        %swap3A_263 = arith.constant 0 : index
        %swap3A_264 = tpu.vector_load %arg9[%swap3A_262, %swap3A_263] {strides = array<i32>} : memref<200x128xf32, #tpu.memory_space<vmem>>, vector<1x16xf32>,
        %swap3A_265 = vector.shape_cast %swap3A_264 : vector<1x16xf32> to vector<16xf32>
        %swap3A_266 = vector.shape_cast %mul3A_261 : vector<16xf32> to vector<1x16xf32>
        tpu.vector_store %arg9[%swap3A_262, %swap3A_263], %swap3A_266 {strides = array<i32>} : memref<200x128xf32, #tpu.memory_space<vmem>>, vector<1x16xf32>,
        %add3A_267 = arith.constant 1 : i32
        %add3A_268 = arith.addi %mul3A_142, %add3A_267 : i32
        %get3A_269 = arith.index_cast %add3A_268 : i32 to index
        %get3A_270 = arith.constant 16 : index
        %get3A_271 = tpu.vector_load %arg9[%get3A_269, %get3A_270] {strides = array<i32>} : memref<200x128xf32, #tpu.memory_space<vmem>>, vector<1x16xf32>,
        %get3A_272 = vector.shape_cast %get3A_271 : vector<1x16xf32> to vector<16xf32>
        %mul3A_273 = arith.constant 11.3137083 : f32
        %mul3A_274 = vector.broadcast %mul3A_273 : f32 to vector<16xf32>
        %mul3A_275 = arith.mulf %get3A_272, %mul3A_274 : vector<16xf32>
        %swap3A_276 = arith.index_cast %add3A_268 : i32 to index
        %swap3A_277 = arith.constant 16 : index
        %swap3A_278 = tpu.vector_load %arg9[%swap3A_276, %swap3A_277] {strides = array<i32>} : memref<200x128xf32, #tpu.memory_space<vmem>>, vector<1x16xf32>,
        %swap3A_279 = vector.shape_cast %swap3A_278 : vector<1x16xf32> to vector<16xf32>
        %swap3A_280 = vector.shape_cast %mul3A_275 : vector<16xf32> to vector<1x16xf32>
        tpu.vector_store %arg9[%swap3A_276, %swap3A_277], %swap3A_280 {strides = array<i32>} : memref<200x128xf32, #tpu.memory_space<vmem>>, vector<1x16xf32>,
        %add3A_281 = arith.constant 1 : i32
        %add3A_282 = arith.addi %mul3A_142, %add3A_281 : i32
        %get3A_283 = arith.index_cast %add3A_282 : i32 to index
        %get3A_284 = arith.constant 32 : index
        %get3A_285 = tpu.vector_load %arg9[%get3A_283, %get3A_284] {strides = array<i32>} : memref<200x128xf32, #tpu.memory_space<vmem>>, vector<1x16xf32>,
        %get3A_286 = vector.shape_cast %get3A_285 : vector<1x16xf32> to vector<16xf32>
        %mul3A_287 = arith.constant 11.3137083 : f32
        %mul3A_288 = vector.broadcast %mul3A_287 : f32 to vector<16xf32>
        %mul3A_289 = arith.mulf %get3A_286, %mul3A_288 : vector<16xf32>
        %swap3A_290 = arith.index_cast %add3A_282 : i32 to index
        %swap3A_291 = arith.constant 32 : index
        %swap3A_292 = tpu.vector_load %arg9[%swap3A_290, %swap3A_291] {strides = array<i32>} : memref<200x128xf32, #tpu.memory_space<vmem>>, vector<1x16xf32>,
        %swap3A_293 = vector.shape_cast %swap3A_292 : vector<1x16xf32> to vector<16xf32>
        %swap3A_294 = vector.shape_cast %mul3A_289 : vector<16xf32> to vector<1x16xf32>
        tpu.vector_store %arg9[%swap3A_290, %swap3A_291], %swap3A_294 {strides = array<i32>} : memref<200x128xf32, #tpu.memory_space<vmem>>, vector<1x16xf32>,
        %add3A_295 = arith.constant 1 : i32
        %add3A_296 = arith.addi %mul3A_142, %add3A_295 : i32
        %get3A_297 = arith.index_cast %add3A_296 : i32 to index
        %get3A_298 = arith.constant 48 : index
        %get3A_299 = tpu.vector_load %arg9[%get3A_297, %get3A_298] {strides = array<i32>} : memref<200x128xf32, #tpu.memory_space<vmem>>, vector<1x16xf32>,
        %get3A_300 = vector.shape_cast %get3A_299 : vector<1x16xf32> to vector<16xf32>
        %mul3A_301 = arith.constant 11.3137083 : f32
        %mul3A_302 = vector.broadcast %mul3A_301 : f32 to vector<16xf32>
        %mul3A_303 = arith.mulf %get3A_300, %mul3A_302 : vector<16xf32>
        %swap3A_304 = arith.index_cast %add3A_296 : i32 to index
        %swap3A_305 = arith.constant 48 : index
        %swap3A_306 = tpu.vector_load %arg9[%swap3A_304, %swap3A_305] {strides = array<i32>} : memref<200x128xf32, #tpu.memory_space<vmem>>, vector<1x16xf32>,
        %swap3A_307 = vector.shape_cast %swap3A_306 : vector<1x16xf32> to vector<16xf32>
        %swap3A_308 = vector.shape_cast %mul3A_303 : vector<16xf32> to vector<1x16xf32>
        tpu.vector_store %arg9[%swap3A_304, %swap3A_305], %swap3A_308 {strides = array<i32>} : memref<200x128xf32, #tpu.memory_space<vmem>>, vector<1x16xf32>,
        %add3A_309 = arith.constant 1 : i32
        %add3A_310 = arith.addi %mul3A_142, %add3A_309 : i32
        %get3A_311 = arith.index_cast %add3A_310 : i32 to index
        %get3A_312 = arith.constant 64 : index
        %get3A_313 = tpu.vector_load %arg9[%get3A_311, %get3A_312] {strides = array<i32>} : memref<200x128xf32, #tpu.memory_space<vmem>>, vector<1x16xf32>,
        %get3A_314 = vector.shape_cast %get3A_313 : vector<1x16xf32> to vector<16xf32>
        %mul3A_315 = arith.constant 11.3137083 : f32
        %mul3A_316 = vector.broadcast %mul3A_315 : f32 to vector<16xf32>
        %mul3A_317 = arith.mulf %get3A_314, %mul3A_316 : vector<16xf32>
        %swap3A_318 = arith.index_cast %add3A_310 : i32 to index
        %swap3A_319 = arith.constant 64 : index
        %swap3A_320 = tpu.vector_load %arg9[%swap3A_318, %swap3A_319] {strides = array<i32>} : memref<200x128xf32, #tpu.memory_space<vmem>>, vector<1x16xf32>,
        %swap3A_321 = vector.shape_cast %swap3A_320 : vector<1x16xf32> to vector<16xf32>
        %swap3A_322 = vector.shape_cast %mul3A_317 : vector<16xf32> to vector<1x16xf32>
        tpu.vector_store %arg9[%swap3A_318, %swap3A_319], %swap3A_322 {strides = array<i32>} : memref<200x128xf32, #tpu.memory_space<vmem>>, vector<1x16xf32>,
        %add3A_323 = arith.constant 1 : i32
        %add3A_324 = arith.addi %mul3A_142, %add3A_323 : i32
        %get3A_325 = arith.index_cast %add3A_324 : i32 to index
        %get3A_326 = arith.constant 80 : index
        %get3A_327 = tpu.vector_load %arg9[%get3A_325, %get3A_326] {strides = array<i32>} : memref<200x128xf32, #tpu.memory_space<vmem>>, vector<1x16xf32>,
        %get3A_328 = vector.shape_cast %get3A_327 : vector<1x16xf32> to vector<16xf32>
        %mul3A_329 = arith.constant 11.3137083 : f32
        %mul3A_330 = vector.broadcast %mul3A_329 : f32 to vector<16xf32>
        %mul3A_331 = arith.mulf %get3A_328, %mul3A_330 : vector<16xf32>
        %swap3A_332 = arith.index_cast %add3A_324 : i32 to index
        %swap3A_333 = arith.constant 80 : index
        %swap3A_334 = tpu.vector_load %arg9[%swap3A_332, %swap3A_333] {strides = array<i32>} : memref<200x128xf32, #tpu.memory_space<vmem>>, vector<1x16xf32>,
        %swap3A_335 = vector.shape_cast %swap3A_334 : vector<1x16xf32> to vector<16xf32>
        %swap3A_336 = vector.shape_cast %mul3A_331 : vector<16xf32> to vector<1x16xf32>
        tpu.vector_store %arg9[%swap3A_332, %swap3A_333], %swap3A_336 {strides = array<i32>} : memref<200x128xf32, #tpu.memory_space<vmem>>, vector<1x16xf32>,
        %add3A_337 = arith.constant 1 : i32
        %add3A_338 = arith.addi %mul3A_142, %add3A_337 : i32
        %get3A_339 = arith.index_cast %add3A_338 : i32 to index
        %get3A_340 = arith.constant 96 : index
        %get3A_341 = tpu.vector_load %arg9[%get3A_339, %get3A_340] {strides = array<i32>} : memref<200x128xf32, #tpu.memory_space<vmem>>, vector<1x16xf32>,
        %get3A_342 = vector.shape_cast %get3A_341 : vector<1x16xf32> to vector<16xf32>
        %mul3A_343 = arith.constant 11.3137083 : f32
        %mul3A_344 = vector.broadcast %mul3A_343 : f32 to vector<16xf32>
        %mul3A_345 = arith.mulf %get3A_342, %mul3A_344 : vector<16xf32>
        %swap3A_346 = arith.index_cast %add3A_338 : i32 to index
        %swap3A_347 = arith.constant 96 : index
        %swap3A_348 = tpu.vector_load %arg9[%swap3A_346, %swap3A_347] {strides = array<i32>} : memref<200x128xf32, #tpu.memory_space<vmem>>, vector<1x16xf32>,
        %swap3A_349 = vector.shape_cast %swap3A_348 : vector<1x16xf32> to vector<16xf32>
        %swap3A_350 = vector.shape_cast %mul3A_345 : vector<16xf32> to vector<1x16xf32>
        tpu.vector_store %arg9[%swap3A_346, %swap3A_347], %swap3A_350 {strides = array<i32>} : memref<200x128xf32, #tpu.memory_space<vmem>>, vector<1x16xf32>,
        %add3A_351 = arith.constant 1 : i32
        %add3A_352 = arith.addi %mul3A_142, %add3A_351 : i32
        %get3A_353 = arith.index_cast %add3A_352 : i32 to index
        %get3A_354 = arith.constant 112 : index
        %get3A_355 = tpu.vector_load %arg9[%get3A_353, %get3A_354] {strides = array<i32>} : memref<200x128xf32, #tpu.memory_space<vmem>>, vector<1x16xf32>,
        %get3A_356 = vector.shape_cast %get3A_355 : vector<1x16xf32> to vector<16xf32>
        %mul3A_357 = arith.constant 11.3137083 : f32
        %mul3A_358 = vector.broadcast %mul3A_357 : f32 to vector<16xf32>
        %mul3A_359 = arith.mulf %get3A_356, %mul3A_358 : vector<16xf32>
        %swap3A_360 = arith.index_cast %add3A_352 : i32 to index
        %swap3A_361 = arith.constant 112 : index
        %swap3A_362 = tpu.vector_load %arg9[%swap3A_360, %swap3A_361] {strides = array<i32>} : memref<200x128xf32, #tpu.memory_space<vmem>>, vector<1x16xf32>,
        %swap3A_363 = vector.shape_cast %swap3A_362 : vector<1x16xf32> to vector<16xf32>
        %swap3A_364 = vector.shape_cast %mul3A_359 : vector<16xf32> to vector<1x16xf32>
        tpu.vector_store %arg9[%swap3A_360, %swap3A_361], %swap3A_364 {strides = array<i32>} : memref<200x128xf32, #tpu.memory_space<vmem>>, vector<1x16xf32>,
        %add3A_365 = arith.constant 2 : i32
        %add3A_366 = arith.addi %mul3A_142, %add3A_365 : i32
        %get3A_367 = arith.index_cast %add3A_366 : i32 to index
        %get3A_368 = arith.constant 0 : index
        %get3A_369 = tpu.vector_load %arg9[%get3A_367, %get3A_368] {strides = array<i32>} : memref<200x128xf32, #tpu.memory_space<vmem>>, vector<1x16xf32>,
        %get3A_370 = vector.shape_cast %get3A_369 : vector<1x16xf32> to vector<16xf32>
        %mul3A_371 = arith.constant 11.3137083 : f32
        %mul3A_372 = vector.broadcast %mul3A_371 : f32 to vector<16xf32>
        %mul3A_373 = arith.mulf %get3A_370, %mul3A_372 : vector<16xf32>
        %swap3A_374 = arith.index_cast %add3A_366 : i32 to index
        %swap3A_375 = arith.constant 0 : index
        %swap3A_376 = tpu.vector_load %arg9[%swap3A_374, %swap3A_375] {strides = array<i32>} : memref<200x128xf32, #tpu.memory_space<vmem>>, vector<1x16xf32>,
        %swap3A_377 = vector.shape_cast %swap3A_376 : vector<1x16xf32> to vector<16xf32>
        %swap3A_378 = vector.shape_cast %mul3A_373 : vector<16xf32> to vector<1x16xf32>
        tpu.vector_store %arg9[%swap3A_374, %swap3A_375], %swap3A_378 {strides = array<i32>} : memref<200x128xf32, #tpu.memory_space<vmem>>, vector<1x16xf32>,
        %add3A_379 = arith.constant 2 : i32
        %add3A_380 = arith.addi %mul3A_142, %add3A_379 : i32
        %get3A_381 = arith.index_cast %add3A_380 : i32 to index
        %get3A_382 = arith.constant 16 : index
        %get3A_383 = tpu.vector_load %arg9[%get3A_381, %get3A_382] {strides = array<i32>} : memref<200x128xf32, #tpu.memory_space<vmem>>, vector<1x16xf32>,
        %get3A_384 = vector.shape_cast %get3A_383 : vector<1x16xf32> to vector<16xf32>
        %mul3A_385 = arith.constant 11.3137083 : f32
        %mul3A_386 = vector.broadcast %mul3A_385 : f32 to vector<16xf32>
        %mul3A_387 = arith.mulf %get3A_384, %mul3A_386 : vector<16xf32>
        %swap3A_388 = arith.index_cast %add3A_380 : i32 to index
        %swap3A_389 = arith.constant 16 : index
        %swap3A_390 = tpu.vector_load %arg9[%swap3A_388, %swap3A_389] {strides = array<i32>} : memref<200x128xf32, #tpu.memory_space<vmem>>, vector<1x16xf32>,
        %swap3A_391 = vector.shape_cast %swap3A_390 : vector<1x16xf32> to vector<16xf32>
        %swap3A_392 = vector.shape_cast %mul3A_387 : vector<16xf32> to vector<1x16xf32>
        tpu.vector_store %arg9[%swap3A_388, %swap3A_389], %swap3A_392 {strides = array<i32>} : memref<200x128xf32, #tpu.memory_space<vmem>>, vector<1x16xf32>,
        %add3A_393 = arith.constant 2 : i32
        %add3A_394 = arith.addi %mul3A_142, %add3A_393 : i32
        %get3A_395 = arith.index_cast %add3A_394 : i32 to index
        %get3A_396 = arith.constant 32 : index
        %get3A_397 = tpu.vector_load %arg9[%get3A_395, %get3A_396] {strides = array<i32>} : memref<200x128xf32, #tpu.memory_space<vmem>>, vector<1x16xf32>,
        %get3A_398 = vector.shape_cast %get3A_397 : vector<1x16xf32> to vector<16xf32>
        %mul3A_399 = arith.constant 11.3137083 : f32
        %mul3A_400 = vector.broadcast %mul3A_399 : f32 to vector<16xf32>
        %mul3A_401 = arith.mulf %get3A_398, %mul3A_400 : vector<16xf32>
        %swap3A_402 = arith.index_cast %add3A_394 : i32 to index
        %swap3A_403 = arith.constant 32 : index
        %swap3A_404 = tpu.vector_load %arg9[%swap3A_402, %swap3A_403] {strides = array<i32>} : memref<200x128xf32, #tpu.memory_space<vmem>>, vector<1x16xf32>,
        %swap3A_405 = vector.shape_cast %swap3A_404 : vector<1x16xf32> to vector<16xf32>
        %swap3A_406 = vector.shape_cast %mul3A_401 : vector<16xf32> to vector<1x16xf32>
        tpu.vector_store %arg9[%swap3A_402, %swap3A_403], %swap3A_406 {strides = array<i32>} : memref<200x128xf32, #tpu.memory_space<vmem>>, vector<1x16xf32>,
        %add3A_407 = arith.constant 2 : i32
        %add3A_408 = arith.addi %mul3A_142, %add3A_407 : i32
        %get3A_409 = arith.index_cast %add3A_408 : i32 to index
        %get3A_410 = arith.constant 48 : index
        %get3A_411 = tpu.vector_load %arg9[%get3A_409, %get3A_410] {strides = array<i32>} : memref<200x128xf32, #tpu.memory_space<vmem>>, vector<1x16xf32>,
        %get3A_412 = vector.shape_cast %get3A_411 : vector<1x16xf32> to vector<16xf32>
        %mul3A_413 = arith.constant 11.3137083 : f32
        %mul3A_414 = vector.broadcast %mul3A_413 : f32 to vector<16xf32>
        %mul3A_415 = arith.mulf %get3A_412, %mul3A_414 : vector<16xf32>
        %swap3A_416 = arith.index_cast %add3A_408 : i32 to index
        %swap3A_417 = arith.constant 48 : index
        %swap3A_418 = tpu.vector_load %arg9[%swap3A_416, %swap3A_417] {strides = array<i32>} : memref<200x128xf32, #tpu.memory_space<vmem>>, vector<1x16xf32>,
        %swap3A_419 = vector.shape_cast %swap3A_418 : vector<1x16xf32> to vector<16xf32>
        %swap3A_420 = vector.shape_cast %mul3A_415 : vector<16xf32> to vector<1x16xf32>
        tpu.vector_store %arg9[%swap3A_416, %swap3A_417], %swap3A_420 {strides = array<i32>} : memref<200x128xf32, #tpu.memory_space<vmem>>, vector<1x16xf32>,
        %add3A_421 = arith.constant 2 : i32
        %add3A_422 = arith.addi %mul3A_142, %add3A_421 : i32
        %get3A_423 = arith.index_cast %add3A_422 : i32 to index
        %get3A_424 = arith.constant 64 : index
        %get3A_425 = tpu.vector_load %arg9[%get3A_423, %get3A_424] {strides = array<i32>} : memref<200x128xf32, #tpu.memory_space<vmem>>, vector<1x16xf32>,
        %get3A_426 = vector.shape_cast %get3A_425 : vector<1x16xf32> to vector<16xf32>
        %mul3A_427 = arith.constant 11.3137083 : f32
        %mul3A_428 = vector.broadcast %mul3A_427 : f32 to vector<16xf32>
        %mul3A_429 = arith.mulf %get3A_426, %mul3A_428 : vector<16xf32>
        %swap3A_430 = arith.index_cast %add3A_422 : i32 to index
        %swap3A_431 = arith.constant 64 : index
        %swap3A_432 = tpu.vector_load %arg9[%swap3A_430, %swap3A_431] {strides = array<i32>} : memref<200x128xf32, #tpu.memory_space<vmem>>, vector<1x16xf32>,
        %swap3A_433 = vector.shape_cast %swap3A_432 : vector<1x16xf32> to vector<16xf32>
        %swap3A_434 = vector.shape_cast %mul3A_429 : vector<16xf32> to vector<1x16xf32>
        tpu.vector_store %arg9[%swap3A_430, %swap3A_431], %swap3A_434 {strides = array<i32>} : memref<200x128xf32, #tpu.memory_space<vmem>>, vector<1x16xf32>,
        %add3A_435 = arith.constant 2 : i32
        %add3A_436 = arith.addi %mul3A_142, %add3A_435 : i32
        %get3A_437 = arith.index_cast %add3A_436 : i32 to index
        %get3A_438 = arith.constant 80 : index
        %get3A_439 = tpu.vector_load %arg9[%get3A_437, %get3A_438] {strides = array<i32>} : memref<200x128xf32, #tpu.memory_space<vmem>>, vector<1x16xf32>,
        %get3A_440 = vector.shape_cast %get3A_439 : vector<1x16xf32> to vector<16xf32>
        %mul3A_441 = arith.constant 11.3137083 : f32
        %mul3A_442 = vector.broadcast %mul3A_441 : f32 to vector<16xf32>
        %mul3A_443 = arith.mulf %get3A_440, %mul3A_442 : vector<16xf32>
        %swap3A_444 = arith.index_cast %add3A_436 : i32 to index
        %swap3A_445 = arith.constant 80 : index
        %swap3A_446 = tpu.vector_load %arg9[%swap3A_444, %swap3A_445] {strides = array<i32>} : memref<200x128xf32, #tpu.memory_space<vmem>>, vector<1x16xf32>,
        %swap3A_447 = vector.shape_cast %swap3A_446 : vector<1x16xf32> to vector<16xf32>
        %swap3A_448 = vector.shape_cast %mul3A_443 : vector<16xf32> to vector<1x16xf32>
        tpu.vector_store %arg9[%swap3A_444, %swap3A_445], %swap3A_448 {strides = array<i32>} : memref<200x128xf32, #tpu.memory_space<vmem>>, vector<1x16xf32>,
        %add3A_449 = arith.constant 2 : i32
        %add3A_450 = arith.addi %mul3A_142, %add3A_449 : i32
        %get3A_451 = arith.index_cast %add3A_450 : i32 to index
        %get3A_452 = arith.constant 96 : index
        %get3A_453 = tpu.vector_load %arg9[%get3A_451, %get3A_452] {strides = array<i32>} : memref<200x128xf32, #tpu.memory_space<vmem>>, vector<1x16xf32>,
        %get3A_454 = vector.shape_cast %get3A_453 : vector<1x16xf32> to vector<16xf32>
        %mul3A_455 = arith.constant 11.3137083 : f32
        %mul3A_456 = vector.broadcast %mul3A_455 : f32 to vector<16xf32>
        %mul3A_457 = arith.mulf %get3A_454, %mul3A_456 : vector<16xf32>
        %swap3A_458 = arith.index_cast %add3A_450 : i32 to index
        %swap3A_459 = arith.constant 96 : index
        %swap3A_460 = tpu.vector_load %arg9[%swap3A_458, %swap3A_459] {strides = array<i32>} : memref<200x128xf32, #tpu.memory_space<vmem>>, vector<1x16xf32>,
        %swap3A_461 = vector.shape_cast %swap3A_460 : vector<1x16xf32> to vector<16xf32>
        %swap3A_462 = vector.shape_cast %mul3A_457 : vector<16xf32> to vector<1x16xf32>
        tpu.vector_store %arg9[%swap3A_458, %swap3A_459], %swap3A_462 {strides = array<i32>} : memref<200x128xf32, #tpu.memory_space<vmem>>, vector<1x16xf32>,
        %add3A_463 = arith.constant 2 : i32
        %add3A_464 = arith.addi %mul3A_142, %add3A_463 : i32
        %get3A_465 = arith.index_cast %add3A_464 : i32 to index
        %get3A_466 = arith.constant 112 : index
        %get3A_467 = tpu.vector_load %arg9[%get3A_465, %get3A_466] {strides = array<i32>} : memref<200x128xf32, #tpu.memory_space<vmem>>, vector<1x16xf32>,
        %get3A_468 = vector.shape_cast %get3A_467 : vector<1x16xf32> to vector<16xf32>
        %mul3A_469 = arith.constant 11.3137083 : f32
        %mul3A_470 = vector.broadcast %mul3A_469 : f32 to vector<16xf32>
        %mul3A_471 = arith.mulf %get3A_468, %mul3A_470 : vector<16xf32>
        %swap3A_472 = arith.index_cast %add3A_464 : i32 to index
        %swap3A_473 = arith.constant 112 : index
        %swap3A_474 = tpu.vector_load %arg9[%swap3A_472, %swap3A_473] {strides = array<i32>} : memref<200x128xf32, #tpu.memory_space<vmem>>, vector<1x16xf32>,
        %swap3A_475 = vector.shape_cast %swap3A_474 : vector<1x16xf32> to vector<16xf32>
        %swap3A_476 = vector.shape_cast %mul3A_471 : vector<16xf32> to vector<1x16xf32>
        tpu.vector_store %arg9[%swap3A_472, %swap3A_473], %swap3A_476 {strides = array<i32>} : memref<200x128xf32, #tpu.memory_space<vmem>>, vector<1x16xf32>,
        %add3A_477 = arith.constant 3 : i32
        %add3A_478 = arith.addi %mul3A_142, %add3A_477 : i32
        %get3A_479 = arith.index_cast %add3A_478 : i32 to index
        %get3A_480 = arith.constant 0 : index
        %get3A_481 = tpu.vector_load %arg9[%get3A_479, %get3A_480] {strides = array<i32>} : memref<200x128xf32, #tpu.memory_space<vmem>>, vector<1x16xf32>,
        %get3A_482 = vector.shape_cast %get3A_481 : vector<1x16xf32> to vector<16xf32>
        %mul3A_483 = arith.constant 11.3137083 : f32
        %mul3A_484 = vector.broadcast %mul3A_483 : f32 to vector<16xf32>
        %mul3A_485 = arith.mulf %get3A_482, %mul3A_484 : vector<16xf32>
        %swap3A_486 = arith.index_cast %add3A_478 : i32 to index
        %swap3A_487 = arith.constant 0 : index
        %swap3A_488 = tpu.vector_load %arg9[%swap3A_486, %swap3A_487] {strides = array<i32>} : memref<200x128xf32, #tpu.memory_space<vmem>>, vector<1x16xf32>,
        %swap3A_489 = vector.shape_cast %swap3A_488 : vector<1x16xf32> to vector<16xf32>
        %swap3A_490 = vector.shape_cast %mul3A_485 : vector<16xf32> to vector<1x16xf32>
        tpu.vector_store %arg9[%swap3A_486, %swap3A_487], %swap3A_490 {strides = array<i32>} : memref<200x128xf32, #tpu.memory_space<vmem>>, vector<1x16xf32>,
        %add3A_491 = arith.constant 3 : i32
        %add3A_492 = arith.addi %mul3A_142, %add3A_491 : i32
        %get3A_493 = arith.index_cast %add3A_492 : i32 to index
        %get3A_494 = arith.constant 16 : index
        %get3A_495 = tpu.vector_load %arg9[%get3A_493, %get3A_494] {strides = array<i32>} : memref<200x128xf32, #tpu.memory_space<vmem>>, vector<1x16xf32>,
        %get3A_496 = vector.shape_cast %get3A_495 : vector<1x16xf32> to vector<16xf32>
        %mul3A_497 = arith.constant 11.3137083 : f32
        %mul3A_498 = vector.broadcast %mul3A_497 : f32 to vector<16xf32>
        %mul3A_499 = arith.mulf %get3A_496, %mul3A_498 : vector<16xf32>
        %swap3A_500 = arith.index_cast %add3A_492 : i32 to index
        %swap3A_501 = arith.constant 16 : index
        %swap3A_502 = tpu.vector_load %arg9[%swap3A_500, %swap3A_501] {strides = array<i32>} : memref<200x128xf32, #tpu.memory_space<vmem>>, vector<1x16xf32>,
        %swap3A_503 = vector.shape_cast %swap3A_502 : vector<1x16xf32> to vector<16xf32>
        %swap3A_504 = vector.shape_cast %mul3A_499 : vector<16xf32> to vector<1x16xf32>
        tpu.vector_store %arg9[%swap3A_500, %swap3A_501], %swap3A_504 {strides = array<i32>} : memref<200x128xf32, #tpu.memory_space<vmem>>, vector<1x16xf32>,
        %add3A_505 = arith.constant 3 : i32
        %add3A_506 = arith.addi %mul3A_142, %add3A_505 : i32
        %get3A_507 = arith.index_cast %add3A_506 : i32 to index
        %get3A_508 = arith.constant 32 : index
        %get3A_509 = tpu.vector_load %arg9[%get3A_507, %get3A_508] {strides = array<i32>} : memref<200x128xf32, #tpu.memory_space<vmem>>, vector<1x16xf32>,
        %get3A_510 = vector.shape_cast %get3A_509 : vector<1x16xf32> to vector<16xf32>
        %mul3A_511 = arith.constant 11.3137083 : f32
        %mul3A_512 = vector.broadcast %mul3A_511 : f32 to vector<16xf32>
        %mul3A_513 = arith.mulf %get3A_510, %mul3A_512 : vector<16xf32>
        %swap3A_514 = arith.index_cast %add3A_506 : i32 to index
        %swap3A_515 = arith.constant 32 : index
        %swap3A_516 = tpu.vector_load %arg9[%swap3A_514, %swap3A_515] {strides = array<i32>} : memref<200x128xf32, #tpu.memory_space<vmem>>, vector<1x16xf32>,
        %swap3A_517 = vector.shape_cast %swap3A_516 : vector<1x16xf32> to vector<16xf32>
        %swap3A_518 = vector.shape_cast %mul3A_513 : vector<16xf32> to vector<1x16xf32>
        tpu.vector_store %arg9[%swap3A_514, %swap3A_515], %swap3A_518 {strides = array<i32>} : memref<200x128xf32, #tpu.memory_space<vmem>>, vector<1x16xf32>,
        %add3A_519 = arith.constant 3 : i32
        %add3A_520 = arith.addi %mul3A_142, %add3A_519 : i32
        %get3A_521 = arith.index_cast %add3A_520 : i32 to index
        %get3A_522 = arith.constant 48 : index
        %get3A_523 = tpu.vector_load %arg9[%get3A_521, %get3A_522] {strides = array<i32>} : memref<200x128xf32, #tpu.memory_space<vmem>>, vector<1x16xf32>,
        %get3A_524 = vector.shape_cast %get3A_523 : vector<1x16xf32> to vector<16xf32>
        %mul3A_525 = arith.constant 11.3137083 : f32
        %mul3A_526 = vector.broadcast %mul3A_525 : f32 to vector<16xf32>
        %mul3A_527 = arith.mulf %get3A_524, %mul3A_526 : vector<16xf32>
        %swap3A_528 = arith.index_cast %add3A_520 : i32 to index
        %swap3A_529 = arith.constant 48 : index
        %swap3A_530 = tpu.vector_load %arg9[%swap3A_528, %swap3A_529] {strides = array<i32>} : memref<200x128xf32, #tpu.memory_space<vmem>>, vector<1x16xf32>,
        %swap3A_531 = vector.shape_cast %swap3A_530 : vector<1x16xf32> to vector<16xf32>
        %swap3A_532 = vector.shape_cast %mul3A_527 : vector<16xf32> to vector<1x16xf32>
        tpu.vector_store %arg9[%swap3A_528, %swap3A_529], %swap3A_532 {strides = array<i32>} : memref<200x128xf32, #tpu.memory_space<vmem>>, vector<1x16xf32>,
        %add3A_533 = arith.constant 3 : i32
        %add3A_534 = arith.addi %mul3A_142, %add3A_533 : i32
        %get3A_535 = arith.index_cast %add3A_534 : i32 to index
        %get3A_536 = arith.constant 64 : index
        %get3A_537 = tpu.vector_load %arg9[%get3A_535, %get3A_536] {strides = array<i32>} : memref<200x128xf32, #tpu.memory_space<vmem>>, vector<1x16xf32>,
        %get3A_538 = vector.shape_cast %get3A_537 : vector<1x16xf32> to vector<16xf32>
        %mul3A_539 = arith.constant 11.3137083 : f32
        %mul3A_540 = vector.broadcast %mul3A_539 : f32 to vector<16xf32>
        %mul3A_541 = arith.mulf %get3A_538, %mul3A_540 : vector<16xf32>
        %swap3A_542 = arith.index_cast %add3A_534 : i32 to index
        %swap3A_543 = arith.constant 64 : index
        %swap3A_544 = tpu.vector_load %arg9[%swap3A_542, %swap3A_543] {strides = array<i32>} : memref<200x128xf32, #tpu.memory_space<vmem>>, vector<1x16xf32>,
        %swap3A_545 = vector.shape_cast %swap3A_544 : vector<1x16xf32> to vector<16xf32>
        %swap3A_546 = vector.shape_cast %mul3A_541 : vector<16xf32> to vector<1x16xf32>
        tpu.vector_store %arg9[%swap3A_542, %swap3A_543], %swap3A_546 {strides = array<i32>} : memref<200x128xf32, #tpu.memory_space<vmem>>, vector<1x16xf32>,
        %add3A_547 = arith.constant 3 : i32
        %add3A_548 = arith.addi %mul3A_142, %add3A_547 : i32
        %get3A_549 = arith.index_cast %add3A_548 : i32 to index
        %get3A_550 = arith.constant 80 : index
        %get3A_551 = tpu.vector_load %arg9[%get3A_549, %get3A_550] {strides = array<i32>} : memref<200x128xf32, #tpu.memory_space<vmem>>, vector<1x16xf32>,
        %get3A_552 = vector.shape_cast %get3A_551 : vector<1x16xf32> to vector<16xf32>
        %mul3A_553 = arith.constant 11.3137083 : f32
        %mul3A_554 = vector.broadcast %mul3A_553 : f32 to vector<16xf32>
        %mul3A_555 = arith.mulf %get3A_552, %mul3A_554 : vector<16xf32>
        %swap3A_556 = arith.index_cast %add3A_548 : i32 to index
        %swap3A_557 = arith.constant 80 : index
        %swap3A_558 = tpu.vector_load %arg9[%swap3A_556, %swap3A_557] {strides = array<i32>} : memref<200x128xf32, #tpu.memory_space<vmem>>, vector<1x16xf32>,
        %swap3A_559 = vector.shape_cast %swap3A_558 : vector<1x16xf32> to vector<16xf32>
        %swap3A_560 = vector.shape_cast %mul3A_555 : vector<16xf32> to vector<1x16xf32>
        tpu.vector_store %arg9[%swap3A_556, %swap3A_557], %swap3A_560 {strides = array<i32>} : memref<200x128xf32, #tpu.memory_space<vmem>>, vector<1x16xf32>,
        %add3A_561 = arith.constant 3 : i32
        %add3A_562 = arith.addi %mul3A_142, %add3A_561 : i32
        %get3A_563 = arith.index_cast %add3A_562 : i32 to index
        %get3A_564 = arith.constant 96 : index
        %get3A_565 = tpu.vector_load %arg9[%get3A_563, %get3A_564] {strides = array<i32>} : memref<200x128xf32, #tpu.memory_space<vmem>>, vector<1x16xf32>,
        %get3A_566 = vector.shape_cast %get3A_565 : vector<1x16xf32> to vector<16xf32>
        %mul3A_567 = arith.constant 11.3137083 : f32
        %mul3A_568 = vector.broadcast %mul3A_567 : f32 to vector<16xf32>
        %mul3A_569 = arith.mulf %get3A_566, %mul3A_568 : vector<16xf32>
        %swap3A_570 = arith.index_cast %add3A_562 : i32 to index
        %swap3A_571 = arith.constant 96 : index
        %swap3A_572 = tpu.vector_load %arg9[%swap3A_570, %swap3A_571] {strides = array<i32>} : memref<200x128xf32, #tpu.memory_space<vmem>>, vector<1x16xf32>,
        %swap3A_573 = vector.shape_cast %swap3A_572 : vector<1x16xf32> to vector<16xf32>
        %swap3A_574 = vector.shape_cast %mul3A_569 : vector<16xf32> to vector<1x16xf32>
        tpu.vector_store %arg9[%swap3A_570, %swap3A_571], %swap3A_574 {strides = array<i32>} : memref<200x128xf32, #tpu.memory_space<vmem>>, vector<1x16xf32>,
        %add3A_575 = arith.constant 3 : i32
        %add3A_576 = arith.addi %mul3A_142, %add3A_575 : i32
        %get3A_577 = arith.index_cast %add3A_576 : i32 to index
        %get3A_578 = arith.constant 112 : index
        %get3A_579 = tpu.vector_load %arg9[%get3A_577, %get3A_578] {strides = array<i32>} : memref<200x128xf32, #tpu.memory_space<vmem>>, vector<1x16xf32>,
        %get3A_580 = vector.shape_cast %get3A_579 : vector<1x16xf32> to vector<16xf32>
        %mul3A_581 = arith.constant 11.3137083 : f32
        %mul3A_582 = vector.broadcast %mul3A_581 : f32 to vector<16xf32>
        %mul3A_583 = arith.mulf %get3A_580, %mul3A_582 : vector<16xf32>
        %swap3A_584 = arith.index_cast %add3A_576 : i32 to index
        %swap3A_585 = arith.constant 112 : index
        %swap3A_586 = tpu.vector_load %arg9[%swap3A_584, %swap3A_585] {strides = array<i32>} : memref<200x128xf32, #tpu.memory_space<vmem>>, vector<1x16xf32>,
        %swap3A_587 = vector.shape_cast %swap3A_586 : vector<1x16xf32> to vector<16xf32>
        %swap3A_588 = vector.shape_cast %mul3A_583 : vector<16xf32> to vector<1x16xf32>
        tpu.vector_store %arg9[%swap3A_584, %swap3A_585], %swap3A_588 {strides = array<i32>} : memref<200x128xf32, #tpu.memory_space<vmem>>, vector<1x16xf32>,
      }
      %scan3A_132 = arith.constant 50 : i32
      %mul3A_133 = arith.constant 200 : i32
      %mul3A_134 = arith.muli %add3A_114, %mul3A_133 : i32
      %add3A_135 = arith.addi %mul3A_2, %mul3A_134 : i32
      %dma_start3A_136 = arith.constant 0 : i32
      %dma_start3A_137 = tpu.memref_slice %arg4[%add3A_135, %dma_start3A_136] : memref<819200x128xf32, #tpu.memory_space<hbm>> -> memref<200x128xf32, #tpu.memory_space<hbm>>
      %dma_start3A_138 = arith.constant 0 : i32
      %dma_start3A_139 = tpu.memref_slice %arg4[%add3A_135, %dma_start3A_138] : memref<819200x128xf32, #tpu.memory_space<hbm>> -> memref<200x128xf32, #tpu.memory_space<hbm>>
      tpu.enqueue_dma source(%arg9 : memref<200x128xf32, #tpu.memory_space<vmem>>) target(%dma_start3A_139 : memref<200x128xf32, #tpu.memory_space<hbm>>) target_semaphore(%arg17 : memref<!tpu.dma_semaphore, #tpu.memory_space<semaphore_mem>>)
    }
    %scan3A_16 = arith.constant 32 : i32
    %dma_wait3A = arith.constant 0 : i32
    %dma_wait3A_17 = tpu.memref_slice %arg4[%mul3A_2, %dma_wait3A] : memref<819200x128xf32, #tpu.memory_space<hbm>> -> memref<200x128xf32, #tpu.memory_space<hbm>>
    %dma_wait3A_18 = arith.constant 0 : i32
    %dma_wait3A_19 = tpu.memref_slice %arg4[%mul3A_2, %dma_wait3A_18] : memref<819200x128xf32, #tpu.memory_space<hbm>> -> memref<200x128xf32, #tpu.memory_space<hbm>>
    tpu.wait_dma2 semaphore(%arg14 : memref<!tpu.dma_semaphore, #tpu.memory_space<semaphore_mem>>) src(%arg6 : memref<200x128xf32, #tpu.memory_space<vmem>>) dst(%dma_wait3A_19 : memref<200x128xf32, #tpu.memory_space<hbm>>)
    %dma_wait3A_20 = arith.constant 0 : i32
    %dma_wait3A_21 = tpu.memref_slice %arg4[%mul3A_2, %dma_wait3A_20] : memref<819200x128xf32, #tpu.memory_space<hbm>> -> memref<200x128xf32, #tpu.memory_space<hbm>>
    %dma_wait3A_22 = arith.constant 0 : i32
    %dma_wait3A_23 = tpu.memref_slice %arg4[%mul3A_2, %dma_wait3A_22] : memref<819200x128xf32, #tpu.memory_space<hbm>> -> memref<200x128xf32, #tpu.memory_space<hbm>>
    tpu.wait_dma2 semaphore(%arg15 : memref<!tpu.dma_semaphore, #tpu.memory_space<semaphore_mem>>) src(%arg7 : memref<200x128xf32, #tpu.memory_space<vmem>>) dst(%dma_wait3A_23 : memref<200x128xf32, #tpu.memory_space<hbm>>)
    %dma_wait3A_24 = arith.constant 0 : i32
    %dma_wait3A_25 = tpu.memref_slice %arg4[%mul3A_2, %dma_wait3A_24] : memref<819200x128xf32, #tpu.memory_space<hbm>> -> memref<200x128xf32, #tpu.memory_space<hbm>>
    %dma_wait3A_26 = arith.constant 0 : i32
    %dma_wait3A_27 = tpu.memref_slice %arg4[%mul3A_2, %dma_wait3A_26] : memref<819200x128xf32, #tpu.memory_space<hbm>> -> memref<200x128xf32, #tpu.memory_space<hbm>>
    tpu.wait_dma2 semaphore(%arg16 : memref<!tpu.dma_semaphore, #tpu.memory_space<semaphore_mem>>) src(%arg8 : memref<200x128xf32, #tpu.memory_space<vmem>>) dst(%dma_wait3A_27 : memref<200x128xf32, #tpu.memory_space<hbm>>)
    %dma_wait3A_28 = arith.constant 0 : i32
    %dma_wait3A_29 = tpu.memref_slice %arg4[%mul3A_2, %dma_wait3A_28] : memref<819200x128xf32, #tpu.memory_space<hbm>> -> memref<200x128xf32, #tpu.memory_space<hbm>>
    %dma_wait3A_30 = arith.constant 0 : i32
    %dma_wait3A_31 = tpu.memref_slice %arg4[%mul3A_2, %dma_wait3A_30] : memref<819200x128xf32, #tpu.memory_space<hbm>> -> memref<200x128xf32, #tpu.memory_space<hbm>>
    tpu.wait_dma2 semaphore(%arg17 : memref<!tpu.dma_semaphore, #tpu.memory_space<semaphore_mem>>) src(%arg9 : memref<200x128xf32, #tpu.memory_space<vmem>>) dst(%dma_wait3A_31 : memref<200x128xf32, #tpu.memory_space<hbm>>)
    return
  }
}

</mosaic_0001>

<sc_bundles>
// kernel: kernel.3.cloned.1.call-start
scs
__scs_entry_jumppad:
0x0: {  	(pc) =	sbr.rel $0x88, $3  }
0x1: {  	(tag) =	ssettag $0x0;
	lr =	simm.s32 $0x1  }
0x2: {  	[smem:$0x3F9F] =	sst lr;
	_ =	strace $0xD0000000  }
0x3: {  	_ = 	snop  }
0x4: {  	_ = 	snop  }
0x5: {  	_ = 	snop  }
0x6: {  	_ = 	snop  }
0x7: {  	_ = 	snop  }
__scs_overlays_trampoline_lowered:
0x8: {  	[smem:$0x3FAE] =	sst s0  }
0x9: {  	[smem:$0x3FAF] =	sst s1  }
0xa: {  	[smem:$0x3FB0] =	sst s2  }
0xb: {  	[smem:$0x3FB1] =	sst s3  }
0xc: {  	[smem:$0x3FB2] =	sst s4  }
0xd: {  	[smem:$0x3FB3] =	sst s5  }
0xe: {  	[smem:$0x3FB4] =	sst s6  }
0xf: {  	[smem:$0x3FB5] =	sst s7  }
0x10: {  	[smem:$0x3FB6] =	sst s8  }
0x11: {  	[smem:$0x3FB7] =	sst s9;
	s0 =	simm.s32 @!p0 $0x0  }
0x12: {  	s1 =	sld [smem:$0x3F9D];
	s0 =	simm.s32 @p0 $0x1  }
0x13: {  	[smem:$0x3FB8] =	sst s0;
	s0 =	simm.s32 @!p1 $0x0  }
0x14: {  	s2 =	sld [smem:$0x3F9C];
	s0 =	simm.s32 @p1 $0x1  }
0x15: {  	[smem:$0x3FB9] =	sst s0;
	s0 =	simm.s32 @!p2 $0x0  }
0x16: {  	s3 =	sld [smem:$0x3FDB];
	s0 =	simm.s32 @p2 $0x1  }
0x17: {  	s4 =	simm.s32 $0x1BF5;
	[smem:$0x3FBB] =	sst s0  }
0x18: {  	s0 =	sld [smem:$0x3F9E];
	_ =	swait.ge [sflag:s4], $0x0  }
0x19: {  	s7 =	sld [smem:$0x3F9F]  }
0x1a: {  	s8 =	sadd.s32 $0xFFFFE003, lr  }
0x1b: {  	s9 =	sadd.s32 $0xFFFFFEF7, lr;
	s5 =	simm.s32 $0xFFFFFFFF;
	p2 =	slt.u32 s8, $0xFFFFF086  }
0x1c: {  	p1 =	slt.u32 s9, $0xF7A;
	s5 =	simm.s32 @!p2 $0x0  }
0x1d: {  	s5 =	simm.s32 @p1 $0x1;
	p0 =	seq.s32 s7, s2  }
0x1e: {  	s7 =	smul.u32 @!p0 $0xF7A, s2;
	p2 =	seq.s32 @!p0 s5, $0x0  }
0x1f: {  	s9 =	smul.u32 $0xF7A, s1;
	s8 =	simm.s32 @!p0 $0x1BF5;
	p2 =	por !p2, p0  }
0x20: {  	[sflag:s8] =	ssyncset.s32 @!p0 $0xFFFFF086;
	s6 =	sadd.s32 @!p0 s3, s7;
	s7 =	simm.s32 @!p0 $0x108  }
0x21: {  	s3 =	sadd.s32 s3, s9;
	s6 =	sadd.s32 @!p0 $0x88, s6;
	s7 =	simm.s32 @p2 $0x1082  }
0x22: {  	[simem:s7], [sflag:s8] =	dma.local @!p0 [hbm:s6], $0xF7A  }
0x23: {  	s9 =	sor.u32 $0xD0000000, s2;
	s6 =	simm.s32 $0x108;
	_ =	swait.ge @!p0 [sflag:s8], $0x0  }
0x24: {  	s3 =	sadd.s32 $0x88, s3;
	s6 =	simm.s32 @!p1 $0x1082;
	[sflag:s4] =	ssyncset.s32 $0xFFFFF086  }
0x25: {  	[simem:s6], [sflag:s4] =	dma.local [hbm:s3], $0xF7A  }
0x26: {  	[smem:$0x3F9F] =	sst s1;
	(tag) =	ssettag s2;
	_ =	strace s9  }
0x27: {  	s1 =	sld [smem:$0x3FAF]  }
0x28: {  	s2 =	sld [smem:$0x3FB0]  }
0x29: {  	s4 =	sld [smem:$0x3FB2]  }
0x2a: {  	p0 =	seq.s32 s5, $0x0;
	s5 =	sld [smem:$0x3FB3]  }
0x2b: {  	s6 =	sld [smem:$0x3FB4]  }
0x2c: {  	s7 =	sld [smem:$0x3FB5]  }
0x2d: {  	s3 =	simm.s32 $0x108;
	s8 =	sld [smem:$0x3FB6]  }
0x2e: {  	s3 =	simm.s32 @!p0 $0x1082;
	s9 =	sld [smem:$0x3FB7]  }
0x2f: {  	lr =	sadd.s32 s0, s3;
	s0 =	sld [smem:$0x3FAE]  }
0x30: {  	s3 =	sld [smem:$0x3FB1]  }
0x31: {  	[smem:$0x3FBA] =	sst s10  }
0x32: {  	s10 =	sld [smem:$0x3FB8];
	_ =	sdelay $0x3  }
0x33: {  	p0 =	seq.s32 s10, $0x1;
	s10 =	sld [smem:$0x3FBA];
	_ =	sdelay $0x3  }
0x34: {  	[smem:$0x3FBA] =	sst s10  }
0x35: {  	s10 =	sld [smem:$0x3FB9];
	_ =	sdelay $0x3  }
0x36: {  	p1 =	seq.s32 s10, $0x1;
	s10 =	sld [smem:$0x3FBA];
	_ =	sdelay $0x3  }
0x37: {  	[smem:$0x3FBA] =	sst s10  }
0x38: {  	s10 =	sld [smem:$0x3FBB]  }
0x39: {  	_ = 	snop;
	(pc) =	sbr.ind lr, $3  }
0x3a: {  	_ = 	snop  }
0x3b: {  	_ = 	snop  }
0x3c: {  	p2 =	seq.s32 s10, $0x1;
	s10 =	sld [smem:$0x3FBA]  }
0x3d: {  	_ =	shalt  }
0x3e: {  	_ =	shalt  }
0x3f: {  	_ =	shalt  }
0x40: {  	_ =	shalt  }
0x41: {  	_ =	shalt  }
0x42: {  	_ =	shalt  }
0x43: {  	_ =	shalt  }
0x44: {  	_ =	shalt  }
0x45: {  	_ =	shalt  }
0x46: {  	_ =	shalt  }
0x47: {  	_ =	shalt  }
0x48: {  	_ =	shalt  }
0x49: {  	_ =	shalt  }
0x4a: {  	_ =	shalt  }
0x4b: {  	_ =	shalt  }
0x4c: {  	_ =	shalt  }
0x4d: {  	_ =	shalt  }
0x4e: {  	_ =	shalt  }
0x4f: {  	_ =	shalt  }
0x50: {  	_ =	shalt  }
0x51: {  	_ =	shalt  }
0x52: {  	_ =	shalt  }
0x53: {  	_ =	shalt  }
0x54: {  	_ =	shalt  }
0x55: {  	_ =	shalt  }
0x56: {  	_ =	shalt  }
0x57: {  	_ =	shalt  }
0x58: {  	_ =	shalt  }
0x59: {  	_ =	shalt  }
0x5a: {  	_ =	shalt  }
0x5b: {  	_ =	shalt  }
0x5c: {  	_ =	shalt  }
0x5d: {  	_ =	shalt  }
0x5e: {  	_ =	shalt  }
0x5f: {  	_ =	shalt  }
0x60: {  	_ =	shalt  }
0x61: {  	_ =	shalt  }
0x62: {  	_ =	shalt  }
0x63: {  	_ =	shalt  }
0x64: {  	_ =	shalt  }
0x65: {  	_ =	shalt  }
0x66: {  	_ =	shalt  }
0x67: {  	_ =	shalt  }
0x68: {  	_ =	shalt  }
0x69: {  	_ =	shalt  }
0x6a: {  	_ =	shalt  }
0x6b: {  	_ =	shalt  }
0x6c: {  	_ =	shalt  }
0x6d: {  	_ =	shalt  }
0x6e: {  	_ =	shalt  }
0x6f: {  	_ =	shalt  }
0x70: {  	_ =	shalt  }
0x71: {  	_ =	shalt  }
0x72: {  	_ =	shalt  }
0x73: {  	_ =	shalt  }
0x74: {  	_ =	shalt  }
0x75: {  	_ =	shalt  }
0x76: {  	_ =	shalt  }
0x77: {  	_ =	shalt  }
0x78: {  	_ =	shalt  }
0x79: {  	_ =	shalt  }
0x7a: {  	_ =	shalt  }
0x7b: {  	_ =	shalt  }
0x7c: {  	_ =	shalt  }
0x7d: {  	_ =	shalt  }
0x7e: {  	_ =	shalt  }
0x7f: {  	_ =	shalt  }
0x80: {  	_ =	shalt  }
0x81: {  	_ =	shalt  }
0x82: {  	_ =	shalt  }
0x83: {  	_ =	shalt  }
0x84: {  	_ =	shalt  }
0x85: {  	_ =	shalt  }
0x86: {  	_ =	shalt  }
0x87: {  	_ =	shalt  }
.Lfunc_end0:
.L_simem_size_0:
called_computation_lowered:
.L_overlay_start_0:
0x88: {  	s2 =	sld [smem:$0x3FD9]  }
0x89: {  	s3 =	sld [smem:$0x3FFE];
	_ =	sdelay $0x1  }
0x8a: {  	s1 =	srdreg.scid  }
0x8b: {  	s0 =	sand.u32 $0x1, s1  }
0x8c: {  	s17 =	sshll.u32 s0, $0xA;
	s2 =	sadd.s32 s3, s2  }
0x8d: {  	s2 =	sadd.s32 s2, s17  }
0x8e: {  	[smem:$0x3FC6] =	sst s2  }
0x8f: {  	_ = 	snop  }
0x90: {  	s2 =	sld [smem:$0x3FC8]  }
0x91: {  	s18 =	sld [smem:$0x3FD0];
	(tm) =	ssettm $0x1  }
0x92: {  	s4 =	sld [smem:$0x3FFB];
	_ =	sdelay $0x3  }
0x93: {  	_ =	strace s4  }
0x94: {  	s4 =	sld [smem:$0x3FFC];
	_ =	sdelay $0x3  }
0x95: {  	_ =	strace s4  }
0x96: {  	s4 =	sld [smem:$0x3FFD];
	_ =	sdelay $0x3  }
0x97: {  	_ =	strace s4  }
0x98: {  	_ =	strace $0x8FFFFFFF  }
0x99: {  	s19 =	sld [smem:$0x3FDB];
	_ =	sdelay $0x1  }
0x9a: {  	s5 =	simm.s32 $_scs_section_size  }
0x9b: {  	s6 =	simm.s32 $_size__tile_overlayer_lowered;
	s7 =	simm.s32 $_tile_overlayer_lowered  }
0x9c: {  	s22 =	simm.s32 $0x1BFF;
	s21 =	sshll.u32 s7, $0x1;
	s4 =	sadd.s32 s5, s19  }
0x9d: {  	s8 =	simm.s32 $0x0;
	s20 =	sshll.u32 s6, $0x1;
	s6 =	sadd.s32 s21, s4  }
0x9e: {  	[timem:s8], [sflag:s22] =	dma.local [hbm:s6], s20  }
0x9f: {  	_ =	swait.ge [sflag:s22], s20  }
0xa0: {  	s5 =	ssub.s32 $0x0, s20;
	[sflag:s22] =	ssyncset.done $0x0  }
0xa1: {  	[sflag:s22] =	ssyncadd.s32 s5;
	_ =	sdelay $0x1  }
0xa2: {  	s23 =	simm.s32 $0x1B8B  }
0xa3: {  	_ =	swait.ge [sflag:s23], $0x1  }
0xa4: {  	[sflag:s23] =	ssyncset.done $0x0  }
0xa5: {  	s25 =	simm.s32 $0x1B8E;
	s24 =	sld [smem:$0x3FFE];
	[sflag:s23] =	ssyncadd.s32 $0xFFFFFFFF  }
0xa6: {  	s26 =	simm.s32 $execute0_lowered;
	[smem:$0x3FD2] =	sst s25  }
0xa7: {  	s6 =	sshll.u32 s26, $0x1;
	_ =	strace $0x80000046;
	[dreg:$0x1] =	wrdreg $0xFFFFFFFF  }
0xa8: {  	s28 =	simm.s32 $_size_execute0_lowered;
	s4 =	sadd.s32 s4, s6;
	[dreg:$0x0] =	wrdreg $0x0  }
0xa9: {  	s6 =	sshll.u32 s28, $0x1;
	[dreg:$0x2] =	wrdreg s4  }
0xaa: {  	[dreg:$0x3] =	wrdreg s6  }
0xab: {  	[dreg:$0x4] =	wrdreg $0xC0  }
0xac: {  	_ =	task [dreg:s8], $0x5FFFF  }
0xad: {  	[dreg:$0x1] =	wrdreg $0xFFFFFFFF  }
0xae: {  	[dreg:$0x0] =	wrdreg $0x60  }
0xaf: {  	[dreg:$0x2] =	wrdreg s2  }
0xb0: {  	[dreg:$0x3] =	wrdreg s24  }
0xb1: {  	[dreg:$0x4] =	wrdreg s18  }
0xb2: {  	[dreg:$0x5] =	wrdreg $0x9  }
0xb3: {  	_ =	task.clear_ibuf [dreg:s8], $0x6FFFF;
	_ =	strace $0x90000046  }
0xb4: {  	s29 =	simm.s32 $0x9;
	_ =	strace $0x80000048  }
0xb5: {  	_ =	swait.ge [sflag:s29], $0x1  }
0xb6: {  	[sflag:s29] =	ssyncadd.s32 $0xFFFFFFFF  }
0xb7: {  	_ =	strace $0x90000048  }
0xb8: {  	_ =	sfence  }
0xb9: {  	s30 =	sld [smem:$0x0];
	_ =	sdelay $0x2  }
0xba: {  	s31 =	sshll.u32 s1, $0xD;
	s1 =	sshrl.u32 s1, $0x2  }
0xbb: {  	s3 =	sand.u32 $0x4000, s31;
	s1 =	sadd.s32 s1, s30  }
0xbc: {  	s0 =	sor.u32 s3, s0;
	s1 =	sshll.u32 s1, $0x11  }
0xbd: {  	s0 =	sor.u32 s1, s0  }
0xbe: {  	s0 =	sadd.s32 $0x8F2B, s0  }
0xbf: {  	[sflag:s0] =	ssyncadd.remote.s32 $0x1  }
0xc0: {  	_ =	sfence.sel $0xFFFF  }
0xc1: {  	[dreg:$0x0] =	wrdreg $0xFFFFFFFF;
	(pc) =	sbr.abs _section_cstart, $3  }
0xc2: {  	[dreg:$0x1] =	wrdreg $0xFFFFFFFF  }
0xc3: {  	_ =	task.clear_ibuf [dreg:s8], $0x2FFFF;
	_ =	strace $0x9FFFFFFF  }
0xc4: {  	(tm) =	ssettm $0x7FFFFFFF  }
0xc5: {  	_ =	shalt  }
tec
execute0_lowered:
.L_overlay_start_1:
0x0: {  	(tag) =	ssettag $0x1  }
0x1: {  	s1 =	rddreg [dreg:$0x0]  }
0x2: {  	s2 =	srdreg.scid;
	s7 =	rddreg [dreg:$0x1]  }
0x3: {  	s0 =	stileid.u32;
	s3 =	rddreg [dreg:$0x2];
	s5 =	simm.s32 $0x0  }
0x4: {  	s10 =	simm.s32 $0xC8;
	s11 =	simm.s32 $0x6400;
	s12 =	simm.s32 $0xC800  }
0x5: {  	s13 =	simm.s32 $0x1;
	s14 =	simm.s32 $0x12C00;
	s15 =	simm.s32 $0x2  }
0x6: {  	s16 =	simm.s32 $0x19000;
	s17 =	simm.s32 $0x3;
	s18 =	simm.s32 $0x4  }
0x7: {  	s19 =	simm.s32 $0x5;
	s6 =	sand.u32 $0x1, s2;
	s30 =	sshll.u32 s0, $0x1  }
0x8: {  	s20 =	simm.s32 $0x6;
	s21 =	simm.s32 $0x7;
	s2 =	sor.u32 s6, s30  }
0x9: {  	s22 =	simm.s32 $0x8;
	[smem:$0x7FF] =	sst s5;
	s4 =	smul.u32 $0x6400, s2  }
0xa: {  	s23 =	simm.s32 $0x0;
	s6 =	ssub.s32 $0x2, s6;
	s2 =	rddreg [dreg:$0x3]  }
0xb: {  	s9 =	sshrl.u32 s6, $0x1;
	_ =	strace $0x80000047;
	s8 =	sshrl.u32 s4, $0x3  }
0xc: {  	s31 =	ssub.s32 s6, s9;
	s9 =	simm.s32 $0x9;
	s7 =	sadd.s32 s8, s7  }
0xd: {  	s8 =	smax.u32 s31, $0x1;
	s6 =	sadd.s32 $0x400, s7;
	s7 =	sor.u32 $0xC8, s4  }
.LBB2_1:
0xe: {  	[tilespmem:s5], [sflag:$0x9] =	stream.linear.gather [hbm4b:s6+s5], $0x6400, $0x38;
	[tilespmem:$0x1F400] =	vst v63  }
0xf: {  	_ =	swait.ge [sflag:s9], $0x6400  }
0x10: {  	[sflag:s9] =	ssyncset.done $0x0  }
0x11: {  	[sflag:s9] =	ssyncadd.s32 $0xFFFF9C00  }
0x12: {  	[tilespmem:s11], [sflag:$0x1] =	stream.indirect.gather [hbm4b:s1+s10], $0x80, s5, s10, $0xb8;
	[tilespmem:$0x1F400] =	vst v63  }
0x13: {  	s24 =	simm.s32 $0x0  }
0x14: {  	[tilespmem:s12], [sflag:$0x2] =	stream.indirect.gather [hbm4b:s1+s10], $0x80, s10, s10, $0xb8;
	[tilespmem:$0x1F400] =	vst v63  }
.LBB2_2:
0x15: {  	_ =	swait.ge [sflag:s13], $0x6400  }
0x16: {  	s26 =	sshll.u32 s24, $0x2;
	p0 =	seq.s32 s24, $0x0;
	[sflag:s13] =	ssyncset.done $0x0  }
0x17: {  	s25 =	sor.u32 $0x2, s26;
	s28 =	simm.s32 @!p0 $0x7;
	[sflag:s13] =	ssyncadd.s32 $0xFFFF9C00  }
0x18: {  	s29 =	smul.u32 $0x320, s25;
	_ =	swait.ge @!p0 [sflag:s28], $0x6400  }
0x19: {  	[sflag:s28] =	ssyncset.done @!p0 $0x0  }
0x1a: {  	[sflag:s28] =	ssyncadd.s32 @!p0 $0xFFFF9C00;
	s28 =	sshra.s32 s29, $0x2;
	s29 =	simm.s32 $0x0  }
0x1b: {  	[tilespmem:s14], [sflag:$0x3] =	stream.indirect.gather [hbm4b:s1+s10], $0x80, s28, s10, $0xb8;
	[tilespmem:$0x1F400] =	vst v63  }
0x1c: {  	v0 =	vld [tilespmem:s29+$0x6400]  }
0x1d: {  	v1 =	vld [tilespmem:s29+$0x6410]  }
0x1e: {  	v2 =	vld [tilespmem:s29+$0x6420]  }
0x1f: {  	v3 =	vld [tilespmem:s29+$0x6430]  }
0x20: {  	v4 =	vld [tilespmem:s29+$0x6440]  }
0x21: {  	v5 =	vld [tilespmem:s29+$0x6450];
	v0 =	vmul.f32 $1.131370830e+01, v0  }
0x22: {  	v6 =	vld [tilespmem:s29+$0x6460];
	v1 =	vmul.f32 $1.131370830e+01, v1  }
0x23: {  	v2 =	vmul.f32 $1.131370830e+01, v2;
	[tilespmem:s29+$0x6400] =	vst v0;
	v0 =	vld [tilespmem:s29+$0x6470]  }
0x24: {  	v3 =	vmul.f32 $1.131370830e+01, v3;
	[tilespmem:s29+$0x6410] =	vst v1;
	v1 =	vld [tilespmem:s29+$0x6480]  }
0x25: {  	v4 =	vmul.f32 $1.131370830e+01, v4;
	[tilespmem:s29+$0x6420] =	vst v2;
	v2 =	vld [tilespmem:s29+$0x6490]  }
0x26: {  	v5 =	vmul.f32 $1.131370830e+01, v5;
	[tilespmem:s29+$0x6430] =	vst v3;
	v3 =	vld [tilespmem:s29+$0x64A0]  }
0x27: {  	v6 =	vmul.f32 $1.131370830e+01, v6;
	[tilespmem:s29+$0x6440] =	vst v4;
	v4 =	vld [tilespmem:s29+$0x64B0]  }
0x28: {  	[tilespmem:s29+$0x6450] =	vst v5;
	v5 =	vld [tilespmem:s29+$0x64C0];
	v0 =	vmul.f32 $1.131370830e+01, v0  }
0x29: {  	[tilespmem:s29+$0x6460] =	vst v6;
	v6 =	vld [tilespmem:s29+$0x64D0];
	v1 =	vmul.f32 $1.131370830e+01, v1  }
0x2a: {  	v2 =	vmul.f32 $1.131370830e+01, v2;
	[tilespmem:s29+$0x6470] =	vst v0;
	v0 =	vld [tilespmem:s29+$0x64E0]  }
0x2b: {  	v3 =	vmul.f32 $1.131370830e+01, v3;
	[tilespmem:s29+$0x6480] =	vst v1;
	v1 =	vld [tilespmem:s29+$0x64F0]  }
0x2c: {  	v4 =	vmul.f32 $1.131370830e+01, v4;
	[tilespmem:s29+$0x6490] =	vst v2;
	v2 =	vld [tilespmem:s29+$0x6500]  }
0x2d: {  	v5 =	vmul.f32 $1.131370830e+01, v5;
	[tilespmem:s29+$0x64A0] =	vst v3;
	v3 =	vld [tilespmem:s29+$0x6510]  }
0x2e: {  	v6 =	vmul.f32 $1.131370830e+01, v6;
	[tilespmem:s29+$0x64B0] =	vst v4;
	v4 =	vld [tilespmem:s29+$0x6520]  }
0x2f: {  	[tilespmem:s29+$0x64C0] =	vst v5;
	v5 =	vld [tilespmem:s29+$0x6530];
	v0 =	vmul.f32 $1.131370830e+01, v0  }
0x30: {  	[tilespmem:s29+$0x64D0] =	vst v6;
	v6 =	vld [tilespmem:s29+$0x6540]  }
0x31: {  	v1 =	vmul.f32 $1.131370830e+01, v1;
	[tilespmem:s29+$0x64E0] =	vst v0;
	v0 =	vld [tilespmem:s29+$0x6550]  }
0x32: {  	v2 =	vmul.f32 $1.131370830e+01, v2  }
0x33: {  	[tilespmem:s29+$0x64F0] =	vst v1;
	v1 =	vmul.f32 $1.131370830e+01, v3;
	v3 =	vld [tilespmem:s29+$0x6570]  }
0x34: {  	v7 =	vld [tilespmem:s29+$0x6560];
	[tilespmem:s29+$0x6500] =	vst v2;
	v2 =	vmul.f32 $1.131370830e+01, v4  }
0x35: {  	v4 =	vld [tilespmem:s29+$0x6580];
	[tilespmem:s29+$0x6510] =	vst v1;
	v1 =	vmul.f32 $1.131370830e+01, v5  }
0x36: {  	[tilespmem:s29+$0x6520] =	vst v2;
	v5 =	vld [tilespmem:s29+$0x6590];
	v2 =	vmul.f32 $1.131370830e+01, v6;
	v6 =	vmul.f32 $1.131370830e+01, v0  }
0x37: {  	[tilespmem:s29+$0x6530] =	vst v1;
	v1 =	vld [tilespmem:s29+$0x65A0]  }
0x38: {  	v0 =	vld [tilespmem:s29+$0x65B0];
	[tilespmem:s29+$0x6550] =	vst v6;
	v6 =	vmul.f32 $1.131370830e+01, v3  }
0x39: {  	v7 =	vmul.f32 $1.131370830e+01, v7;
	[tilespmem:s29+$0x6540] =	vst v2;
	v2 =	vld [tilespmem:s29+$0x65C0]  }
0x3a: {  	v3 =	vld [tilespmem:s29+$0x65D0];
	[tilespmem:s29+$0x6570] =	vst v6;
	v6 =	vmul.f32 $1.131370830e+01, v4  }
0x3b: {  	s28 =	simm.s32 $0x800;
	[tilespmem:s29+$0x6560] =	vst v7;
	v5 =	vmul.f32 $1.131370830e+01, v5;
	v4 =	vld [tilespmem:s29+$0x65E0]  }
.LBB2_3:
0x3c: {  	s30 =	sshra.s32 s28, $0x2;
	p1 =	sne.s32 s28, $0x18800;
	[tilespmem:s29+$0x6580] =	vst v6;
	v1 =	vmul.f32 $1.131370830e+01, v1;
	v6 =	vld [tilespmem:s29+$0x65F0]  }
0x3d: {  	v7 =	vld [tilespmem:s30+$0x6400];
	[tilespmem:s29+$0x6590] =	vst v5;
	v0 =	vmul.f32 $1.131370830e+01, v0  }
0x3e: {  	v5 =	vld [tilespmem:s30+$0x6410];
	[tilespmem:s29+$0x65A0] =	vst v1;
	v1 =	vmul.f32 $1.131370830e+01, v2  }
0x3f: {  	v2 =	vld [tilespmem:s30+$0x6420];
	[tilespmem:s29+$0x65B0] =	vst v0;
	v0 =	vmul.f32 $1.131370830e+01, v3  }
0x40: {  	v3 =	vld [tilespmem:s30+$0x6430];
	[tilespmem:s29+$0x65C0] =	vst v1;
	v1 =	vmul.f32 $1.131370830e+01, v4  }
0x41: {  	v4 =	vld [tilespmem:s30+$0x6440];
	[tilespmem:s29+$0x65D0] =	vst v0;
	v0 =	vmul.f32 $1.131370830e+01, v6  }
0x42: {  	v6 =	vmul.f32 $1.131370830e+01, v7;
	v7 =	vld [tilespmem:s30+$0x6450];
	[tilespmem:s29+$0x65E0] =	vst v1  }
0x43: {  	v1 =	vmul.f32 $1.131370830e+01, v5;
	v5 =	vld [tilespmem:s30+$0x6460];
	[tilespmem:s29+$0x65F0] =	vst v0;
	s29 =	smov.u32 s30  }
0x44: {  	[tilespmem:s29+$0x6400] =	vst v6;
	v0 =	vmul.f32 $1.131370830e+01, v2;
	v2 =	vld [tilespmem:s29+$0x6470]  }
0x45: {  	[tilespmem:s29+$0x6410] =	vst v1;
	v1 =	vmul.f32 $1.131370830e+01, v3;
	v3 =	vld [tilespmem:s29+$0x6480]  }
0x46: {  	[tilespmem:s29+$0x6420] =	vst v0;
	v0 =	vmul.f32 $1.131370830e+01, v4;
	v4 =	vld [tilespmem:s29+$0x6490]  }
0x47: {  	[tilespmem:s29+$0x6430] =	vst v1;
	v1 =	vmul.f32 $1.131370830e+01, v7;
	v6 =	vld [tilespmem:s29+$0x64A0]  }
0x48: {  	[tilespmem:s29+$0x6440] =	vst v0;
	v0 =	vmul.f32 $1.131370830e+01, v5;
	v5 =	vld [tilespmem:s29+$0x64B0]  }
0x49: {  	[tilespmem:s29+$0x6450] =	vst v1;
	v1 =	vmul.f32 $1.131370830e+01, v2;
	v2 =	vld [tilespmem:s29+$0x64C0]  }
0x4a: {  	[tilespmem:s29+$0x6460] =	vst v0;
	v0 =	vmul.f32 $1.131370830e+01, v3;
	v3 =	vld [tilespmem:s29+$0x64D0]  }
0x4b: {  	[tilespmem:s29+$0x6470] =	vst v1;
	v1 =	vmul.f32 $1.131370830e+01, v4;
	v4 =	vld [tilespmem:s29+$0x64E0]  }
0x4c: {  	[tilespmem:s29+$0x6480] =	vst v0;
	v0 =	vmul.f32 $1.131370830e+01, v6;
	v6 =	vld [tilespmem:s29+$0x64F0]  }
0x4d: {  	[tilespmem:s29+$0x6490] =	vst v1;
	v1 =	vmul.f32 $1.131370830e+01, v5;
	v5 =	vld [tilespmem:s29+$0x6500]  }
0x4e: {  	[tilespmem:s29+$0x64A0] =	vst v0;
	v0 =	vmul.f32 $1.131370830e+01, v2;
	v2 =	vld [tilespmem:s29+$0x6510]  }
0x4f: {  	[tilespmem:s29+$0x64B0] =	vst v1;
	v1 =	vmul.f32 $1.131370830e+01, v3;
	v3 =	vld [tilespmem:s29+$0x6520]  }
0x50: {  	[tilespmem:s29+$0x64C0] =	vst v0;
	v0 =	vmul.f32 $1.131370830e+01, v4;
	v4 =	vld [tilespmem:s29+$0x6530]  }
0x51: {  	[tilespmem:s29+$0x64D0] =	vst v1;
	v1 =	vmul.f32 $1.131370830e+01, v6;
	v6 =	vld [tilespmem:s29+$0x6540]  }
0x52: {  	[tilespmem:s29+$0x64E0] =	vst v0;
	v0 =	vmul.f32 $1.131370830e+01, v5;
	v5 =	vld [tilespmem:s29+$0x6550]  }
0x53: {  	[tilespmem:s29+$0x64F0] =	vst v1;
	v1 =	vmul.f32 $1.131370830e+01, v2;
	v2 =	vld [tilespmem:s29+$0x6560]  }
0x54: {  	[tilespmem:s29+$0x6500] =	vst v0;
	v0 =	vmul.f32 $1.131370830e+01, v3;
	v3 =	vld [tilespmem:s29+$0x6570]  }
0x55: {  	[tilespmem:s29+$0x6510] =	vst v1;
	v1 =	vmul.f32 $1.131370830e+01, v4;
	v4 =	vld [tilespmem:s29+$0x6580]  }
0x56: {  	[tilespmem:s29+$0x6520] =	vst v0;
	v0 =	vmul.f32 $1.131370830e+01, v6;
	v7 =	vld [tilespmem:s29+$0x6590]  }
.Ltmp0:
0x57: {  	[tilespmem:s29+$0x6530] =	vst v1;
	v5 =	vmul.f32 $1.131370830e+01, v5;
	v1 =	vld [tilespmem:s29+$0x65A0];
	(pc) =	sbr.rel @p1 .LBB2_3-.Ltmp0, $4  }
0x58: {  	[tilespmem:s29+$0x6540] =	vst v0;
	v6 =	vmul.f32 $1.131370830e+01, v2;
	v0 =	vld [tilespmem:s29+$0x65B0]  }
0x59: {  	[tilespmem:s29+$0x6550] =	vst v5;
	v5 =	vmul.f32 $1.131370830e+01, v3;
	v2 =	vld [tilespmem:s29+$0x65C0]  }
0x5a: {  	[tilespmem:s29+$0x6560] =	vst v6;
	v6 =	vmul.f32 $1.131370830e+01, v4;
	v3 =	vld [tilespmem:s29+$0x65D0]  }
0x5b: {  	s28 =	sadd.s32 $0x800, s28;
	[tilespmem:s29+$0x6570] =	vst v5;
	v5 =	vmul.f32 $1.131370830e+01, v7;
	v4 =	vld [tilespmem:s29+$0x65E0]  }
0x5c: {  	[tilespmem:s29+$0x6580] =	vst v6;
	v1 =	vmul.f32 $1.131370830e+01, v1;
	v6 =	vld [tilespmem:s29+$0x65F0]  }
0x5d: {  	[tilespmem:s29+$0x6590] =	vst v5;
	v0 =	vmul.f32 $1.131370830e+01, v0  }
0x5e: {  	[tilespmem:s29+$0x65A0] =	vst v1;
	v1 =	vmul.f32 $1.131370830e+01, v2  }
0x5f: {  	s28 =	smul.u32 $0x320, s24;
	[tilespmem:s29+$0x65B0] =	vst v0;
	v0 =	vmul.f32 $1.131370830e+01, v3  }
0x60: {  	[tilespmem:s29+$0x65C0] =	vst v1;
	v1 =	vmul.f32 $1.131370830e+01, v4  }
0x61: {  	s30 =	sadd.s32 s4, s28;
	[tilespmem:s29+$0x65D0] =	vst v0;
	v0 =	vmul.f32 $1.131370830e+01, v6  }
0x62: {  	s30 =	sshll.u32 s30, $0x4;
	[tilespmem:s29+$0x65E0] =	vst v1  }
0x63: {  	[tilespmem:s29+$0x65F0] =	vst v0;
	s29 =	sadd.s32 s3, s30  }
0x64: {  	[hbm4b:s29+s5] =	stream.linear.scatter [tilespmem:s11], [sflag:$0x5], $0x6400, $0x38;
	[tilespmem:$0x1F400] =	vst v63  }
0x65: {  	_ =	swait.ge [sflag:s15], $0x6400  }
0x66: {  	[sflag:s15] =	ssyncset.done $0x0  }
0x67: {  	s26 =	sor.u32 $0x3, s26;
	s29 =	simm.s32 @!p0 $0x8;
	[sflag:s15] =	ssyncadd.s32 $0xFFFF9C00  }
0x68: {  	s30 =	smul.u32 $0x320, s26;
	_ =	swait.ge @!p0 [sflag:s29], $0x6400  }
0x69: {  	[sflag:s29] =	ssyncset.done @!p0 $0x0  }
0x6a: {  	[sflag:s29] =	ssyncadd.s32 @!p0 $0xFFFF9C00;
	s29 =	sshra.s32 s30, $0x2  }
0x6b: {  	[tilespmem:s16], [sflag:$0x4] =	stream.indirect.gather [hbm4b:s1+s10], $0x80, s29, s10, $0xb8;
	[tilespmem:$0x1F400] =	vst v63  }
0x6c: {  	s29 =	simm.s32 $0x0  }
0x6d: {  	v0 =	vld [tilespmem:s29+$0xC800]  }
0x6e: {  	v1 =	vld [tilespmem:s29+$0xC810]  }
0x6f: {  	v2 =	vld [tilespmem:s29+$0xC820]  }
0x70: {  	v3 =	vld [tilespmem:s29+$0xC830]  }
0x71: {  	v4 =	vld [tilespmem:s29+$0xC840]  }
0x72: {  	v5 =	vld [tilespmem:s29+$0xC850];
	v0 =	vmul.f32 $1.131370830e+01, v0  }
0x73: {  	v6 =	vld [tilespmem:s29+$0xC860];
	v1 =	vmul.f32 $1.131370830e+01, v1  }
0x74: {  	v2 =	vmul.f32 $1.131370830e+01, v2;
	[tilespmem:s29+$0xC800] =	vst v0;
	v0 =	vld [tilespmem:s29+$0xC870]  }
0x75: {  	v3 =	vmul.f32 $1.131370830e+01, v3;
	[tilespmem:s29+$0xC810] =	vst v1;
	v1 =	vld [tilespmem:s29+$0xC880]  }
0x76: {  	v4 =	vmul.f32 $1.131370830e+01, v4;
	[tilespmem:s29+$0xC820] =	vst v2;
	v2 =	vld [tilespmem:s29+$0xC890]  }
0x77: {  	v5 =	vmul.f32 $1.131370830e+01, v5;
	[tilespmem:s29+$0xC830] =	vst v3;
	v3 =	vld [tilespmem:s29+$0xC8A0]  }
0x78: {  	v6 =	vmul.f32 $1.131370830e+01, v6;
	[tilespmem:s29+$0xC840] =	vst v4;
	v4 =	vld [tilespmem:s29+$0xC8B0]  }
0x79: {  	[tilespmem:s29+$0xC850] =	vst v5;
	v5 =	vld [tilespmem:s29+$0xC8C0];
	v0 =	vmul.f32 $1.131370830e+01, v0  }
0x7a: {  	[tilespmem:s29+$0xC860] =	vst v6;
	v6 =	vld [tilespmem:s29+$0xC8D0];
	v1 =	vmul.f32 $1.131370830e+01, v1  }
0x7b: {  	v2 =	vmul.f32 $1.131370830e+01, v2;
	[tilespmem:s29+$0xC870] =	vst v0;
	v0 =	vld [tilespmem:s29+$0xC8E0]  }
0x7c: {  	v3 =	vmul.f32 $1.131370830e+01, v3;
	[tilespmem:s29+$0xC880] =	vst v1;
	v1 =	vld [tilespmem:s29+$0xC8F0]  }
0x7d: {  	v4 =	vmul.f32 $1.131370830e+01, v4;
	[tilespmem:s29+$0xC890] =	vst v2;
	v2 =	vld [tilespmem:s29+$0xC900]  }
0x7e: {  	v5 =	vmul.f32 $1.131370830e+01, v5;
	[tilespmem:s29+$0xC8A0] =	vst v3;
	v3 =	vld [tilespmem:s29+$0xC910]  }
0x7f: {  	v6 =	vmul.f32 $1.131370830e+01, v6;
	[tilespmem:s29+$0xC8B0] =	vst v4;
	v4 =	vld [tilespmem:s29+$0xC920]  }
0x80: {  	[tilespmem:s29+$0xC8C0] =	vst v5;
	v5 =	vld [tilespmem:s29+$0xC930];
	v0 =	vmul.f32 $1.131370830e+01, v0  }
0x81: {  	[tilespmem:s29+$0xC8D0] =	vst v6;
	v6 =	vld [tilespmem:s29+$0xC940]  }
0x82: {  	v1 =	vmul.f32 $1.131370830e+01, v1;
	[tilespmem:s29+$0xC8E0] =	vst v0;
	v0 =	vld [tilespmem:s29+$0xC950]  }
0x83: {  	v2 =	vmul.f32 $1.131370830e+01, v2  }
0x84: {  	[tilespmem:s29+$0xC8F0] =	vst v1;
	v1 =	vmul.f32 $1.131370830e+01, v3;
	v3 =	vld [tilespmem:s29+$0xC970]  }
0x85: {  	v7 =	vld [tilespmem:s29+$0xC960];
	[tilespmem:s29+$0xC900] =	vst v2;
	v2 =	vmul.f32 $1.131370830e+01, v4  }
0x86: {  	v4 =	vld [tilespmem:s29+$0xC980];
	[tilespmem:s29+$0xC910] =	vst v1;
	v1 =	vmul.f32 $1.131370830e+01, v5  }
0x87: {  	[tilespmem:s29+$0xC920] =	vst v2;
	v5 =	vld [tilespmem:s29+$0xC990];
	v2 =	vmul.f32 $1.131370830e+01, v6;
	v6 =	vmul.f32 $1.131370830e+01, v0  }
0x88: {  	[tilespmem:s29+$0xC930] =	vst v1;
	v1 =	vld [tilespmem:s29+$0xC9A0]  }
0x89: {  	v0 =	vld [tilespmem:s29+$0xC9B0];
	[tilespmem:s29+$0xC950] =	vst v6;
	v6 =	vmul.f32 $1.131370830e+01, v3  }
0x8a: {  	v7 =	vmul.f32 $1.131370830e+01, v7;
	[tilespmem:s29+$0xC940] =	vst v2;
	v2 =	vld [tilespmem:s29+$0xC9C0]  }
0x8b: {  	v3 =	vld [tilespmem:s29+$0xC9D0];
	[tilespmem:s29+$0xC970] =	vst v6;
	v6 =	vmul.f32 $1.131370830e+01, v4  }
0x8c: {  	s30 =	simm.s32 $0x800;
	[tilespmem:s29+$0xC960] =	vst v7;
	v5 =	vmul.f32 $1.131370830e+01, v5;
	v4 =	vld [tilespmem:s29+$0xC9E0]  }
.LBB2_5:
0x8d: {  	s31 =	sshra.s32 s30, $0x2;
	p0 =	sne.s32 s30, $0x18800;
	[tilespmem:s29+$0xC980] =	vst v6;
	v1 =	vmul.f32 $1.131370830e+01, v1;
	v6 =	vld [tilespmem:s29+$0xC9F0]  }
0x8e: {  	v7 =	vld [tilespmem:s31+$0xC800];
	[tilespmem:s29+$0xC990] =	vst v5;
	v0 =	vmul.f32 $1.131370830e+01, v0  }
0x8f: {  	v5 =	vld [tilespmem:s31+$0xC810];
	[tilespmem:s29+$0xC9A0] =	vst v1;
	v1 =	vmul.f32 $1.131370830e+01, v2  }
0x90: {  	v2 =	vld [tilespmem:s31+$0xC820];
	[tilespmem:s29+$0xC9B0] =	vst v0;
	v0 =	vmul.f32 $1.131370830e+01, v3  }
0x91: {  	v3 =	vld [tilespmem:s31+$0xC830];
	[tilespmem:s29+$0xC9C0] =	vst v1;
	v1 =	vmul.f32 $1.131370830e+01, v4  }
0x92: {  	v4 =	vld [tilespmem:s31+$0xC840];
	[tilespmem:s29+$0xC9D0] =	vst v0;
	v0 =	vmul.f32 $1.131370830e+01, v6  }
0x93: {  	v6 =	vmul.f32 $1.131370830e+01, v7;
	v7 =	vld [tilespmem:s31+$0xC850];
	[tilespmem:s29+$0xC9E0] =	vst v1  }
0x94: {  	v1 =	vmul.f32 $1.131370830e+01, v5;
	v5 =	vld [tilespmem:s31+$0xC860];
	[tilespmem:s29+$0xC9F0] =	vst v0;
	s29 =	smov.u32 s31  }
0x95: {  	[tilespmem:s29+$0xC800] =	vst v6;
	v0 =	vmul.f32 $1.131370830e+01, v2;
	v2 =	vld [tilespmem:s29+$0xC870]  }
0x96: {  	[tilespmem:s29+$0xC810] =	vst v1;
	v1 =	vmul.f32 $1.131370830e+01, v3;
	v3 =	vld [tilespmem:s29+$0xC880]  }
0x97: {  	[tilespmem:s29+$0xC820] =	vst v0;
	v0 =	vmul.f32 $1.131370830e+01, v4;
	v4 =	vld [tilespmem:s29+$0xC890]  }
0x98: {  	[tilespmem:s29+$0xC830] =	vst v1;
	v1 =	vmul.f32 $1.131370830e+01, v7;
	v6 =	vld [tilespmem:s29+$0xC8A0]  }
0x99: {  	[tilespmem:s29+$0xC840] =	vst v0;
	v0 =	vmul.f32 $1.131370830e+01, v5;
	v5 =	vld [tilespmem:s29+$0xC8B0]  }
0x9a: {  	[tilespmem:s29+$0xC850] =	vst v1;
	v1 =	vmul.f32 $1.131370830e+01, v2;
	v2 =	vld [tilespmem:s29+$0xC8C0]  }
0x9b: {  	[tilespmem:s29+$0xC860] =	vst v0;
	v0 =	vmul.f32 $1.131370830e+01, v3;
	v3 =	vld [tilespmem:s29+$0xC8D0]  }
0x9c: {  	[tilespmem:s29+$0xC870] =	vst v1;
	v1 =	vmul.f32 $1.131370830e+01, v4;
	v4 =	vld [tilespmem:s29+$0xC8E0]  }
0x9d: {  	[tilespmem:s29+$0xC880] =	vst v0;
	v0 =	vmul.f32 $1.131370830e+01, v6;
	v6 =	vld [tilespmem:s29+$0xC8F0]  }
0x9e: {  	[tilespmem:s29+$0xC890] =	vst v1;
	v1 =	vmul.f32 $1.131370830e+01, v5;
	v5 =	vld [tilespmem:s29+$0xC900]  }
0x9f: {  	[tilespmem:s29+$0xC8A0] =	vst v0;
	v0 =	vmul.f32 $1.131370830e+01, v2;
	v2 =	vld [tilespmem:s29+$0xC910]  }
0xa0: {  	[tilespmem:s29+$0xC8B0] =	vst v1;
	v1 =	vmul.f32 $1.131370830e+01, v3;
	v3 =	vld [tilespmem:s29+$0xC920]  }
0xa1: {  	[tilespmem:s29+$0xC8C0] =	vst v0;
	v0 =	vmul.f32 $1.131370830e+01, v4;
	v4 =	vld [tilespmem:s29+$0xC930]  }
0xa2: {  	[tilespmem:s29+$0xC8D0] =	vst v1;
	v1 =	vmul.f32 $1.131370830e+01, v6;
	v6 =	vld [tilespmem:s29+$0xC940]  }
0xa3: {  	[tilespmem:s29+$0xC8E0] =	vst v0;
	v0 =	vmul.f32 $1.131370830e+01, v5;
	v5 =	vld [tilespmem:s29+$0xC950]  }
0xa4: {  	[tilespmem:s29+$0xC8F0] =	vst v1;
	v1 =	vmul.f32 $1.131370830e+01, v2;
	v2 =	vld [tilespmem:s29+$0xC960]  }
0xa5: {  	[tilespmem:s29+$0xC900] =	vst v0;
	v0 =	vmul.f32 $1.131370830e+01, v3;
	v3 =	vld [tilespmem:s29+$0xC970]  }
0xa6: {  	[tilespmem:s29+$0xC910] =	vst v1;
	v1 =	vmul.f32 $1.131370830e+01, v4;
	v4 =	vld [tilespmem:s29+$0xC980]  }
0xa7: {  	[tilespmem:s29+$0xC920] =	vst v0;
	v0 =	vmul.f32 $1.131370830e+01, v6;
	v7 =	vld [tilespmem:s29+$0xC990]  }
.Ltmp1:
0xa8: {  	[tilespmem:s29+$0xC930] =	vst v1;
	v5 =	vmul.f32 $1.131370830e+01, v5;
	v1 =	vld [tilespmem:s29+$0xC9A0];
	(pc) =	sbr.rel @p0 .LBB2_5-.Ltmp1, $4  }
0xa9: {  	[tilespmem:s29+$0xC940] =	vst v0;
	v6 =	vmul.f32 $1.131370830e+01, v2;
	v0 =	vld [tilespmem:s29+$0xC9B0]  }
0xaa: {  	[tilespmem:s29+$0xC950] =	vst v5;
	v5 =	vmul.f32 $1.131370830e+01, v3;
	v2 =	vld [tilespmem:s29+$0xC9C0]  }
0xab: {  	[tilespmem:s29+$0xC960] =	vst v6;
	v6 =	vmul.f32 $1.131370830e+01, v4;
	v3 =	vld [tilespmem:s29+$0xC9D0]  }
0xac: {  	s30 =	sadd.s32 $0x800, s30;
	[tilespmem:s29+$0xC970] =	vst v5;
	v5 =	vmul.f32 $1.131370830e+01, v7;
	v4 =	vld [tilespmem:s29+$0xC9E0]  }
0xad: {  	[tilespmem:s29+$0xC980] =	vst v6;
	v1 =	vmul.f32 $1.131370830e+01, v1;
	v6 =	vld [tilespmem:s29+$0xC9F0]  }
0xae: {  	[tilespmem:s29+$0xC990] =	vst v5;
	v0 =	vmul.f32 $1.131370830e+01, v0  }
0xaf: {  	[tilespmem:s29+$0xC9A0] =	vst v1;
	v1 =	vmul.f32 $1.131370830e+01, v2  }
0xb0: {  	[tilespmem:s29+$0xC9B0] =	vst v0;
	v0 =	vmul.f32 $1.131370830e+01, v3  }
0xb1: {  	[tilespmem:s29+$0xC9C0] =	vst v1;
	v1 =	vmul.f32 $1.131370830e+01, v4  }
0xb2: {  	s28 =	sadd.s32 s28, s7;
	[tilespmem:s29+$0xC9D0] =	vst v0;
	v0 =	vmul.f32 $1.131370830e+01, v6  }
0xb3: {  	s28 =	sshll.u32 s28, $0x4;
	[tilespmem:s29+$0xC9E0] =	vst v1  }
0xb4: {  	s28 =	sadd.s32 s3, s28;
	[tilespmem:s29+$0xC9F0] =	vst v0  }
0xb5: {  	[hbm4b:s28+s5] =	stream.linear.scatter [tilespmem:s12], [sflag:$0x6], $0x6400, $0x38;
	[tilespmem:$0x1F400] =	vst v63  }
0xb6: {  	_ =	swait.ge [sflag:s17], $0x6400  }
0xb7: {  	p0 =	seq.s32 s24, $0x1F;
	[sflag:s17] =	ssyncset.done $0x0  }
0xb8: {  	s28 =	simm.s32 @!p0 $0x5;
	[sflag:s17] =	ssyncadd.s32 $0xFFFF9C00  }
0xb9: {  	s29 =	smul.u32 @!p0 $0xC80, s24;
	_ =	swait.ge @!p0 [sflag:s28], $0x6400  }
0xba: {  	[sflag:s28] =	ssyncset.done @!p0 $0x0  }
0xbb: {  	[sflag:s28] =	ssyncadd.s32 @!p0 $0xFFFF9C00;
	s28 =	sshra.s32 @!p0 s29, $0x2  }
0xbc: {  	s30 =	simm.s32 @!p0 $0xC8;
	s31 =	simm.s32 @!p0 $0x6400;
	s29 =	sadd.s32 @!p0 $0x320, s28  }
0xbd: {  	[tilespmem:s31], [sflag:$0x1] =	stream.indirect.gather @!p0 [hbm4b:s1+s30], $0x80, s29, s30, $0xb8;
	[tilespmem:$0x1F400] =	vst v63  }
0xbe: {  	s29 =	simm.s32 $0x0  }
0xbf: {  	v0 =	vld [tilespmem:s29+$0x12C00]  }
0xc0: {  	v1 =	vld [tilespmem:s29+$0x12C10]  }
0xc1: {  	v2 =	vld [tilespmem:s29+$0x12C20]  }
0xc2: {  	v3 =	vld [tilespmem:s29+$0x12C30]  }
0xc3: {  	v4 =	vld [tilespmem:s29+$0x12C40]  }
0xc4: {  	v5 =	vld [tilespmem:s29+$0x12C50];
	v0 =	vmul.f32 $1.131370830e+01, v0  }
0xc5: {  	v6 =	vld [tilespmem:s29+$0x12C60];
	v1 =	vmul.f32 $1.131370830e+01, v1  }
0xc6: {  	v2 =	vmul.f32 $1.131370830e+01, v2;
	[tilespmem:s29+$0x12C00] =	vst v0;
	v0 =	vld [tilespmem:s29+$0x12C70]  }
0xc7: {  	v3 =	vmul.f32 $1.131370830e+01, v3;
	[tilespmem:s29+$0x12C10] =	vst v1;
	v1 =	vld [tilespmem:s29+$0x12C80]  }
0xc8: {  	v4 =	vmul.f32 $1.131370830e+01, v4;
	[tilespmem:s29+$0x12C20] =	vst v2;
	v2 =	vld [tilespmem:s29+$0x12C90]  }
0xc9: {  	v5 =	vmul.f32 $1.131370830e+01, v5;
	[tilespmem:s29+$0x12C30] =	vst v3;
	v3 =	vld [tilespmem:s29+$0x12CA0]  }
0xca: {  	v6 =	vmul.f32 $1.131370830e+01, v6;
	[tilespmem:s29+$0x12C40] =	vst v4;
	v4 =	vld [tilespmem:s29+$0x12CB0]  }
0xcb: {  	[tilespmem:s29+$0x12C50] =	vst v5;
	v5 =	vld [tilespmem:s29+$0x12CC0];
	v0 =	vmul.f32 $1.131370830e+01, v0  }
0xcc: {  	[tilespmem:s29+$0x12C60] =	vst v6;
	v6 =	vld [tilespmem:s29+$0x12CD0];
	v1 =	vmul.f32 $1.131370830e+01, v1  }
0xcd: {  	v2 =	vmul.f32 $1.131370830e+01, v2;
	[tilespmem:s29+$0x12C70] =	vst v0;
	v0 =	vld [tilespmem:s29+$0x12CE0]  }
0xce: {  	v3 =	vmul.f32 $1.131370830e+01, v3;
	[tilespmem:s29+$0x12C80] =	vst v1;
	v1 =	vld [tilespmem:s29+$0x12CF0]  }
0xcf: {  	v4 =	vmul.f32 $1.131370830e+01, v4;
	[tilespmem:s29+$0x12C90] =	vst v2;
	v2 =	vld [tilespmem:s29+$0x12D00]  }
0xd0: {  	v5 =	vmul.f32 $1.131370830e+01, v5;
	[tilespmem:s29+$0x12CA0] =	vst v3;
	v3 =	vld [tilespmem:s29+$0x12D10]  }
0xd1: {  	v6 =	vmul.f32 $1.131370830e+01, v6;
	[tilespmem:s29+$0x12CB0] =	vst v4;
	v4 =	vld [tilespmem:s29+$0x12D20]  }
0xd2: {  	[tilespmem:s29+$0x12CC0] =	vst v5;
	v5 =	vld [tilespmem:s29+$0x12D30];
	v0 =	vmul.f32 $1.131370830e+01, v0  }
0xd3: {  	[tilespmem:s29+$0x12CD0] =	vst v6;
	v6 =	vld [tilespmem:s29+$0x12D40]  }
0xd4: {  	v1 =	vmul.f32 $1.131370830e+01, v1;
	[tilespmem:s29+$0x12CE0] =	vst v0;
	v0 =	vld [tilespmem:s29+$0x12D50]  }
0xd5: {  	v2 =	vmul.f32 $1.131370830e+01, v2  }
0xd6: {  	[tilespmem:s29+$0x12CF0] =	vst v1;
	v1 =	vmul.f32 $1.131370830e+01, v3;
	v3 =	vld [tilespmem:s29+$0x12D70]  }
0xd7: {  	v7 =	vld [tilespmem:s29+$0x12D60];
	[tilespmem:s29+$0x12D00] =	vst v2;
	v2 =	vmul.f32 $1.131370830e+01, v4  }
0xd8: {  	v4 =	vld [tilespmem:s29+$0x12D80];
	[tilespmem:s29+$0x12D10] =	vst v1;
	v1 =	vmul.f32 $1.131370830e+01, v5  }
0xd9: {  	[tilespmem:s29+$0x12D20] =	vst v2;
	v5 =	vld [tilespmem:s29+$0x12D90];
	v2 =	vmul.f32 $1.131370830e+01, v6;
	v6 =	vmul.f32 $1.131370830e+01, v0  }
0xda: {  	[tilespmem:s29+$0x12D30] =	vst v1;
	v1 =	vld [tilespmem:s29+$0x12DA0]  }
0xdb: {  	v0 =	vld [tilespmem:s29+$0x12DB0];
	[tilespmem:s29+$0x12D50] =	vst v6;
	v6 =	vmul.f32 $1.131370830e+01, v3  }
0xdc: {  	v7 =	vmul.f32 $1.131370830e+01, v7;
	[tilespmem:s29+$0x12D40] =	vst v2;
	v2 =	vld [tilespmem:s29+$0x12DC0]  }
0xdd: {  	v3 =	vld [tilespmem:s29+$0x12DD0];
	[tilespmem:s29+$0x12D70] =	vst v6;
	v6 =	vmul.f32 $1.131370830e+01, v4  }
0xde: {  	s30 =	simm.s32 $0x800;
	[tilespmem:s29+$0x12D60] =	vst v7;
	v5 =	vmul.f32 $1.131370830e+01, v5;
	v4 =	vld [tilespmem:s29+$0x12DE0]  }
.LBB2_7:
0xdf: {  	s31 =	sshra.s32 s30, $0x2;
	p1 =	sne.s32 s30, $0x18800;
	[tilespmem:s29+$0x12D80] =	vst v6;
	v1 =	vmul.f32 $1.131370830e+01, v1;
	v6 =	vld [tilespmem:s29+$0x12DF0]  }
0xe0: {  	v7 =	vld [tilespmem:s31+$0x12C00];
	[tilespmem:s29+$0x12D90] =	vst v5;
	v0 =	vmul.f32 $1.131370830e+01, v0  }
0xe1: {  	v5 =	vld [tilespmem:s31+$0x12C10];
	[tilespmem:s29+$0x12DA0] =	vst v1;
	v1 =	vmul.f32 $1.131370830e+01, v2  }
0xe2: {  	v2 =	vld [tilespmem:s31+$0x12C20];
	[tilespmem:s29+$0x12DB0] =	vst v0;
	v0 =	vmul.f32 $1.131370830e+01, v3  }
0xe3: {  	v3 =	vld [tilespmem:s31+$0x12C30];
	[tilespmem:s29+$0x12DC0] =	vst v1;
	v1 =	vmul.f32 $1.131370830e+01, v4  }
0xe4: {  	v4 =	vld [tilespmem:s31+$0x12C40];
	[tilespmem:s29+$0x12DD0] =	vst v0;
	v0 =	vmul.f32 $1.131370830e+01, v6  }
0xe5: {  	v6 =	vmul.f32 $1.131370830e+01, v7;
	v7 =	vld [tilespmem:s31+$0x12C50];
	[tilespmem:s29+$0x12DE0] =	vst v1  }
0xe6: {  	v1 =	vmul.f32 $1.131370830e+01, v5;
	v5 =	vld [tilespmem:s31+$0x12C60];
	[tilespmem:s29+$0x12DF0] =	vst v0;
	s29 =	smov.u32 s31  }
0xe7: {  	[tilespmem:s29+$0x12C00] =	vst v6;
	v0 =	vmul.f32 $1.131370830e+01, v2;
	v2 =	vld [tilespmem:s29+$0x12C70]  }
0xe8: {  	[tilespmem:s29+$0x12C10] =	vst v1;
	v1 =	vmul.f32 $1.131370830e+01, v3;
	v3 =	vld [tilespmem:s29+$0x12C80]  }
0xe9: {  	[tilespmem:s29+$0x12C20] =	vst v0;
	v0 =	vmul.f32 $1.131370830e+01, v4;
	v4 =	vld [tilespmem:s29+$0x12C90]  }
0xea: {  	[tilespmem:s29+$0x12C30] =	vst v1;
	v1 =	vmul.f32 $1.131370830e+01, v7;
	v6 =	vld [tilespmem:s29+$0x12CA0]  }
0xeb: {  	[tilespmem:s29+$0x12C40] =	vst v0;
	v0 =	vmul.f32 $1.131370830e+01, v5;
	v5 =	vld [tilespmem:s29+$0x12CB0]  }
0xec: {  	[tilespmem:s29+$0x12C50] =	vst v1;
	v1 =	vmul.f32 $1.131370830e+01, v2;
	v2 =	vld [tilespmem:s29+$0x12CC0]  }
0xed: {  	[tilespmem:s29+$0x12C60] =	vst v0;
	v0 =	vmul.f32 $1.131370830e+01, v3;
	v3 =	vld [tilespmem:s29+$0x12CD0]  }
0xee: {  	[tilespmem:s29+$0x12C70] =	vst v1;
	v1 =	vmul.f32 $1.131370830e+01, v4;
	v4 =	vld [tilespmem:s29+$0x12CE0]  }
0xef: {  	[tilespmem:s29+$0x12C80] =	vst v0;
	v0 =	vmul.f32 $1.131370830e+01, v6;
	v6 =	vld [tilespmem:s29+$0x12CF0]  }
0xf0: {  	[tilespmem:s29+$0x12C90] =	vst v1;
	v1 =	vmul.f32 $1.131370830e+01, v5;
	v5 =	vld [tilespmem:s29+$0x12D00]  }
0xf1: {  	[tilespmem:s29+$0x12CA0] =	vst v0;
	v0 =	vmul.f32 $1.131370830e+01, v2;
	v2 =	vld [tilespmem:s29+$0x12D10]  }
0xf2: {  	[tilespmem:s29+$0x12CB0] =	vst v1;
	v1 =	vmul.f32 $1.131370830e+01, v3;
	v3 =	vld [tilespmem:s29+$0x12D20]  }
0xf3: {  	[tilespmem:s29+$0x12CC0] =	vst v0;
	v0 =	vmul.f32 $1.131370830e+01, v4;
	v4 =	vld [tilespmem:s29+$0x12D30]  }
0xf4: {  	[tilespmem:s29+$0x12CD0] =	vst v1;
	v1 =	vmul.f32 $1.131370830e+01, v6;
	v6 =	vld [tilespmem:s29+$0x12D40]  }
0xf5: {  	[tilespmem:s29+$0x12CE0] =	vst v0;
	v0 =	vmul.f32 $1.131370830e+01, v5;
	v5 =	vld [tilespmem:s29+$0x12D50]  }
0xf6: {  	[tilespmem:s29+$0x12CF0] =	vst v1;
	v1 =	vmul.f32 $1.131370830e+01, v2;
	v2 =	vld [tilespmem:s29+$0x12D60]  }
0xf7: {  	[tilespmem:s29+$0x12D00] =	vst v0;
	v0 =	vmul.f32 $1.131370830e+01, v3;
	v3 =	vld [tilespmem:s29+$0x12D70]  }
0xf8: {  	[tilespmem:s29+$0x12D10] =	vst v1;
	v1 =	vmul.f32 $1.131370830e+01, v4;
	v4 =	vld [tilespmem:s29+$0x12D80]  }
0xf9: {  	[tilespmem:s29+$0x12D20] =	vst v0;
	v0 =	vmul.f32 $1.131370830e+01, v6;
	v7 =	vld [tilespmem:s29+$0x12D90]  }
.Ltmp2:
0xfa: {  	[tilespmem:s29+$0x12D30] =	vst v1;
	v5 =	vmul.f32 $1.131370830e+01, v5;
	v1 =	vld [tilespmem:s29+$0x12DA0];
	(pc) =	sbr.rel @p1 .LBB2_7-.Ltmp2, $4  }
0xfb: {  	[tilespmem:s29+$0x12D40] =	vst v0;
	v6 =	vmul.f32 $1.131370830e+01, v2;
	v0 =	vld [tilespmem:s29+$0x12DB0]  }
0xfc: {  	[tilespmem:s29+$0x12D50] =	vst v5;
	v5 =	vmul.f32 $1.131370830e+01, v3;
	v2 =	vld [tilespmem:s29+$0x12DC0]  }
0xfd: {  	[tilespmem:s29+$0x12D60] =	vst v6;
	v6 =	vmul.f32 $1.131370830e+01, v4;
	v3 =	vld [tilespmem:s29+$0x12DD0]  }
0xfe: {  	s30 =	sadd.s32 $0x800, s30;
	[tilespmem:s29+$0x12D70] =	vst v5;
	v5 =	vmul.f32 $1.131370830e+01, v7;
	v4 =	vld [tilespmem:s29+$0x12DE0]  }
0xff: {  	[tilespmem:s29+$0x12D80] =	vst v6;
	v1 =	vmul.f32 $1.131370830e+01, v1;
	v6 =	vld [tilespmem:s29+$0x12DF0]  }
0x100: {  	[tilespmem:s29+$0x12D90] =	vst v5;
	v0 =	vmul.f32 $1.131370830e+01, v0  }
0x101: {  	[tilespmem:s29+$0x12DA0] =	vst v1;
	v1 =	vmul.f32 $1.131370830e+01, v2  }
0x102: {  	s25 =	smul.u32 $0xC8, s25;
	[tilespmem:s29+$0x12DB0] =	vst v0;
	v0 =	vmul.f32 $1.131370830e+01, v3  }
0x103: {  	[tilespmem:s29+$0x12DC0] =	vst v1;
	v1 =	vmul.f32 $1.131370830e+01, v4  }
0x104: {  	s25 =	sadd.s32 s4, s25;
	[tilespmem:s29+$0x12DD0] =	vst v0;
	v0 =	vmul.f32 $1.131370830e+01, v6  }
0x105: {  	s25 =	sshll.u32 s25, $0x4;
	[tilespmem:s29+$0x12DE0] =	vst v1  }
0x106: {  	s25 =	sadd.s32 s3, s25;
	[tilespmem:s29+$0x12DF0] =	vst v0  }
0x107: {  	[hbm4b:s25+s5] =	stream.linear.scatter [tilespmem:s14], [sflag:$0x7], $0x6400, $0x38;
	[tilespmem:$0x1F400] =	vst v63  }
0x108: {  	_ =	swait.ge [sflag:s18], $0x6400  }
0x109: {  	[sflag:s18] =	ssyncset.done $0x0  }
0x10a: {  	s25 =	simm.s32 @!p0 $0x6;
	[sflag:s18] =	ssyncadd.s32 $0xFFFF9C00  }
0x10b: {  	_ =	swait.ge @!p0 [sflag:s25], $0x6400  }
0x10c: {  	s29 =	simm.s32 @!p0 $0xC800;
	[sflag:s25] =	ssyncset.done @!p0 $0x0  }
0x10d: {  	[sflag:s25] =	ssyncadd.s32 @!p0 $0xFFFF9C00;
	s25 =	sadd.s32 @!p0 $0x3E8, s28;
	s28 =	simm.s32 @!p0 $0xC8  }
0x10e: {  	[tilespmem:s29], [sflag:$0x2] =	stream.indirect.gather @!p0 [hbm4b:s1+s28], $0x80, s25, s28, $0xb8;
	[tilespmem:$0x1F400] =	vst v63  }
0x10f: {  	s25 =	simm.s32 $0x0  }
0x110: {  	v0 =	vld [tilespmem:s25+$0x19000]  }
0x111: {  	v1 =	vld [tilespmem:s25+$0x19010]  }
0x112: {  	v2 =	vld [tilespmem:s25+$0x19020]  }
0x113: {  	v3 =	vld [tilespmem:s25+$0x19030]  }
0x114: {  	v4 =	vld [tilespmem:s25+$0x19040]  }
0x115: {  	v5 =	vld [tilespmem:s25+$0x19050];
	v0 =	vmul.f32 $1.131370830e+01, v0  }
0x116: {  	v6 =	vld [tilespmem:s25+$0x19060];
	v1 =	vmul.f32 $1.131370830e+01, v1  }
0x117: {  	v2 =	vmul.f32 $1.131370830e+01, v2;
	[tilespmem:s25+$0x19000] =	vst v0;
	v0 =	vld [tilespmem:s25+$0x19070]  }
0x118: {  	v3 =	vmul.f32 $1.131370830e+01, v3;
	[tilespmem:s25+$0x19010] =	vst v1;
	v1 =	vld [tilespmem:s25+$0x19080]  }
0x119: {  	v4 =	vmul.f32 $1.131370830e+01, v4;
	[tilespmem:s25+$0x19020] =	vst v2;
	v2 =	vld [tilespmem:s25+$0x19090]  }
0x11a: {  	v5 =	vmul.f32 $1.131370830e+01, v5;
	[tilespmem:s25+$0x19030] =	vst v3;
	v3 =	vld [tilespmem:s25+$0x190A0]  }
0x11b: {  	v6 =	vmul.f32 $1.131370830e+01, v6;
	[tilespmem:s25+$0x19040] =	vst v4;
	v4 =	vld [tilespmem:s25+$0x190B0]  }
0x11c: {  	[tilespmem:s25+$0x19050] =	vst v5;
	v5 =	vld [tilespmem:s25+$0x190C0];
	v0 =	vmul.f32 $1.131370830e+01, v0  }
0x11d: {  	[tilespmem:s25+$0x19060] =	vst v6;
	v6 =	vld [tilespmem:s25+$0x190D0];
	v1 =	vmul.f32 $1.131370830e+01, v1  }
0x11e: {  	v2 =	vmul.f32 $1.131370830e+01, v2;
	[tilespmem:s25+$0x19070] =	vst v0;
	v0 =	vld [tilespmem:s25+$0x190E0]  }
0x11f: {  	v3 =	vmul.f32 $1.131370830e+01, v3;
	[tilespmem:s25+$0x19080] =	vst v1;
	v1 =	vld [tilespmem:s25+$0x190F0]  }
0x120: {  	v4 =	vmul.f32 $1.131370830e+01, v4;
	[tilespmem:s25+$0x19090] =	vst v2;
	v2 =	vld [tilespmem:s25+$0x19100]  }
0x121: {  	v5 =	vmul.f32 $1.131370830e+01, v5;
	[tilespmem:s25+$0x190A0] =	vst v3;
	v3 =	vld [tilespmem:s25+$0x19110]  }
0x122: {  	v6 =	vmul.f32 $1.131370830e+01, v6;
	[tilespmem:s25+$0x190B0] =	vst v4;
	v4 =	vld [tilespmem:s25+$0x19120]  }
0x123: {  	[tilespmem:s25+$0x190C0] =	vst v5;
	v5 =	vld [tilespmem:s25+$0x19130];
	v0 =	vmul.f32 $1.131370830e+01, v0  }
0x124: {  	[tilespmem:s25+$0x190D0] =	vst v6;
	v6 =	vld [tilespmem:s25+$0x19140]  }
0x125: {  	v1 =	vmul.f32 $1.131370830e+01, v1;
	[tilespmem:s25+$0x190E0] =	vst v0;
	v0 =	vld [tilespmem:s25+$0x19150]  }
0x126: {  	v2 =	vmul.f32 $1.131370830e+01, v2  }
0x127: {  	[tilespmem:s25+$0x190F0] =	vst v1;
	v1 =	vmul.f32 $1.131370830e+01, v3;
	v3 =	vld [tilespmem:s25+$0x19170]  }
0x128: {  	v7 =	vld [tilespmem:s25+$0x19160];
	[tilespmem:s25+$0x19100] =	vst v2;
	v2 =	vmul.f32 $1.131370830e+01, v4  }
0x129: {  	v4 =	vld [tilespmem:s25+$0x19180];
	[tilespmem:s25+$0x19110] =	vst v1;
	v1 =	vmul.f32 $1.131370830e+01, v5  }
0x12a: {  	[tilespmem:s25+$0x19120] =	vst v2;
	v5 =	vld [tilespmem:s25+$0x19190];
	v2 =	vmul.f32 $1.131370830e+01, v6;
	v6 =	vmul.f32 $1.131370830e+01, v0  }
0x12b: {  	[tilespmem:s25+$0x19130] =	vst v1;
	v1 =	vld [tilespmem:s25+$0x191A0]  }
0x12c: {  	v0 =	vld [tilespmem:s25+$0x191B0];
	[tilespmem:s25+$0x19150] =	vst v6;
	v6 =	vmul.f32 $1.131370830e+01, v3  }
0x12d: {  	v7 =	vmul.f32 $1.131370830e+01, v7;
	[tilespmem:s25+$0x19140] =	vst v2;
	v2 =	vld [tilespmem:s25+$0x191C0]  }
0x12e: {  	v3 =	vld [tilespmem:s25+$0x191D0];
	[tilespmem:s25+$0x19170] =	vst v6;
	v6 =	vmul.f32 $1.131370830e+01, v4  }
0x12f: {  	s28 =	simm.s32 $0x800;
	[tilespmem:s25+$0x19160] =	vst v7;
	v5 =	vmul.f32 $1.131370830e+01, v5;
	v4 =	vld [tilespmem:s25+$0x191E0]  }
.LBB2_9:
0x130: {  	s29 =	sshra.s32 s28, $0x2;
	p0 =	sne.s32 s28, $0x18800;
	[tilespmem:s25+$0x19180] =	vst v6;
	v1 =	vmul.f32 $1.131370830e+01, v1;
	v6 =	vld [tilespmem:s25+$0x191F0]  }
0x131: {  	v7 =	vld [tilespmem:s29+$0x19000];
	[tilespmem:s25+$0x19190] =	vst v5;
	v0 =	vmul.f32 $1.131370830e+01, v0  }
0x132: {  	v5 =	vld [tilespmem:s29+$0x19010];
	[tilespmem:s25+$0x191A0] =	vst v1;
	v1 =	vmul.f32 $1.131370830e+01, v2  }
0x133: {  	v2 =	vld [tilespmem:s29+$0x19020];
	[tilespmem:s25+$0x191B0] =	vst v0;
	v0 =	vmul.f32 $1.131370830e+01, v3  }
0x134: {  	v3 =	vld [tilespmem:s29+$0x19030];
	[tilespmem:s25+$0x191C0] =	vst v1;
	v1 =	vmul.f32 $1.131370830e+01, v4  }
0x135: {  	v4 =	vld [tilespmem:s29+$0x19040];
	[tilespmem:s25+$0x191D0] =	vst v0;
	v0 =	vmul.f32 $1.131370830e+01, v6  }
0x136: {  	v6 =	vmul.f32 $1.131370830e+01, v7;
	v7 =	vld [tilespmem:s29+$0x19050];
	[tilespmem:s25+$0x191E0] =	vst v1  }
0x137: {  	v1 =	vmul.f32 $1.131370830e+01, v5;
	v5 =	vld [tilespmem:s29+$0x19060];
	[tilespmem:s25+$0x191F0] =	vst v0;
	s25 =	smov.u32 s29  }
0x138: {  	[tilespmem:s25+$0x19000] =	vst v6;
	v0 =	vmul.f32 $1.131370830e+01, v2;
	v2 =	vld [tilespmem:s25+$0x19070]  }
0x139: {  	[tilespmem:s25+$0x19010] =	vst v1;
	v1 =	vmul.f32 $1.131370830e+01, v3;
	v3 =	vld [tilespmem:s25+$0x19080]  }
0x13a: {  	[tilespmem:s25+$0x19020] =	vst v0;
	v0 =	vmul.f32 $1.131370830e+01, v4;
	v4 =	vld [tilespmem:s25+$0x19090]  }
0x13b: {  	[tilespmem:s25+$0x19030] =	vst v1;
	v1 =	vmul.f32 $1.131370830e+01, v7;
	v6 =	vld [tilespmem:s25+$0x190A0]  }
0x13c: {  	[tilespmem:s25+$0x19040] =	vst v0;
	v0 =	vmul.f32 $1.131370830e+01, v5;
	v5 =	vld [tilespmem:s25+$0x190B0]  }
0x13d: {  	[tilespmem:s25+$0x19050] =	vst v1;
	v1 =	vmul.f32 $1.131370830e+01, v2;
	v2 =	vld [tilespmem:s25+$0x190C0]  }
0x13e: {  	[tilespmem:s25+$0x19060] =	vst v0;
	v0 =	vmul.f32 $1.131370830e+01, v3;
	v3 =	vld [tilespmem:s25+$0x190D0]  }
0x13f: {  	[tilespmem:s25+$0x19070] =	vst v1;
	v1 =	vmul.f32 $1.131370830e+01, v4;
	v4 =	vld [tilespmem:s25+$0x190E0]  }
0x140: {  	[tilespmem:s25+$0x19080] =	vst v0;
	v0 =	vmul.f32 $1.131370830e+01, v6;
	v6 =	vld [tilespmem:s25+$0x190F0]  }
0x141: {  	[tilespmem:s25+$0x19090] =	vst v1;
	v1 =	vmul.f32 $1.131370830e+01, v5;
	v5 =	vld [tilespmem:s25+$0x19100]  }
0x142: {  	[tilespmem:s25+$0x190A0] =	vst v0;
	v0 =	vmul.f32 $1.131370830e+01, v2;
	v2 =	vld [tilespmem:s25+$0x19110]  }
0x143: {  	[tilespmem:s25+$0x190B0] =	vst v1;
	v1 =	vmul.f32 $1.131370830e+01, v3;
	v3 =	vld [tilespmem:s25+$0x19120]  }
0x144: {  	[tilespmem:s25+$0x190C0] =	vst v0;
	v0 =	vmul.f32 $1.131370830e+01, v4;
	v4 =	vld [tilespmem:s25+$0x19130]  }
0x145: {  	[tilespmem:s25+$0x190D0] =	vst v1;
	v1 =	vmul.f32 $1.131370830e+01, v6;
	v6 =	vld [tilespmem:s25+$0x19140]  }
0x146: {  	[tilespmem:s25+$0x190E0] =	vst v0;
	v0 =	vmul.f32 $1.131370830e+01, v5;
	v5 =	vld [tilespmem:s25+$0x19150]  }
0x147: {  	[tilespmem:s25+$0x190F0] =	vst v1;
	v1 =	vmul.f32 $1.131370830e+01, v2;
	v2 =	vld [tilespmem:s25+$0x19160]  }
0x148: {  	[tilespmem:s25+$0x19100] =	vst v0;
	v0 =	vmul.f32 $1.131370830e+01, v3;
	v3 =	vld [tilespmem:s25+$0x19170]  }
0x149: {  	[tilespmem:s25+$0x19110] =	vst v1;
	v1 =	vmul.f32 $1.131370830e+01, v4;
	v4 =	vld [tilespmem:s25+$0x19180]  }
0x14a: {  	[tilespmem:s25+$0x19120] =	vst v0;
	v0 =	vmul.f32 $1.131370830e+01, v6;
	v7 =	vld [tilespmem:s25+$0x19190]  }
.Ltmp3:
0x14b: {  	[tilespmem:s25+$0x19130] =	vst v1;
	v5 =	vmul.f32 $1.131370830e+01, v5;
	v1 =	vld [tilespmem:s25+$0x191A0];
	(pc) =	sbr.rel @p0 .LBB2_9-.Ltmp3, $4  }
0x14c: {  	[tilespmem:s25+$0x19140] =	vst v0;
	v6 =	vmul.f32 $1.131370830e+01, v2;
	v0 =	vld [tilespmem:s25+$0x191B0]  }
0x14d: {  	[tilespmem:s25+$0x19150] =	vst v5;
	v5 =	vmul.f32 $1.131370830e+01, v3;
	v2 =	vld [tilespmem:s25+$0x191C0]  }
0x14e: {  	[tilespmem:s25+$0x19160] =	vst v6;
	v6 =	vmul.f32 $1.131370830e+01, v4;
	v3 =	vld [tilespmem:s25+$0x191D0]  }
0x14f: {  	s28 =	sadd.s32 $0x800, s28;
	[tilespmem:s25+$0x19170] =	vst v5;
	v5 =	vmul.f32 $1.131370830e+01, v7;
	v4 =	vld [tilespmem:s25+$0x191E0]  }
0x150: {  	[tilespmem:s25+$0x19180] =	vst v6;
	v1 =	vmul.f32 $1.131370830e+01, v1;
	v59 =	vld [tilespmem:s25+$0x191F0]  }
0x151: {  	[tilespmem:s25+$0x19190] =	vst v5;
	v0 =	vmul.f32 $1.131370830e+01, v0  }
0x152: {  	s24 =	sadd.s32 $0x1, s24;
	[tilespmem:s25+$0x191A0] =	vst v1;
	v60 =	vmul.f32 $1.131370830e+01, v2  }
0x153: {  	s26 =	smul.u32 $0xC8, s26;
	p0 =	sne.s32 s24, $0x20;
	[tilespmem:s25+$0x191B0] =	vst v0;
	v61 =	vmul.f32 $1.131370830e+01, v3  }
.Ltmp4:
0x154: {  	[tilespmem:s25+$0x191C0] =	vst v60;
	v62 =	vmul.f32 $1.131370830e+01, v4;
	(pc) =	sbr.rel @p0 .LBB2_2-.Ltmp4, $4  }
0x155: {  	s26 =	sadd.s32 s4, s26;
	[tilespmem:s25+$0x191D0] =	vst v61;
	v63 =	vmul.f32 $1.131370830e+01, v59  }
0x156: {  	s26 =	sshll.u32 s26, $0x4;
	[tilespmem:s25+$0x191E0] =	vst v62  }
0x157: {  	s31 =	sadd.s32 s3, s26;
	[tilespmem:s25+$0x191F0] =	vst v63  }
0x158: {  	[hbm4b:s31+s5] =	stream.linear.scatter [tilespmem:s16], [sflag:$0x8], $0x6400, $0x38;
	[tilespmem:$0x1F400] =	vst v63  }
0x159: {  	_ =	swait.ge [sflag:s19], $0x6400  }
0x15a: {  	[sflag:s19] =	ssyncset.done $0x0  }
0x15b: {  	[sflag:s19] =	ssyncadd.s32 $0xFFFF9C00  }
0x15c: {  	_ =	swait.ge [sflag:s20], $0x6400  }
0x15d: {  	[sflag:s20] =	ssyncset.done $0x0  }
0x15e: {  	s23 =	sadd.s32 $0x1, s23;
	[sflag:s20] =	ssyncadd.s32 $0xFFFF9C00  }
0x15f: {  	p0 =	sne.s32 s23, s8;
	_ =	swait.ge [sflag:s21], $0x6400  }
.Ltmp5:
0x160: {  	[sflag:s21] =	ssyncset.done $0x0;
	(pc) =	sbr.rel @p0 .LBB2_1-.Ltmp5, $4  }
0x161: {  	[sflag:s21] =	ssyncadd.s32 $0xFFFF9C00  }
0x162: {  	_ =	swait.ge [sflag:s22], $0x6400  }
0x163: {  	[sflag:s22] =	ssyncset.done $0x0  }
0x164: {  	[sflag:s22] =	ssyncadd.s32 $0xFFFF9C00  }
0x165: {  	_ =	sfence.sel $0x180000  }
0x166: {  	[bflag:$0x0] =	sbarrier.arrive $0xFFFF  }
0x167: {  	p0 =	sne.s32 s0, $0x0;
	_ =	strace $0x90000047  }
0x168: {  	s0 =	sadd.s32 @!p0 $0x100000, s2;
	[bflag:$0x2] =	sbarrier.arrive $0xFFFF  }
0x169: {  	[sflag:s0] =	ssyncadd.tile.s32 @!p0 $0x1;
	_ =	shalt  }
.Lfunc_end2:
_tile_overlayer_lowered:
.L_overlay_start_2:
0x16a: {  	(tag) =	ssettag $0x2  }
0x16b: {  	s0 =	rddreg [dreg:$0x0];
	s2 =	stileid.u32  }
0x16c: {  	s1 =	rddreg [dreg:$0x1];
	p0 =	sne.s32 s2, $0x0  }
0x16d: {  	s3 =	rddreg [dreg:$0x2];
	[bflag:$0x3] =	sbarrier.arrive $0xFFFF;
	s2 =	simm.s32 @!p0 $0x1C09  }
0x16e: {  	[timem:s3], [sflag:s2] =	dma.local @!p0 [hbm:s0], s1  }
0x16f: {  	s0 =	simm.s32 @!p0 $0x9  }
0x170: {  	_ =	swait.ge @!p0 [sflag:s0], s1  }
0x171: {  	s1 =	ssub.s32 @!p0 $0x0, s1;
	[sflag:s0] =	ssyncset.done @!p0 $0x0  }
0x172: {  	[sflag:s0] =	ssyncadd.s32 @!p0 s1  }
0x173: {  	[bflag:$0x3] =	sbarrier.arrive $0xFFFF  }
0x174: {  	_ =	shalt  }

</sc_bundles>
